<compile_context>
chip_gen: v7x
topology: tpu7x:2x2x1
jax: 0.10.2.dev20260603
libtpu: 0.0.44.dev20260713+nightly
codegen_flags: <defaults>
</compile_context>

<pallas_src>
import functools

import jax
import jax.numpy as jnp
from jax import lax
from jax.experimental import pallas as pl
from jax.experimental.pallas import tpu as pltpu
from jax.experimental.pallas import tpu_sc as plsc

NN = 10000
EE = 320000
GG = 64
NC, NS = 2, 16
NP = 10240
STRIPE = NP // NS
KC = 128
E2 = 327680
NROW = E2 // KC
BN = 400
NBLK = NN // BN

_f32 = jnp.float32



@functools.cache
def _make_deg():
    mesh = plsc.VectorSubcoreMesh(core_axis_name="c", subcore_axis_name="s",
                                  num_cores=NC, num_subcores=NS)
    return pl.kernel(
        _deg_body,
        out_type=jax.ShapeDtypeStruct((NC * NP, 128), _f32),
        mesh=mesh,
        scratch_types=[
            pltpu.VMEM((NROW // (NC * NS), KC), jnp.int32),
            pltpu.VMEM((KC, 128), _f32),
            pltpu.VMEM_SHARED((NP, 128), _f32),
        ],
    )


def _deg_body(dst2, ones_hbm, zeros_hbm, parts, dstv, onesv, deg_sp):
    c = lax.axis_index("c")
    s = lax.axis_index("s")
    rpt = NROW // (NC * NS)
    pltpu.sync_copy(dst2.at[pl.ds((c * NS + s) * rpt, rpt)], dstv)
    pltpu.sync_copy(ones_hbm, onesv)
    pltpu.sync_copy(zeros_hbm.at[pl.ds(s * STRIPE, STRIPE)],
                    deg_sp.at[pl.ds(s * STRIPE, STRIPE)])
    plsc.subcore_barrier()

    def body(j, carry):
        pltpu.sync_copy(onesv, deg_sp.at[dstv.at[j]], add=True)
        return carry

    lax.fori_loop(0, rpt, body, 0)
    plsc.subcore_barrier()
    pltpu.sync_copy(deg_sp.at[pl.ds(s * STRIPE, STRIPE)],
                    parts.at[pl.ds(c * NP + s * STRIPE, STRIPE)])




@functools.cache
def _make_agg():
    mesh = plsc.VectorSubcoreMesh(core_axis_name="c", subcore_axis_name="s",
                                  num_cores=NC, num_subcores=NS)
    return pl.kernel(
        _agg_body,
        out_type=jax.ShapeDtypeStruct((NC * NP, 128), _f32),
        mesh=mesh,
        scratch_types=[
            pltpu.VMEM((KC,), jnp.int32),
            pltpu.VMEM((KC,), jnp.int32),
            pltpu.VMEM((KC,), jnp.int32),
            pltpu.VMEM((KC,), jnp.int32),
            pltpu.VMEM((KC, 128), _f32),
            pltpu.VMEM((KC, 128), _f32),
            pltpu.VMEM_SHARED((NP, 128), _f32),
            pltpu.SemaphoreType.DMA,
            pltpu.SemaphoreType.DMA,
            pltpu.SemaphoreType.DMA,
            pltpu.SemaphoreType.DMA,
        ],
    )


def _agg_body(g, src2, dst2, zeros_hbm, acc, src0, src1, dst0, dst1, rows0,
              rows1, acc_sp, semi0, semi1, semg0, semg1):
    c = lax.axis_index("c")
    s = lax.axis_index("s")
    rpt = NROW // NS
    srow = c * NROW + s * rpt
    drow = s * rpt
    pltpu.sync_copy(zeros_hbm.at[pl.ds(s * STRIPE, STRIPE)],
                    acc_sp.at[pl.ds(s * STRIPE, STRIPE)])
    plsc.subcore_barrier()
    srcb = (src0, src1)
    dstb = (dst0, dst1)
    rows = (rows0, rows1)
    semi = (semi0, semi1)
    semg = (semg0, semg1)

    def idx_load(j, b):
        pltpu.async_copy(src2.at[srow + j], srcb[b], semi[b])
        pltpu.async_copy(dst2.at[drow + j], dstb[b], semi[b])

    def idx_wait(b):
        pltpu.make_async_copy(src2.at[0], srcb[b], semi[b]).wait()
        pltpu.make_async_copy(dst2.at[0], dstb[b], semi[b]).wait()

    idx_load(0, 0)
    idx_wait(0)
    pltpu.async_copy(g.at[src0], rows0, semg0)
    idx_load(1, 1)

    def body(t, carry):
        for b in range(2):
            j = 2 * t + b
            nb = 1 - b

            @pl.when(j + 1 < rpt)
            def _():
                idx_wait(nb)
                pltpu.async_copy(g.at[srcb[nb]], rows[nb], semg[nb])

            pltpu.make_async_copy(g.at[srcb[b]], rows[b], semg[b]).wait()
            pltpu.sync_copy(rows[b], acc_sp.at[dstb[b]], add=True)

            @pl.when(j + 2 < rpt)
            def _():
                idx_load(j + 2, b)

        return carry

    lax.fori_loop(0, rpt // 2, body, 0)
    plsc.subcore_barrier()
    pltpu.sync_copy(acc_sp.at[pl.ds(s * STRIPE, STRIPE)],
                    acc.at[pl.ds(c * NP + s * STRIPE, STRIPE)])




def _mm1_body(parts_ref, x_ref, w_ref, g_ref, dis_ref):
    deg = parts_ref[0, :, 0:1] + parts_ref[1, :, 0:1] + 1.0
    dis = lax.rsqrt(deg)
    dis_ref[...] = dis
    t = jnp.dot(x_ref[...], w_ref[...], preferred_element_type=_f32)
    gt = t * dis
    g_ref[0] = gt[:, :128]
    g_ref[1] = gt[:, 128:]


def _mm1(parts, x, w1):
    return pl.pallas_call(
        _mm1_body,
        grid=(NBLK,),
        in_specs=[
            pl.BlockSpec((NC, BN, 128), lambda i: (0, i, 0)),
            pl.BlockSpec((BN, 128), lambda i: (i, 0)),
            pl.BlockSpec((128, 256), lambda i: (0, 0)),
        ],
        out_specs=[
            pl.BlockSpec((NC, BN, 128), lambda i: (0, i, 0)),
            pl.BlockSpec((BN, 1), lambda i: (i, 0)),
        ],
        out_shape=[
            jax.ShapeDtypeStruct((NC, NP, 128), _f32),
            jax.ShapeDtypeStruct((NN, 1), _f32),
        ],
    )(parts, x, w1)


def _combine_body(acc_ref, g_ref, dis_ref, b_ref, w_ref, gout_ref):
    h = jnp.concatenate([acc_ref[0] + g_ref[0], acc_ref[1] + g_ref[1]], axis=1)
    h = jnp.maximum(h * dis_ref[...] + b_ref[...], 0.0)
    t = jnp.dot(h, w_ref[...], preferred_element_type=_f32)
    gt = t * dis_ref[...]
    gout_ref[0] = gt[:, :128]
    gout_ref[1] = gt[:, 128:]


def _combine(acc, g, dis, b, w):
    return pl.pallas_call(
        _combine_body,
        grid=(NBLK,),
        in_specs=[
            pl.BlockSpec((NC, BN, 128), lambda i: (0, i, 0)),
            pl.BlockSpec((NC, BN, 128), lambda i: (0, i, 0)),
            pl.BlockSpec((BN, 1), lambda i: (i, 0)),
            pl.BlockSpec((1, 256), lambda i: (0, 0)),
            pl.BlockSpec((256, 256), lambda i: (0, 0)),
        ],
        out_specs=pl.BlockSpec((NC, BN, 128), lambda i: (0, i, 0)),
        out_shape=jax.ShapeDtypeStruct((NC, NP, 128), _f32),
    )(acc, g, dis, b, w)


def _pool_body(acc_ref, g_ref, dis_ref, b_ref, batch_ref, wl_ref, bl_ref,
               emb_ref, logits_ref, sums_ref, counts_ref):
    i = pl.program_id(0)
    e = jnp.concatenate([acc_ref[0] + g_ref[0], acc_ref[1] + g_ref[1]], axis=1)
    e = e * dis_ref[...] + b_ref[...]
    emb_ref[...] = e
    m = (batch_ref[...] ==
         lax.broadcasted_iota(jnp.int32, (1, GG), 1)).astype(_f32)
    part_sums = lax.dot_general(m, e, (((0,), (0,)), ((), ())),
                                preferred_element_type=_f32)
    part_counts = lax.dot_general(m, jnp.ones((BN, 128), _f32),
                                  (((0,), (0,)), ((), ())),
                                  preferred_element_type=_f32)

    @pl.when(i == 0)
    def _():
        sums_ref[...] = jnp.zeros_like(sums_ref)
        counts_ref[...] = jnp.zeros_like(counts_ref)

    sums_ref[...] += part_sums
    counts_ref[...] += part_counts

    @pl.when(i == NBLK - 1)
    def _():
        pooled = sums_ref[...] / jnp.maximum(counts_ref[...][:, 0:1], 1.0)
        logits_ref[...] = (jnp.dot(pooled, wl_ref[...],
                                   preferred_element_type=_f32) + bl_ref[...])


def _pool(acc, g, dis, b3, batch2d, wl, bl):
    return pl.pallas_call(
        _pool_body,
        grid=(NBLK,),
        in_specs=[
            pl.BlockSpec((NC, BN, 128), lambda i: (0, i, 0)),
            pl.BlockSpec((NC, BN, 128), lambda i: (0, i, 0)),
            pl.BlockSpec((BN, 1), lambda i: (i, 0)),
            pl.BlockSpec((1, 256), lambda i: (0, 0)),
            pl.BlockSpec((BN, 1), lambda i: (i, 0)),
            pl.BlockSpec((256, 2), lambda i: (0, 0)),
            pl.BlockSpec((1, 2), lambda i: (0, 0)),
        ],
        out_specs=[
            pl.BlockSpec((BN, 256), lambda i: (i, 0)),
            pl.BlockSpec((GG, 2), lambda i: (0, 0)),
        ],
        out_shape=[
            jax.ShapeDtypeStruct((NN, 256), _f32),
            jax.ShapeDtypeStruct((GG, 2), _f32),
        ],
        scratch_shapes=[
            pltpu.VMEM((GG, 256), _f32),
            pltpu.VMEM((GG, 128), _f32),
        ],
    )(acc, g, dis, b3, batch2d, wl, bl)




def kernel(x, edge_index, batch, W1, b1, W2, b2, W3, b3, Wl, bl):
    zeros128 = jnp.zeros((NP, 128), _f32)
    ones128 = jnp.ones((KC, 128), _f32)

    pad = E2 - EE
    src_pad = jnp.concatenate([edge_index[0], jnp.zeros((pad,), jnp.int32)])
    dst_pad = jnp.concatenate(
        [edge_index[1], jnp.full((pad,), NP - 1, jnp.int32)])
    src2 = jnp.concatenate([src_pad, src_pad + NP]).reshape(2 * NROW, KC)
    dst2 = dst_pad.reshape(NROW, KC)
    deg_k = _make_deg()
    agg_k = _make_agg()
    parts = deg_k(dst2, ones128, zeros128).reshape(NC, NP, 128)
    g1, dis = _mm1(parts, x, W1)
    a1 = agg_k(g1.reshape(NC * NP, 128), src2, dst2, zeros128)
    g2 = _combine(a1.reshape(NC, NP, 128), g1, dis, b1.reshape(1, -1), W2)
    a2 = agg_k(g2.reshape(NC * NP, 128), src2, dst2, zeros128)
    g3 = _combine(a2.reshape(NC, NP, 128), g2, dis, b2.reshape(1, -1), W3)
    a3 = agg_k(g3.reshape(NC * NP, 128), src2, dst2, zeros128)
    emb, logits = _pool(a3.reshape(NC, NP, 128), g3, dis, b3.reshape(1, -1),
                        batch.reshape(-1, 1), Wl, bl.reshape(1, -1))
    return (logits, emb)

# --- scband reference (transcript-rebuilt; emitter-appended) ---
"""Pipeline reference for scband-gcn-18906446037044 (READ-ONLY COPY).

The authoritative reference and input builder live on the scoring server;
editing this copy changes nothing except your own understanding.
"""

import jax, jax.numpy as jnp
import numpy as np

N = 10000
E = 320000
G = 64
D_IN = 128
D_H = 256
D_OUT = 2


def setup_inputs(seed: int = 0):
    key = jax.random.key(seed)
    ks = jax.random.split(key, 8)
    inp = {}
    inp["x"] = jax.random.normal(ks[0], (N, D_IN), dtype=jnp.float32)
    inp["edge_index"] = jax.random.randint(ks[1], (2, E), 0, N, dtype=jnp.int32)
    inp["batch"] = jnp.sort(jax.random.randint(ks[2], (N,), 0, G, dtype=jnp.int32))
    inp["W1"] = jax.random.normal(ks[3], (D_IN, D_H), dtype=jnp.float32) * 0.05
    inp["b1"] = jnp.zeros((D_H,), dtype=jnp.float32)
    inp["W2"] = jax.random.normal(ks[4], (D_H, D_H), dtype=jnp.float32) * 0.05
    inp["b2"] = jnp.zeros((D_H,), dtype=jnp.float32)
    inp["W3"] = jax.random.normal(ks[5], (D_H, D_H), dtype=jnp.float32) * 0.05
    inp["b3"] = jnp.zeros((D_H,), dtype=jnp.float32)
    inp["Wl"] = jax.random.normal(ks[6], (D_H, D_OUT), dtype=jnp.float32) * 0.05
    inp["bl"] = jnp.zeros((D_OUT,), dtype=jnp.float32)
    return inp


def _gcn_conv(h, src, dst, norm, W, b):
    # PyG GCNConv: h' = D^{-1/2} (A + I) D^{-1/2} (h W) + b
    h = h @ W
    msg = h[src] * norm[:, None]
    out = jnp.zeros_like(h).at[dst].add(msg)
    return out + b


def reference(x, edge_index, batch, W1, b1, W2, b2, W3, b3, Wl, bl):
    loop = jnp.arange(N, dtype=edge_index.dtype)
    src = jnp.concatenate([edge_index[0], loop])
    dst = jnp.concatenate([edge_index[1], loop])
    deg = jnp.zeros((N,), dtype=x.dtype).at[dst].add(1.0)
    dis = jnp.where(deg > 0, deg ** -0.5, 0.0)
    norm = dis[src] * dis[dst]
    h = jax.nn.relu(_gcn_conv(x, src, dst, norm, W1, b1))
    h = jax.nn.relu(_gcn_conv(h, src, dst, norm, W2, b2))
    emb = _gcn_conv(h, src, dst, norm, W3, b3)
    # global_mean_pool over batch segment ids
    sums = jnp.zeros((G, emb.shape[1]), dtype=emb.dtype).at[batch].add(emb)
    counts = jnp.zeros((G,), dtype=emb.dtype).at[batch].add(1.0)
    pooled = sums / jnp.maximum(counts, 1.0)[:, None]
    # dropout p=0.5 is identity in eval mode
    logits = pooled @ Wl + bl
    return (logits, emb)

if __name__ == "__main__":
    import jax
    _d = setup_inputs()
    print(jax.jit(kernel)(*tuple(_d.values())))

</pallas_src>

<mosaic_0001>
#map = affine_map<(d0, d1) -> (0, 0)>
module attributes {stable_mosaic.version = 14 : i64} {
  func.func @_agg_body(%arg0: i32, %arg1: i32, %arg2: memref<20480x128xf32, #tpu.memory_space<hbm>>, %arg3: memref<5120x128xi32, #tpu.memory_space<hbm>>, %arg4: memref<2560x128xi32, #tpu.memory_space<hbm>>, %arg5: memref<10240x128xf32, #tpu.memory_space<hbm>>, %arg6: memref<20480x128xf32, #tpu.memory_space<hbm>>, %arg7: memref<128xi32, #tpu.memory_space<vmem>>, %arg8: memref<128xi32, #tpu.memory_space<vmem>>, %arg9: memref<128xi32, #tpu.memory_space<vmem>>, %arg10: memref<128xi32, #tpu.memory_space<vmem>>, %arg11: memref<128x128xf32, #tpu.memory_space<vmem>>, %arg12: memref<128x128xf32, #tpu.memory_space<vmem>>, %arg13: memref<10240x128xf32, #tpu.memory_space<vmem_shared>>, %arg14: memref<!tpu.dma_semaphore, #tpu.memory_space<semaphore_mem>>, %arg15: memref<!tpu.dma_semaphore, #tpu.memory_space<semaphore_mem>>, %arg16: memref<!tpu.dma_semaphore, #tpu.memory_space<semaphore_mem>>, %arg17: memref<!tpu.dma_semaphore, #tpu.memory_space<semaphore_mem>>) attributes {dimension_semantics = [#tpu.dimension_semantics<core_parallel>, #tpu.dimension_semantics<subcore_parallel>], iteration_bounds = array<i64: 2, 16>, scalar_prefetch = 0 : i64, scratch_operands = 11 : i64, tpu.core_type = #tpu.core_type<sc_vector_subcore>, window_params = [{transform_indices = #map}, {transform_indices = #map}, {transform_indices = #map}, {transform_indices = #map}, {transform_indices = #map}]} {
    %mul3A = arith.constant 2560 : i32
    %mul3A_0 = arith.muli %arg0, %mul3A : i32
    %mul3A_1 = arith.constant 160 : i32
    %mul3A_2 = arith.muli %arg1, %mul3A_1 : i32
    %add3A = arith.addi %mul3A_0, %mul3A_2 : i32
    %mul3A_3 = arith.constant 160 : i32
    %mul3A_4 = arith.muli %arg1, %mul3A_3 : i32
    %mul3A_5 = arith.constant 640 : i32
    %mul3A_6 = arith.muli %arg1, %mul3A_5 : i32
    %mul3A_7 = arith.constant 640 : i32
    %mul3A_8 = arith.muli %arg1, %mul3A_7 : i32
    "tpu.region"() ({
      %run_scoped3A = tpu.sem_alloc : memref<!tpu.dma_semaphore, #tpu.memory_space<semaphore_mem>>
      %dma_start3A_69 = arith.constant 0 : i32
      %dma_start3A_70 = tpu.memref_slice %arg13[%mul3A_8, %dma_start3A_69] : memref<10240x128xf32, #tpu.memory_space<vmem_shared>> -> memref<640x128xf32, #tpu.memory_space<vmem_shared>>
      %dma_start3A_71 = arith.constant 0 : i32
      %dma_start3A_72 = tpu.memref_slice %arg5[%mul3A_6, %dma_start3A_71] : memref<10240x128xf32, #tpu.memory_space<hbm>> -> memref<640x128xf32, #tpu.memory_space<hbm>>
      tpu.enqueue_dma source(%dma_start3A_72 : memref<640x128xf32, #tpu.memory_space<hbm>>) target(%dma_start3A_70 : memref<640x128xf32, #tpu.memory_space<vmem_shared>>) target_semaphore(%run_scoped3A : memref<!tpu.dma_semaphore, #tpu.memory_space<semaphore_mem>>)
      %dma_wait3A_73 = arith.constant 0 : i32
      %dma_wait3A_74 = tpu.memref_slice %arg13[%mul3A_8, %dma_wait3A_73] : memref<10240x128xf32, #tpu.memory_space<vmem_shared>> -> memref<640x128xf32, #tpu.memory_space<vmem_shared>>
      %dma_wait3A_75 = arith.constant 0 : i32
      %dma_wait3A_76 = tpu.memref_slice %arg5[%mul3A_6, %dma_wait3A_75] : memref<10240x128xf32, #tpu.memory_space<hbm>> -> memref<640x128xf32, #tpu.memory_space<hbm>>
      tpu.wait_dma2 semaphore(%run_scoped3A : memref<!tpu.dma_semaphore, #tpu.memory_space<semaphore_mem>>) src(%dma_wait3A_76 : memref<640x128xf32, #tpu.memory_space<hbm>>) dst(%dma_wait3A_74 : memref<640x128xf32, #tpu.memory_space<vmem_shared>>)
      tpu.yield
    }) : () -> ()
    %barrier3A = arith.constant 0 : index
    tpu.barrier barrier_id(%barrier3A)
    %add3A_9 = arith.constant 0 : i32
    %add3A_10 = arith.addi %add3A, %add3A_9 : i32
    %dma_start3A = arith.constant 0 : i32
    %dma_start3A_11 = tpu.memref_slice %arg3[%add3A_10, %dma_start3A] : memref<5120x128xi32, #tpu.memory_space<hbm>> -> memref<1x128xi32, #tpu.memory_space<hbm>>
    %dma_start3A_12 = tpu.memref_squeeze %dma_start3A_11 : memref<1x128xi32, #tpu.memory_space<hbm>> -> memref<128xi32, #tpu.memory_space<hbm>>
    %dma_start3A_13 = arith.constant 0 : i32
    %dma_start3A_14 = tpu.memref_slice %arg3[%add3A_10, %dma_start3A_13] : memref<5120x128xi32, #tpu.memory_space<hbm>> -> memref<1x128xi32, #tpu.memory_space<hbm>>
    %dma_start3A_15 = tpu.memref_squeeze %dma_start3A_14 : memref<1x128xi32, #tpu.memory_space<hbm>> -> memref<128xi32, #tpu.memory_space<hbm>>
    tpu.enqueue_dma source(%dma_start3A_15 : memref<128xi32, #tpu.memory_space<hbm>>) target(%arg7 : memref<128xi32, #tpu.memory_space<vmem>>) target_semaphore(%arg14 : memref<!tpu.dma_semaphore, #tpu.memory_space<semaphore_mem>>)
    %add3A_16 = arith.constant 0 : i32
    %add3A_17 = arith.addi %mul3A_4, %add3A_16 : i32
    %dma_start3A_18 = arith.constant 0 : i32
    %dma_start3A_19 = tpu.memref_slice %arg4[%add3A_17, %dma_start3A_18] : memref<2560x128xi32, #tpu.memory_space<hbm>> -> memref<1x128xi32, #tpu.memory_space<hbm>>
    %dma_start3A_20 = tpu.memref_squeeze %dma_start3A_19 : memref<1x128xi32, #tpu.memory_space<hbm>> -> memref<128xi32, #tpu.memory_space<hbm>>
    %dma_start3A_21 = arith.constant 0 : i32
    %dma_start3A_22 = tpu.memref_slice %arg4[%add3A_17, %dma_start3A_21] : memref<2560x128xi32, #tpu.memory_space<hbm>> -> memref<1x128xi32, #tpu.memory_space<hbm>>
    %dma_start3A_23 = tpu.memref_squeeze %dma_start3A_22 : memref<1x128xi32, #tpu.memory_space<hbm>> -> memref<128xi32, #tpu.memory_space<hbm>>
    tpu.enqueue_dma source(%dma_start3A_23 : memref<128xi32, #tpu.memory_space<hbm>>) target(%arg9 : memref<128xi32, #tpu.memory_space<vmem>>) target_semaphore(%arg14 : memref<!tpu.dma_semaphore, #tpu.memory_space<semaphore_mem>>)
    %dma_wait3A = arith.constant 0 : i32
    %dma_wait3A_24 = arith.constant 0 : i32
    %dma_wait3A_25 = tpu.memref_slice %arg3[%dma_wait3A, %dma_wait3A_24] : memref<5120x128xi32, #tpu.memory_space<hbm>> -> memref<1x128xi32, #tpu.memory_space<hbm>>
    %dma_wait3A_26 = tpu.memref_squeeze %dma_wait3A_25 : memref<1x128xi32, #tpu.memory_space<hbm>> -> memref<128xi32, #tpu.memory_space<hbm>>
    %dma_wait3A_27 = arith.constant 0 : i32
    %dma_wait3A_28 = tpu.memref_slice %arg3[%dma_wait3A, %dma_wait3A_27] : memref<5120x128xi32, #tpu.memory_space<hbm>> -> memref<1x128xi32, #tpu.memory_space<hbm>>
    %dma_wait3A_29 = tpu.memref_squeeze %dma_wait3A_28 : memref<1x128xi32, #tpu.memory_space<hbm>> -> memref<128xi32, #tpu.memory_space<hbm>>
    tpu.wait_dma2 semaphore(%arg14 : memref<!tpu.dma_semaphore, #tpu.memory_space<semaphore_mem>>) src(%dma_wait3A_29 : memref<128xi32, #tpu.memory_space<hbm>>) dst(%arg7 : memref<128xi32, #tpu.memory_space<vmem>>)
    %dma_wait3A_30 = arith.constant 0 : i32
    %dma_wait3A_31 = arith.constant 0 : i32
    %dma_wait3A_32 = tpu.memref_slice %arg4[%dma_wait3A_30, %dma_wait3A_31] : memref<2560x128xi32, #tpu.memory_space<hbm>> -> memref<1x128xi32, #tpu.memory_space<hbm>>
    %dma_wait3A_33 = tpu.memref_squeeze %dma_wait3A_32 : memref<1x128xi32, #tpu.memory_space<hbm>> -> memref<128xi32, #tpu.memory_space<hbm>>
    %dma_wait3A_34 = arith.constant 0 : i32
    %dma_wait3A_35 = tpu.memref_slice %arg4[%dma_wait3A_30, %dma_wait3A_34] : memref<2560x128xi32, #tpu.memory_space<hbm>> -> memref<1x128xi32, #tpu.memory_space<hbm>>
    %dma_wait3A_36 = tpu.memref_squeeze %dma_wait3A_35 : memref<1x128xi32, #tpu.memory_space<hbm>> -> memref<128xi32, #tpu.memory_space<hbm>>
    tpu.wait_dma2 semaphore(%arg14 : memref<!tpu.dma_semaphore, #tpu.memory_space<semaphore_mem>>) src(%dma_wait3A_36 : memref<128xi32, #tpu.memory_space<hbm>>) dst(%arg9 : memref<128xi32, #tpu.memory_space<vmem>>)
    %dma_start3A_37 = arith.constant 0 : i32
    %dma_start3A_38 = arith.constant 0 : i32
    %dma_start3A_39 = tpu.memref_slice %arg2[%dma_start3A_37, %dma_start3A_38] : memref<20480x128xf32, #tpu.memory_space<hbm>> -> memref<20480x128xf32, #tpu.memory_space<hbm>>
    tpu.enqueue_indirect_dma source(%dma_start3A_39 : memref<20480x128xf32, #tpu.memory_space<hbm>>) target(%arg11 : memref<128x128xf32, #tpu.memory_space<vmem>>) offsets(%arg7 : memref<128xi32, #tpu.memory_space<vmem>>) semaphore(%arg16 : memref<!tpu.dma_semaphore, #tpu.memory_space<semaphore_mem>>)
    %add3A_40 = arith.constant 1 : i32
    %add3A_41 = arith.addi %add3A, %add3A_40 : i32
    %dma_start3A_42 = arith.constant 0 : i32
    %dma_start3A_43 = tpu.memref_slice %arg3[%add3A_41, %dma_start3A_42] : memref<5120x128xi32, #tpu.memory_space<hbm>> -> memref<1x128xi32, #tpu.memory_space<hbm>>
    %dma_start3A_44 = tpu.memref_squeeze %dma_start3A_43 : memref<1x128xi32, #tpu.memory_space<hbm>> -> memref<128xi32, #tpu.memory_space<hbm>>
    %dma_start3A_45 = arith.constant 0 : i32
    %dma_start3A_46 = tpu.memref_slice %arg3[%add3A_41, %dma_start3A_45] : memref<5120x128xi32, #tpu.memory_space<hbm>> -> memref<1x128xi32, #tpu.memory_space<hbm>>
    %dma_start3A_47 = tpu.memref_squeeze %dma_start3A_46 : memref<1x128xi32, #tpu.memory_space<hbm>> -> memref<128xi32, #tpu.memory_space<hbm>>
    tpu.enqueue_dma source(%dma_start3A_47 : memref<128xi32, #tpu.memory_space<hbm>>) target(%arg8 : memref<128xi32, #tpu.memory_space<vmem>>) target_semaphore(%arg15 : memref<!tpu.dma_semaphore, #tpu.memory_space<semaphore_mem>>)
    %add3A_48 = arith.constant 1 : i32
    %add3A_49 = arith.addi %mul3A_4, %add3A_48 : i32
    %dma_start3A_50 = arith.constant 0 : i32
    %dma_start3A_51 = tpu.memref_slice %arg4[%add3A_49, %dma_start3A_50] : memref<2560x128xi32, #tpu.memory_space<hbm>> -> memref<1x128xi32, #tpu.memory_space<hbm>>
    %dma_start3A_52 = tpu.memref_squeeze %dma_start3A_51 : memref<1x128xi32, #tpu.memory_space<hbm>> -> memref<128xi32, #tpu.memory_space<hbm>>
    %dma_start3A_53 = arith.constant 0 : i32
    %dma_start3A_54 = tpu.memref_slice %arg4[%add3A_49, %dma_start3A_53] : memref<2560x128xi32, #tpu.memory_space<hbm>> -> memref<1x128xi32, #tpu.memory_space<hbm>>
    %dma_start3A_55 = tpu.memref_squeeze %dma_start3A_54 : memref<1x128xi32, #tpu.memory_space<hbm>> -> memref<128xi32, #tpu.memory_space<hbm>>
    tpu.enqueue_dma source(%dma_start3A_55 : memref<128xi32, #tpu.memory_space<hbm>>) target(%arg10 : memref<128xi32, #tpu.memory_space<vmem>>) target_semaphore(%arg15 : memref<!tpu.dma_semaphore, #tpu.memory_space<semaphore_mem>>)
    %scan3A = arith.constant 0 : i32
    %scan3A_56 = arith.constant 0 : i32
    %scan3A_57 = arith.constant 80 : i32
    %scan3A_58 = arith.addi %scan3A_56, %scan3A_57 : i32
    %scan3A_59 = arith.constant 1 : i32
    scf.for %scan3A_69 = %scan3A_56 to %scan3A_58 step %scan3A_59  : i32 {
      %mul3A_70 = arith.constant 2 : i32
      %mul3A_71 = arith.muli %mul3A_70, %scan3A_69 : i32
      %add3A_72 = arith.constant 0 : i32
      %add3A_73 = arith.addi %mul3A_71, %add3A_72 : i32
      %add3A_74 = arith.constant 1 : i32
      %add3A_75 = arith.addi %add3A_73, %add3A_74 : i32
      %lt3A = arith.constant 160 : i32
      %lt3A_76 = arith.cmpi slt, %add3A_75, %lt3A : i32
      %convert_element_type3A = arith.extui %lt3A_76 : i1 to i32
      %cond3A = arith.constant 0 : i32
      %cond3A_77 = arith.cmpi ne, %convert_element_type3A, %cond3A : i32
      scf.if %cond3A_77 {
        %dma_wait3A_109 = arith.constant 0 : i32
        %dma_wait3A_110 = arith.constant 0 : i32
        %dma_wait3A_111 = tpu.memref_slice %arg3[%dma_wait3A_109, %dma_wait3A_110] : memref<5120x128xi32, #tpu.memory_space<hbm>> -> memref<1x128xi32, #tpu.memory_space<hbm>>
        %dma_wait3A_112 = tpu.memref_squeeze %dma_wait3A_111 : memref<1x128xi32, #tpu.memory_space<hbm>> -> memref<128xi32, #tpu.memory_space<hbm>>
        %dma_wait3A_113 = arith.constant 0 : i32
        %dma_wait3A_114 = tpu.memref_slice %arg3[%dma_wait3A_109, %dma_wait3A_113] : memref<5120x128xi32, #tpu.memory_space<hbm>> -> memref<1x128xi32, #tpu.memory_space<hbm>>
        %dma_wait3A_115 = tpu.memref_squeeze %dma_wait3A_114 : memref<1x128xi32, #tpu.memory_space<hbm>> -> memref<128xi32, #tpu.memory_space<hbm>>
        tpu.wait_dma2 semaphore(%arg15 : memref<!tpu.dma_semaphore, #tpu.memory_space<semaphore_mem>>) src(%dma_wait3A_115 : memref<128xi32, #tpu.memory_space<hbm>>) dst(%arg8 : memref<128xi32, #tpu.memory_space<vmem>>)
        %dma_wait3A_116 = arith.constant 0 : i32
        %dma_wait3A_117 = arith.constant 0 : i32
        %dma_wait3A_118 = tpu.memref_slice %arg4[%dma_wait3A_116, %dma_wait3A_117] : memref<2560x128xi32, #tpu.memory_space<hbm>> -> memref<1x128xi32, #tpu.memory_space<hbm>>
        %dma_wait3A_119 = tpu.memref_squeeze %dma_wait3A_118 : memref<1x128xi32, #tpu.memory_space<hbm>> -> memref<128xi32, #tpu.memory_space<hbm>>
        %dma_wait3A_120 = arith.constant 0 : i32
        %dma_wait3A_121 = tpu.memref_slice %arg4[%dma_wait3A_116, %dma_wait3A_120] : memref<2560x128xi32, #tpu.memory_space<hbm>> -> memref<1x128xi32, #tpu.memory_space<hbm>>
        %dma_wait3A_122 = tpu.memref_squeeze %dma_wait3A_121 : memref<1x128xi32, #tpu.memory_space<hbm>> -> memref<128xi32, #tpu.memory_space<hbm>>
        tpu.wait_dma2 semaphore(%arg15 : memref<!tpu.dma_semaphore, #tpu.memory_space<semaphore_mem>>) src(%dma_wait3A_122 : memref<128xi32, #tpu.memory_space<hbm>>) dst(%arg10 : memref<128xi32, #tpu.memory_space<vmem>>)
        %dma_start3A_123 = arith.constant 0 : i32
        %dma_start3A_124 = arith.constant 0 : i32
        %dma_start3A_125 = tpu.memref_slice %arg2[%dma_start3A_123, %dma_start3A_124] : memref<20480x128xf32, #tpu.memory_space<hbm>> -> memref<20480x128xf32, #tpu.memory_space<hbm>>
        tpu.enqueue_indirect_dma source(%dma_start3A_125 : memref<20480x128xf32, #tpu.memory_space<hbm>>) target(%arg12 : memref<128x128xf32, #tpu.memory_space<vmem>>) offsets(%arg8 : memref<128xi32, #tpu.memory_space<vmem>>) semaphore(%arg17 : memref<!tpu.dma_semaphore, #tpu.memory_space<semaphore_mem>>)
      } else {
      }
      %dma_wait3A_78 = arith.constant 0 : i32
      %dma_wait3A_79 = arith.constant 0 : i32
      %dma_wait3A_80 = tpu.memref_slice %arg2[%dma_wait3A_78, %dma_wait3A_79] : memref<20480x128xf32, #tpu.memory_space<hbm>> -> memref<20480x128xf32, #tpu.memory_space<hbm>>
      tpu.wait_indirect_dma semaphore(%arg16 : memref<!tpu.dma_semaphore, #tpu.memory_space<semaphore_mem>>) src(%dma_wait3A_80 : memref<20480x128xf32, #tpu.memory_space<hbm>>) dst(%arg11 : memref<128x128xf32, #tpu.memory_space<vmem>>)
      "tpu.region"() ({
        %run_scoped3A = tpu.sem_alloc : memref<!tpu.dma_semaphore, #tpu.memory_space<semaphore_mem>>
        %dma_start3A_109 = arith.constant 0 : i32
        %dma_start3A_110 = arith.constant 0 : i32
        %dma_start3A_111 = tpu.memref_slice %arg13[%dma_start3A_109, %dma_start3A_110] : memref<10240x128xf32, #tpu.memory_space<vmem_shared>> -> memref<10240x128xf32, #tpu.memory_space<vmem_shared>>
        tpu.enqueue_indirect_dma source(%arg11 : memref<128x128xf32, #tpu.memory_space<vmem>>) target(%dma_start3A_111 : memref<10240x128xf32, #tpu.memory_space<vmem_shared>>) offsets(%arg9 : memref<128xi32, #tpu.memory_space<vmem>>) semaphore(%run_scoped3A : memref<!tpu.dma_semaphore, #tpu.memory_space<semaphore_mem>>) {add = true}
        %dma_wait3A_112 = arith.constant 0 : i32
        %dma_wait3A_113 = arith.constant 0 : i32
        %dma_wait3A_114 = tpu.memref_slice %arg13[%dma_wait3A_112, %dma_wait3A_113] : memref<10240x128xf32, #tpu.memory_space<vmem_shared>> -> memref<10240x128xf32, #tpu.memory_space<vmem_shared>>
        tpu.wait_indirect_dma semaphore(%run_scoped3A : memref<!tpu.dma_semaphore, #tpu.memory_space<semaphore_mem>>) src(%arg11 : memref<128x128xf32, #tpu.memory_space<vmem>>) dst(%dma_wait3A_114 : memref<10240x128xf32, #tpu.memory_space<vmem_shared>>)
        tpu.yield
      }) : () -> ()
      %add3A_81 = arith.constant 2 : i32
      %add3A_82 = arith.addi %add3A_73, %add3A_81 : i32
      %lt3A_83 = arith.constant 160 : i32
      %lt3A_84 = arith.cmpi slt, %add3A_82, %lt3A_83 : i32
      %convert_element_type3A_85 = arith.extui %lt3A_84 : i1 to i32
      %cond3A_86 = arith.constant 0 : i32
      %cond3A_87 = arith.cmpi ne, %convert_element_type3A_85, %cond3A_86 : i32
      scf.if %cond3A_87 {
        %add3A_109 = arith.constant 2 : i32
        %add3A_110 = arith.addi %add3A_73, %add3A_109 : i32
        %add3A_111 = arith.addi %add3A, %add3A_110 : i32
        %dma_start3A_112 = arith.constant 0 : i32
        %dma_start3A_113 = tpu.memref_slice %arg3[%add3A_111, %dma_start3A_112] : memref<5120x128xi32, #tpu.memory_space<hbm>> -> memref<1x128xi32, #tpu.memory_space<hbm>>
        %dma_start3A_114 = tpu.memref_squeeze %dma_start3A_113 : memref<1x128xi32, #tpu.memory_space<hbm>> -> memref<128xi32, #tpu.memory_space<hbm>>
        %dma_start3A_115 = arith.constant 0 : i32
        %dma_start3A_116 = tpu.memref_slice %arg3[%add3A_111, %dma_start3A_115] : memref<5120x128xi32, #tpu.memory_space<hbm>> -> memref<1x128xi32, #tpu.memory_space<hbm>>
        %dma_start3A_117 = tpu.memref_squeeze %dma_start3A_116 : memref<1x128xi32, #tpu.memory_space<hbm>> -> memref<128xi32, #tpu.memory_space<hbm>>
        tpu.enqueue_dma source(%dma_start3A_117 : memref<128xi32, #tpu.memory_space<hbm>>) target(%arg7 : memref<128xi32, #tpu.memory_space<vmem>>) target_semaphore(%arg14 : memref<!tpu.dma_semaphore, #tpu.memory_space<semaphore_mem>>)
        %add3A_118 = arith.addi %mul3A_4, %add3A_110 : i32
        %dma_start3A_119 = arith.constant 0 : i32
        %dma_start3A_120 = tpu.memref_slice %arg4[%add3A_118, %dma_start3A_119] : memref<2560x128xi32, #tpu.memory_space<hbm>> -> memref<1x128xi32, #tpu.memory_space<hbm>>
        %dma_start3A_121 = tpu.memref_squeeze %dma_start3A_120 : memref<1x128xi32, #tpu.memory_space<hbm>> -> memref<128xi32, #tpu.memory_space<hbm>>
        %dma_start3A_122 = arith.constant 0 : i32
        %dma_start3A_123 = tpu.memref_slice %arg4[%add3A_118, %dma_start3A_122] : memref<2560x128xi32, #tpu.memory_space<hbm>> -> memref<1x128xi32, #tpu.memory_space<hbm>>
        %dma_start3A_124 = tpu.memref_squeeze %dma_start3A_123 : memref<1x128xi32, #tpu.memory_space<hbm>> -> memref<128xi32, #tpu.memory_space<hbm>>
        tpu.enqueue_dma source(%dma_start3A_124 : memref<128xi32, #tpu.memory_space<hbm>>) target(%arg9 : memref<128xi32, #tpu.memory_space<vmem>>) target_semaphore(%arg14 : memref<!tpu.dma_semaphore, #tpu.memory_space<semaphore_mem>>)
      } else {
      }
      %mul3A_88 = arith.constant 2 : i32
      %mul3A_89 = arith.muli %mul3A_88, %scan3A_69 : i32
      %add3A_90 = arith.constant 1 : i32
      %add3A_91 = arith.addi %mul3A_89, %add3A_90 : i32
      %add3A_92 = arith.constant 1 : i32
      %add3A_93 = arith.addi %add3A_91, %add3A_92 : i32
      %lt3A_94 = arith.constant 160 : i32
      %lt3A_95 = arith.cmpi slt, %add3A_93, %lt3A_94 : i32
      %convert_element_type3A_96 = arith.extui %lt3A_95 : i1 to i32
      %cond3A_97 = arith.constant 0 : i32
      %cond3A_98 = arith.cmpi ne, %convert_element_type3A_96, %cond3A_97 : i32
      scf.if %cond3A_98 {
        %dma_wait3A_109 = arith.constant 0 : i32
        %dma_wait3A_110 = arith.constant 0 : i32
        %dma_wait3A_111 = tpu.memref_slice %arg3[%dma_wait3A_109, %dma_wait3A_110] : memref<5120x128xi32, #tpu.memory_space<hbm>> -> memref<1x128xi32, #tpu.memory_space<hbm>>
        %dma_wait3A_112 = tpu.memref_squeeze %dma_wait3A_111 : memref<1x128xi32, #tpu.memory_space<hbm>> -> memref<128xi32, #tpu.memory_space<hbm>>
        %dma_wait3A_113 = arith.constant 0 : i32
        %dma_wait3A_114 = tpu.memref_slice %arg3[%dma_wait3A_109, %dma_wait3A_113] : memref<5120x128xi32, #tpu.memory_space<hbm>> -> memref<1x128xi32, #tpu.memory_space<hbm>>
        %dma_wait3A_115 = tpu.memref_squeeze %dma_wait3A_114 : memref<1x128xi32, #tpu.memory_space<hbm>> -> memref<128xi32, #tpu.memory_space<hbm>>
        tpu.wait_dma2 semaphore(%arg14 : memref<!tpu.dma_semaphore, #tpu.memory_space<semaphore_mem>>) src(%dma_wait3A_115 : memref<128xi32, #tpu.memory_space<hbm>>) dst(%arg7 : memref<128xi32, #tpu.memory_space<vmem>>)
        %dma_wait3A_116 = arith.constant 0 : i32
        %dma_wait3A_117 = arith.constant 0 : i32
        %dma_wait3A_118 = tpu.memref_slice %arg4[%dma_wait3A_116, %dma_wait3A_117] : memref<2560x128xi32, #tpu.memory_space<hbm>> -> memref<1x128xi32, #tpu.memory_space<hbm>>
        %dma_wait3A_119 = tpu.memref_squeeze %dma_wait3A_118 : memref<1x128xi32, #tpu.memory_space<hbm>> -> memref<128xi32, #tpu.memory_space<hbm>>
        %dma_wait3A_120 = arith.constant 0 : i32
        %dma_wait3A_121 = tpu.memref_slice %arg4[%dma_wait3A_116, %dma_wait3A_120] : memref<2560x128xi32, #tpu.memory_space<hbm>> -> memref<1x128xi32, #tpu.memory_space<hbm>>
        %dma_wait3A_122 = tpu.memref_squeeze %dma_wait3A_121 : memref<1x128xi32, #tpu.memory_space<hbm>> -> memref<128xi32, #tpu.memory_space<hbm>>
        tpu.wait_dma2 semaphore(%arg14 : memref<!tpu.dma_semaphore, #tpu.memory_space<semaphore_mem>>) src(%dma_wait3A_122 : memref<128xi32, #tpu.memory_space<hbm>>) dst(%arg9 : memref<128xi32, #tpu.memory_space<vmem>>)
        %dma_start3A_123 = arith.constant 0 : i32
        %dma_start3A_124 = arith.constant 0 : i32
        %dma_start3A_125 = tpu.memref_slice %arg2[%dma_start3A_123, %dma_start3A_124] : memref<20480x128xf32, #tpu.memory_space<hbm>> -> memref<20480x128xf32, #tpu.memory_space<hbm>>
        tpu.enqueue_indirect_dma source(%dma_start3A_125 : memref<20480x128xf32, #tpu.memory_space<hbm>>) target(%arg11 : memref<128x128xf32, #tpu.memory_space<vmem>>) offsets(%arg7 : memref<128xi32, #tpu.memory_space<vmem>>) semaphore(%arg16 : memref<!tpu.dma_semaphore, #tpu.memory_space<semaphore_mem>>)
      } else {
      }
      %dma_wait3A_99 = arith.constant 0 : i32
      %dma_wait3A_100 = arith.constant 0 : i32
      %dma_wait3A_101 = tpu.memref_slice %arg2[%dma_wait3A_99, %dma_wait3A_100] : memref<20480x128xf32, #tpu.memory_space<hbm>> -> memref<20480x128xf32, #tpu.memory_space<hbm>>
      tpu.wait_indirect_dma semaphore(%arg17 : memref<!tpu.dma_semaphore, #tpu.memory_space<semaphore_mem>>) src(%dma_wait3A_101 : memref<20480x128xf32, #tpu.memory_space<hbm>>) dst(%arg12 : memref<128x128xf32, #tpu.memory_space<vmem>>)
      "tpu.region"() ({
        %run_scoped3A = tpu.sem_alloc : memref<!tpu.dma_semaphore, #tpu.memory_space<semaphore_mem>>
        %dma_start3A_109 = arith.constant 0 : i32
        %dma_start3A_110 = arith.constant 0 : i32
        %dma_start3A_111 = tpu.memref_slice %arg13[%dma_start3A_109, %dma_start3A_110] : memref<10240x128xf32, #tpu.memory_space<vmem_shared>> -> memref<10240x128xf32, #tpu.memory_space<vmem_shared>>
        tpu.enqueue_indirect_dma source(%arg12 : memref<128x128xf32, #tpu.memory_space<vmem>>) target(%dma_start3A_111 : memref<10240x128xf32, #tpu.memory_space<vmem_shared>>) offsets(%arg10 : memref<128xi32, #tpu.memory_space<vmem>>) semaphore(%run_scoped3A : memref<!tpu.dma_semaphore, #tpu.memory_space<semaphore_mem>>) {add = true}
        %dma_wait3A_112 = arith.constant 0 : i32
        %dma_wait3A_113 = arith.constant 0 : i32
        %dma_wait3A_114 = tpu.memref_slice %arg13[%dma_wait3A_112, %dma_wait3A_113] : memref<10240x128xf32, #tpu.memory_space<vmem_shared>> -> memref<10240x128xf32, #tpu.memory_space<vmem_shared>>
        tpu.wait_indirect_dma semaphore(%run_scoped3A : memref<!tpu.dma_semaphore, #tpu.memory_space<semaphore_mem>>) src(%arg12 : memref<128x128xf32, #tpu.memory_space<vmem>>) dst(%dma_wait3A_114 : memref<10240x128xf32, #tpu.memory_space<vmem_shared>>)
        tpu.yield
      }) : () -> ()
      %add3A_102 = arith.constant 2 : i32
      %add3A_103 = arith.addi %add3A_91, %add3A_102 : i32
      %lt3A_104 = arith.constant 160 : i32
      %lt3A_105 = arith.cmpi slt, %add3A_103, %lt3A_104 : i32
      %convert_element_type3A_106 = arith.extui %lt3A_105 : i1 to i32
      %cond3A_107 = arith.constant 0 : i32
      %cond3A_108 = arith.cmpi ne, %convert_element_type3A_106, %cond3A_107 : i32
      scf.if %cond3A_108 {
        %add3A_109 = arith.constant 2 : i32
        %add3A_110 = arith.addi %add3A_91, %add3A_109 : i32
        %add3A_111 = arith.addi %add3A, %add3A_110 : i32
        %dma_start3A_112 = arith.constant 0 : i32
        %dma_start3A_113 = tpu.memref_slice %arg3[%add3A_111, %dma_start3A_112] : memref<5120x128xi32, #tpu.memory_space<hbm>> -> memref<1x128xi32, #tpu.memory_space<hbm>>
        %dma_start3A_114 = tpu.memref_squeeze %dma_start3A_113 : memref<1x128xi32, #tpu.memory_space<hbm>> -> memref<128xi32, #tpu.memory_space<hbm>>
        %dma_start3A_115 = arith.constant 0 : i32
        %dma_start3A_116 = tpu.memref_slice %arg3[%add3A_111, %dma_start3A_115] : memref<5120x128xi32, #tpu.memory_space<hbm>> -> memref<1x128xi32, #tpu.memory_space<hbm>>
        %dma_start3A_117 = tpu.memref_squeeze %dma_start3A_116 : memref<1x128xi32, #tpu.memory_space<hbm>> -> memref<128xi32, #tpu.memory_space<hbm>>
        tpu.enqueue_dma source(%dma_start3A_117 : memref<128xi32, #tpu.memory_space<hbm>>) target(%arg8 : memref<128xi32, #tpu.memory_space<vmem>>) target_semaphore(%arg15 : memref<!tpu.dma_semaphore, #tpu.memory_space<semaphore_mem>>)
        %add3A_118 = arith.addi %mul3A_4, %add3A_110 : i32
        %dma_start3A_119 = arith.constant 0 : i32
        %dma_start3A_120 = tpu.memref_slice %arg4[%add3A_118, %dma_start3A_119] : memref<2560x128xi32, #tpu.memory_space<hbm>> -> memref<1x128xi32, #tpu.memory_space<hbm>>
        %dma_start3A_121 = tpu.memref_squeeze %dma_start3A_120 : memref<1x128xi32, #tpu.memory_space<hbm>> -> memref<128xi32, #tpu.memory_space<hbm>>
        %dma_start3A_122 = arith.constant 0 : i32
        %dma_start3A_123 = tpu.memref_slice %arg4[%add3A_118, %dma_start3A_122] : memref<2560x128xi32, #tpu.memory_space<hbm>> -> memref<1x128xi32, #tpu.memory_space<hbm>>
        %dma_start3A_124 = tpu.memref_squeeze %dma_start3A_123 : memref<1x128xi32, #tpu.memory_space<hbm>> -> memref<128xi32, #tpu.memory_space<hbm>>
        tpu.enqueue_dma source(%dma_start3A_124 : memref<128xi32, #tpu.memory_space<hbm>>) target(%arg10 : memref<128xi32, #tpu.memory_space<vmem>>) target_semaphore(%arg15 : memref<!tpu.dma_semaphore, #tpu.memory_space<semaphore_mem>>)
      } else {
      }
    }
    %scan3A_60 = arith.constant 80 : i32
    %barrier3A_61 = arith.constant 0 : index
    tpu.barrier barrier_id(%barrier3A_61)
    %mul3A_62 = arith.constant 640 : i32
    %mul3A_63 = arith.muli %arg1, %mul3A_62 : i32
    %mul3A_64 = arith.constant 10240 : i32
    %mul3A_65 = arith.muli %arg0, %mul3A_64 : i32
    %mul3A_66 = arith.constant 640 : i32
    %mul3A_67 = arith.muli %arg1, %mul3A_66 : i32
    %add3A_68 = arith.addi %mul3A_65, %mul3A_67 : i32
    "tpu.region"() ({
      %run_scoped3A = tpu.sem_alloc : memref<!tpu.dma_semaphore, #tpu.memory_space<semaphore_mem>>
      %dma_start3A_69 = arith.constant 0 : i32
      %dma_start3A_70 = tpu.memref_slice %arg6[%add3A_68, %dma_start3A_69] : memref<20480x128xf32, #tpu.memory_space<hbm>> -> memref<640x128xf32, #tpu.memory_space<hbm>>
      %dma_start3A_71 = arith.constant 0 : i32
      %dma_start3A_72 = tpu.memref_slice %arg13[%mul3A_63, %dma_start3A_71] : memref<10240x128xf32, #tpu.memory_space<vmem_shared>> -> memref<640x128xf32, #tpu.memory_space<vmem_shared>>
      tpu.enqueue_dma source(%dma_start3A_72 : memref<640x128xf32, #tpu.memory_space<vmem_shared>>) target(%dma_start3A_70 : memref<640x128xf32, #tpu.memory_space<hbm>>) target_semaphore(%run_scoped3A : memref<!tpu.dma_semaphore, #tpu.memory_space<semaphore_mem>>)
      %dma_wait3A_73 = arith.constant 0 : i32
      %dma_wait3A_74 = tpu.memref_slice %arg6[%add3A_68, %dma_wait3A_73] : memref<20480x128xf32, #tpu.memory_space<hbm>> -> memref<640x128xf32, #tpu.memory_space<hbm>>
      %dma_wait3A_75 = arith.constant 0 : i32
      %dma_wait3A_76 = tpu.memref_slice %arg13[%mul3A_63, %dma_wait3A_75] : memref<10240x128xf32, #tpu.memory_space<vmem_shared>> -> memref<640x128xf32, #tpu.memory_space<vmem_shared>>
      tpu.wait_dma2 semaphore(%run_scoped3A : memref<!tpu.dma_semaphore, #tpu.memory_space<semaphore_mem>>) src(%dma_wait3A_76 : memref<640x128xf32, #tpu.memory_space<vmem_shared>>) dst(%dma_wait3A_74 : memref<640x128xf32, #tpu.memory_space<hbm>>)
      tpu.yield
    }) : () -> ()
    return
  }
}

#map = affine_map<(d0, d1) -> (0, 0)>
module attributes {stable_mosaic.version = 14 : i64} {
  func.func @_agg_body(%arg0: i32, %arg1: i32, %arg2: memref<20480x128xf32, #tpu.memory_space<hbm>>, %arg3: memref<5120x128xi32, #tpu.memory_space<hbm>>, %arg4: memref<2560x128xi32, #tpu.memory_space<hbm>>, %arg5: memref<10240x128xf32, #tpu.memory_space<hbm>>, %arg6: memref<20480x128xf32, #tpu.memory_space<hbm>>, %arg7: memref<128xi32, #tpu.memory_space<vmem>>, %arg8: memref<128xi32, #tpu.memory_space<vmem>>, %arg9: memref<128xi32, #tpu.memory_space<vmem>>, %arg10: memref<128xi32, #tpu.memory_space<vmem>>, %arg11: memref<128x128xf32, #tpu.memory_space<vmem>>, %arg12: memref<128x128xf32, #tpu.memory_space<vmem>>, %arg13: memref<10240x128xf32, #tpu.memory_space<vmem_shared>>, %arg14: memref<!tpu.dma_semaphore, #tpu.memory_space<semaphore_mem>>, %arg15: memref<!tpu.dma_semaphore, #tpu.memory_space<semaphore_mem>>, %arg16: memref<!tpu.dma_semaphore, #tpu.memory_space<semaphore_mem>>, %arg17: memref<!tpu.dma_semaphore, #tpu.memory_space<semaphore_mem>>) attributes {dimension_semantics = [#tpu.dimension_semantics<core_parallel>, #tpu.dimension_semantics<subcore_parallel>], iteration_bounds = array<i64: 2, 16>, scalar_prefetch = 0 : i64, scratch_operands = 11 : i64, tpu.core_type = #tpu.core_type<sc_vector_subcore>, window_params = [{transform_indices = #map}, {transform_indices = #map}, {transform_indices = #map}, {transform_indices = #map}, {transform_indices = #map}]} {
    %mul3A = arith.constant 2560 : i32
    %mul3A_0 = arith.muli %arg0, %mul3A : i32
    %mul3A_1 = arith.constant 160 : i32
    %mul3A_2 = arith.muli %arg1, %mul3A_1 : i32
    %add3A = arith.addi %mul3A_0, %mul3A_2 : i32
    %mul3A_3 = arith.constant 160 : i32
    %mul3A_4 = arith.muli %arg1, %mul3A_3 : i32
    %mul3A_5 = arith.constant 640 : i32
    %mul3A_6 = arith.muli %arg1, %mul3A_5 : i32
    %mul3A_7 = arith.constant 640 : i32
    %mul3A_8 = arith.muli %arg1, %mul3A_7 : i32
    "tpu.region"() ({
      %run_scoped3A = tpu.sem_alloc : memref<!tpu.dma_semaphore, #tpu.memory_space<semaphore_mem>>
      %dma_start3A_69 = arith.constant 0 : i32
      %dma_start3A_70 = tpu.memref_slice %arg13[%mul3A_8, %dma_start3A_69] : memref<10240x128xf32, #tpu.memory_space<vmem_shared>> -> memref<640x128xf32, #tpu.memory_space<vmem_shared>>
      %dma_start3A_71 = arith.constant 0 : i32
      %dma_start3A_72 = tpu.memref_slice %arg5[%mul3A_6, %dma_start3A_71] : memref<10240x128xf32, #tpu.memory_space<hbm>> -> memref<640x128xf32, #tpu.memory_space<hbm>>
      tpu.enqueue_dma source(%dma_start3A_72 : memref<640x128xf32, #tpu.memory_space<hbm>>) target(%dma_start3A_70 : memref<640x128xf32, #tpu.memory_space<vmem_shared>>) target_semaphore(%run_scoped3A : memref<!tpu.dma_semaphore, #tpu.memory_space<semaphore_mem>>)
      %dma_wait3A_73 = arith.constant 0 : i32
      %dma_wait3A_74 = tpu.memref_slice %arg13[%mul3A_8, %dma_wait3A_73] : memref<10240x128xf32, #tpu.memory_space<vmem_shared>> -> memref<640x128xf32, #tpu.memory_space<vmem_shared>>
      %dma_wait3A_75 = arith.constant 0 : i32
      %dma_wait3A_76 = tpu.memref_slice %arg5[%mul3A_6, %dma_wait3A_75] : memref<10240x128xf32, #tpu.memory_space<hbm>> -> memref<640x128xf32, #tpu.memory_space<hbm>>
      tpu.wait_dma2 semaphore(%run_scoped3A : memref<!tpu.dma_semaphore, #tpu.memory_space<semaphore_mem>>) src(%dma_wait3A_76 : memref<640x128xf32, #tpu.memory_space<hbm>>) dst(%dma_wait3A_74 : memref<640x128xf32, #tpu.memory_space<vmem_shared>>)
      tpu.yield
    }) : () -> ()
    %barrier3A = arith.constant 0 : index
    tpu.barrier barrier_id(%barrier3A)
    %add3A_9 = arith.constant 0 : i32
    %add3A_10 = arith.addi %add3A, %add3A_9 : i32
    %dma_start3A = arith.constant 0 : i32
    %dma_start3A_11 = tpu.memref_slice %arg3[%add3A_10, %dma_start3A] : memref<5120x128xi32, #tpu.memory_space<hbm>> -> memref<1x128xi32, #tpu.memory_space<hbm>>
    %dma_start3A_12 = tpu.memref_squeeze %dma_start3A_11 : memref<1x128xi32, #tpu.memory_space<hbm>> -> memref<128xi32, #tpu.memory_space<hbm>>
    %dma_start3A_13 = arith.constant 0 : i32
    %dma_start3A_14 = tpu.memref_slice %arg3[%add3A_10, %dma_start3A_13] : memref<5120x128xi32, #tpu.memory_space<hbm>> -> memref<1x128xi32, #tpu.memory_space<hbm>>
    %dma_start3A_15 = tpu.memref_squeeze %dma_start3A_14 : memref<1x128xi32, #tpu.memory_space<hbm>> -> memref<128xi32, #tpu.memory_space<hbm>>
    tpu.enqueue_dma source(%dma_start3A_15 : memref<128xi32, #tpu.memory_space<hbm>>) target(%arg7 : memref<128xi32, #tpu.memory_space<vmem>>) target_semaphore(%arg14 : memref<!tpu.dma_semaphore, #tpu.memory_space<semaphore_mem>>)
    %add3A_16 = arith.constant 0 : i32
    %add3A_17 = arith.addi %mul3A_4, %add3A_16 : i32
    %dma_start3A_18 = arith.constant 0 : i32
    %dma_start3A_19 = tpu.memref_slice %arg4[%add3A_17, %dma_start3A_18] : memref<2560x128xi32, #tpu.memory_space<hbm>> -> memref<1x128xi32, #tpu.memory_space<hbm>>
    %dma_start3A_20 = tpu.memref_squeeze %dma_start3A_19 : memref<1x128xi32, #tpu.memory_space<hbm>> -> memref<128xi32, #tpu.memory_space<hbm>>
    %dma_start3A_21 = arith.constant 0 : i32
    %dma_start3A_22 = tpu.memref_slice %arg4[%add3A_17, %dma_start3A_21] : memref<2560x128xi32, #tpu.memory_space<hbm>> -> memref<1x128xi32, #tpu.memory_space<hbm>>
    %dma_start3A_23 = tpu.memref_squeeze %dma_start3A_22 : memref<1x128xi32, #tpu.memory_space<hbm>> -> memref<128xi32, #tpu.memory_space<hbm>>
    tpu.enqueue_dma source(%dma_start3A_23 : memref<128xi32, #tpu.memory_space<hbm>>) target(%arg9 : memref<128xi32, #tpu.memory_space<vmem>>) target_semaphore(%arg14 : memref<!tpu.dma_semaphore, #tpu.memory_space<semaphore_mem>>)
    %dma_wait3A = arith.constant 0 : i32
    %dma_wait3A_24 = arith.constant 0 : i32
    %dma_wait3A_25 = tpu.memref_slice %arg3[%dma_wait3A, %dma_wait3A_24] : memref<5120x128xi32, #tpu.memory_space<hbm>> -> memref<1x128xi32, #tpu.memory_space<hbm>>
    %dma_wait3A_26 = tpu.memref_squeeze %dma_wait3A_25 : memref<1x128xi32, #tpu.memory_space<hbm>> -> memref<128xi32, #tpu.memory_space<hbm>>
    %dma_wait3A_27 = arith.constant 0 : i32
    %dma_wait3A_28 = tpu.memref_slice %arg3[%dma_wait3A, %dma_wait3A_27] : memref<5120x128xi32, #tpu.memory_space<hbm>> -> memref<1x128xi32, #tpu.memory_space<hbm>>
    %dma_wait3A_29 = tpu.memref_squeeze %dma_wait3A_28 : memref<1x128xi32, #tpu.memory_space<hbm>> -> memref<128xi32, #tpu.memory_space<hbm>>
    tpu.wait_dma2 semaphore(%arg14 : memref<!tpu.dma_semaphore, #tpu.memory_space<semaphore_mem>>) src(%dma_wait3A_29 : memref<128xi32, #tpu.memory_space<hbm>>) dst(%arg7 : memref<128xi32, #tpu.memory_space<vmem>>)
    %dma_wait3A_30 = arith.constant 0 : i32
    %dma_wait3A_31 = arith.constant 0 : i32
    %dma_wait3A_32 = tpu.memref_slice %arg4[%dma_wait3A_30, %dma_wait3A_31] : memref<2560x128xi32, #tpu.memory_space<hbm>> -> memref<1x128xi32, #tpu.memory_space<hbm>>
    %dma_wait3A_33 = tpu.memref_squeeze %dma_wait3A_32 : memref<1x128xi32, #tpu.memory_space<hbm>> -> memref<128xi32, #tpu.memory_space<hbm>>
    %dma_wait3A_34 = arith.constant 0 : i32
    %dma_wait3A_35 = tpu.memref_slice %arg4[%dma_wait3A_30, %dma_wait3A_34] : memref<2560x128xi32, #tpu.memory_space<hbm>> -> memref<1x128xi32, #tpu.memory_space<hbm>>
    %dma_wait3A_36 = tpu.memref_squeeze %dma_wait3A_35 : memref<1x128xi32, #tpu.memory_space<hbm>> -> memref<128xi32, #tpu.memory_space<hbm>>
    tpu.wait_dma2 semaphore(%arg14 : memref<!tpu.dma_semaphore, #tpu.memory_space<semaphore_mem>>) src(%dma_wait3A_36 : memref<128xi32, #tpu.memory_space<hbm>>) dst(%arg9 : memref<128xi32, #tpu.memory_space<vmem>>)
    %dma_start3A_37 = arith.constant 0 : i32
    %dma_start3A_38 = arith.constant 0 : i32
    %dma_start3A_39 = tpu.memref_slice %arg2[%dma_start3A_37, %dma_start3A_38] : memref<20480x128xf32, #tpu.memory_space<hbm>> -> memref<20480x128xf32, #tpu.memory_space<hbm>>
    tpu.enqueue_indirect_dma source(%dma_start3A_39 : memref<20480x128xf32, #tpu.memory_space<hbm>>) target(%arg11 : memref<128x128xf32, #tpu.memory_space<vmem>>) offsets(%arg7 : memref<128xi32, #tpu.memory_space<vmem>>) semaphore(%arg16 : memref<!tpu.dma_semaphore, #tpu.memory_space<semaphore_mem>>)
    %add3A_40 = arith.constant 1 : i32
    %add3A_41 = arith.addi %add3A, %add3A_40 : i32
    %dma_start3A_42 = arith.constant 0 : i32
    %dma_start3A_43 = tpu.memref_slice %arg3[%add3A_41, %dma_start3A_42] : memref<5120x128xi32, #tpu.memory_space<hbm>> -> memref<1x128xi32, #tpu.memory_space<hbm>>
    %dma_start3A_44 = tpu.memref_squeeze %dma_start3A_43 : memref<1x128xi32, #tpu.memory_space<hbm>> -> memref<128xi32, #tpu.memory_space<hbm>>
    %dma_start3A_45 = arith.constant 0 : i32
    %dma_start3A_46 = tpu.memref_slice %arg3[%add3A_41, %dma_start3A_45] : memref<5120x128xi32, #tpu.memory_space<hbm>> -> memref<1x128xi32, #tpu.memory_space<hbm>>
    %dma_start3A_47 = tpu.memref_squeeze %dma_start3A_46 : memref<1x128xi32, #tpu.memory_space<hbm>> -> memref<128xi32, #tpu.memory_space<hbm>>
    tpu.enqueue_dma source(%dma_start3A_47 : memref<128xi32, #tpu.memory_space<hbm>>) target(%arg8 : memref<128xi32, #tpu.memory_space<vmem>>) target_semaphore(%arg15 : memref<!tpu.dma_semaphore, #tpu.memory_space<semaphore_mem>>)
    %add3A_48 = arith.constant 1 : i32
    %add3A_49 = arith.addi %mul3A_4, %add3A_48 : i32
    %dma_start3A_50 = arith.constant 0 : i32
    %dma_start3A_51 = tpu.memref_slice %arg4[%add3A_49, %dma_start3A_50] : memref<2560x128xi32, #tpu.memory_space<hbm>> -> memref<1x128xi32, #tpu.memory_space<hbm>>
    %dma_start3A_52 = tpu.memref_squeeze %dma_start3A_51 : memref<1x128xi32, #tpu.memory_space<hbm>> -> memref<128xi32, #tpu.memory_space<hbm>>
    %dma_start3A_53 = arith.constant 0 : i32
    %dma_start3A_54 = tpu.memref_slice %arg4[%add3A_49, %dma_start3A_53] : memref<2560x128xi32, #tpu.memory_space<hbm>> -> memref<1x128xi32, #tpu.memory_space<hbm>>
    %dma_start3A_55 = tpu.memref_squeeze %dma_start3A_54 : memref<1x128xi32, #tpu.memory_space<hbm>> -> memref<128xi32, #tpu.memory_space<hbm>>
    tpu.enqueue_dma source(%dma_start3A_55 : memref<128xi32, #tpu.memory_space<hbm>>) target(%arg10 : memref<128xi32, #tpu.memory_space<vmem>>) target_semaphore(%arg15 : memref<!tpu.dma_semaphore, #tpu.memory_space<semaphore_mem>>)
    %scan3A = arith.constant 0 : i32
    %scan3A_56 = arith.constant 0 : i32
    %scan3A_57 = arith.constant 80 : i32
    %scan3A_58 = arith.addi %scan3A_56, %scan3A_57 : i32
    %scan3A_59 = arith.constant 1 : i32
    scf.for %scan3A_69 = %scan3A_56 to %scan3A_58 step %scan3A_59  : i32 {
      %mul3A_70 = arith.constant 2 : i32
      %mul3A_71 = arith.muli %mul3A_70, %scan3A_69 : i32
      %add3A_72 = arith.constant 0 : i32
      %add3A_73 = arith.addi %mul3A_71, %add3A_72 : i32
      %add3A_74 = arith.constant 1 : i32
      %add3A_75 = arith.addi %add3A_73, %add3A_74 : i32
      %lt3A = arith.constant 160 : i32
      %lt3A_76 = arith.cmpi slt, %add3A_75, %lt3A : i32
      %convert_element_type3A = arith.extui %lt3A_76 : i1 to i32
      %cond3A = arith.constant 0 : i32
      %cond3A_77 = arith.cmpi ne, %convert_element_type3A, %cond3A : i32
      scf.if %cond3A_77 {
        %dma_wait3A_109 = arith.constant 0 : i32
        %dma_wait3A_110 = arith.constant 0 : i32
        %dma_wait3A_111 = tpu.memref_slice %arg3[%dma_wait3A_109, %dma_wait3A_110] : memref<5120x128xi32, #tpu.memory_space<hbm>> -> memref<1x128xi32, #tpu.memory_space<hbm>>
        %dma_wait3A_112 = tpu.memref_squeeze %dma_wait3A_111 : memref<1x128xi32, #tpu.memory_space<hbm>> -> memref<128xi32, #tpu.memory_space<hbm>>
        %dma_wait3A_113 = arith.constant 0 : i32
        %dma_wait3A_114 = tpu.memref_slice %arg3[%dma_wait3A_109, %dma_wait3A_113] : memref<5120x128xi32, #tpu.memory_space<hbm>> -> memref<1x128xi32, #tpu.memory_space<hbm>>
        %dma_wait3A_115 = tpu.memref_squeeze %dma_wait3A_114 : memref<1x128xi32, #tpu.memory_space<hbm>> -> memref<128xi32, #tpu.memory_space<hbm>>
        tpu.wait_dma2 semaphore(%arg15 : memref<!tpu.dma_semaphore, #tpu.memory_space<semaphore_mem>>) src(%dma_wait3A_115 : memref<128xi32, #tpu.memory_space<hbm>>) dst(%arg8 : memref<128xi32, #tpu.memory_space<vmem>>)
        %dma_wait3A_116 = arith.constant 0 : i32
        %dma_wait3A_117 = arith.constant 0 : i32
        %dma_wait3A_118 = tpu.memref_slice %arg4[%dma_wait3A_116, %dma_wait3A_117] : memref<2560x128xi32, #tpu.memory_space<hbm>> -> memref<1x128xi32, #tpu.memory_space<hbm>>
        %dma_wait3A_119 = tpu.memref_squeeze %dma_wait3A_118 : memref<1x128xi32, #tpu.memory_space<hbm>> -> memref<128xi32, #tpu.memory_space<hbm>>
        %dma_wait3A_120 = arith.constant 0 : i32
        %dma_wait3A_121 = tpu.memref_slice %arg4[%dma_wait3A_116, %dma_wait3A_120] : memref<2560x128xi32, #tpu.memory_space<hbm>> -> memref<1x128xi32, #tpu.memory_space<hbm>>
        %dma_wait3A_122 = tpu.memref_squeeze %dma_wait3A_121 : memref<1x128xi32, #tpu.memory_space<hbm>> -> memref<128xi32, #tpu.memory_space<hbm>>
        tpu.wait_dma2 semaphore(%arg15 : memref<!tpu.dma_semaphore, #tpu.memory_space<semaphore_mem>>) src(%dma_wait3A_122 : memref<128xi32, #tpu.memory_space<hbm>>) dst(%arg10 : memref<128xi32, #tpu.memory_space<vmem>>)
        %dma_start3A_123 = arith.constant 0 : i32
        %dma_start3A_124 = arith.constant 0 : i32
        %dma_start3A_125 = tpu.memref_slice %arg2[%dma_start3A_123, %dma_start3A_124] : memref<20480x128xf32, #tpu.memory_space<hbm>> -> memref<20480x128xf32, #tpu.memory_space<hbm>>
        tpu.enqueue_indirect_dma source(%dma_start3A_125 : memref<20480x128xf32, #tpu.memory_space<hbm>>) target(%arg12 : memref<128x128xf32, #tpu.memory_space<vmem>>) offsets(%arg8 : memref<128xi32, #tpu.memory_space<vmem>>) semaphore(%arg17 : memref<!tpu.dma_semaphore, #tpu.memory_space<semaphore_mem>>)
      } else {
      }
      %dma_wait3A_78 = arith.constant 0 : i32
      %dma_wait3A_79 = arith.constant 0 : i32
      %dma_wait3A_80 = tpu.memref_slice %arg2[%dma_wait3A_78, %dma_wait3A_79] : memref<20480x128xf32, #tpu.memory_space<hbm>> -> memref<20480x128xf32, #tpu.memory_space<hbm>>
      tpu.wait_indirect_dma semaphore(%arg16 : memref<!tpu.dma_semaphore, #tpu.memory_space<semaphore_mem>>) src(%dma_wait3A_80 : memref<20480x128xf32, #tpu.memory_space<hbm>>) dst(%arg11 : memref<128x128xf32, #tpu.memory_space<vmem>>)
      "tpu.region"() ({
        %run_scoped3A = tpu.sem_alloc : memref<!tpu.dma_semaphore, #tpu.memory_space<semaphore_mem>>
        %dma_start3A_109 = arith.constant 0 : i32
        %dma_start3A_110 = arith.constant 0 : i32
        %dma_start3A_111 = tpu.memref_slice %arg13[%dma_start3A_109, %dma_start3A_110] : memref<10240x128xf32, #tpu.memory_space<vmem_shared>> -> memref<10240x128xf32, #tpu.memory_space<vmem_shared>>
        tpu.enqueue_indirect_dma source(%arg11 : memref<128x128xf32, #tpu.memory_space<vmem>>) target(%dma_start3A_111 : memref<10240x128xf32, #tpu.memory_space<vmem_shared>>) offsets(%arg9 : memref<128xi32, #tpu.memory_space<vmem>>) semaphore(%run_scoped3A : memref<!tpu.dma_semaphore, #tpu.memory_space<semaphore_mem>>) {add = true}
        %dma_wait3A_112 = arith.constant 0 : i32
        %dma_wait3A_113 = arith.constant 0 : i32
        %dma_wait3A_114 = tpu.memref_slice %arg13[%dma_wait3A_112, %dma_wait3A_113] : memref<10240x128xf32, #tpu.memory_space<vmem_shared>> -> memref<10240x128xf32, #tpu.memory_space<vmem_shared>>
        tpu.wait_indirect_dma semaphore(%run_scoped3A : memref<!tpu.dma_semaphore, #tpu.memory_space<semaphore_mem>>) src(%arg11 : memref<128x128xf32, #tpu.memory_space<vmem>>) dst(%dma_wait3A_114 : memref<10240x128xf32, #tpu.memory_space<vmem_shared>>)
        tpu.yield
      }) : () -> ()
      %add3A_81 = arith.constant 2 : i32
      %add3A_82 = arith.addi %add3A_73, %add3A_81 : i32
      %lt3A_83 = arith.constant 160 : i32
      %lt3A_84 = arith.cmpi slt, %add3A_82, %lt3A_83 : i32
      %convert_element_type3A_85 = arith.extui %lt3A_84 : i1 to i32
      %cond3A_86 = arith.constant 0 : i32
      %cond3A_87 = arith.cmpi ne, %convert_element_type3A_85, %cond3A_86 : i32
      scf.if %cond3A_87 {
        %add3A_109 = arith.constant 2 : i32
        %add3A_110 = arith.addi %add3A_73, %add3A_109 : i32
        %add3A_111 = arith.addi %add3A, %add3A_110 : i32
        %dma_start3A_112 = arith.constant 0 : i32
        %dma_start3A_113 = tpu.memref_slice %arg3[%add3A_111, %dma_start3A_112] : memref<5120x128xi32, #tpu.memory_space<hbm>> -> memref<1x128xi32, #tpu.memory_space<hbm>>
        %dma_start3A_114 = tpu.memref_squeeze %dma_start3A_113 : memref<1x128xi32, #tpu.memory_space<hbm>> -> memref<128xi32, #tpu.memory_space<hbm>>
        %dma_start3A_115 = arith.constant 0 : i32
        %dma_start3A_116 = tpu.memref_slice %arg3[%add3A_111, %dma_start3A_115] : memref<5120x128xi32, #tpu.memory_space<hbm>> -> memref<1x128xi32, #tpu.memory_space<hbm>>
        %dma_start3A_117 = tpu.memref_squeeze %dma_start3A_116 : memref<1x128xi32, #tpu.memory_space<hbm>> -> memref<128xi32, #tpu.memory_space<hbm>>
        tpu.enqueue_dma source(%dma_start3A_117 : memref<128xi32, #tpu.memory_space<hbm>>) target(%arg7 : memref<128xi32, #tpu.memory_space<vmem>>) target_semaphore(%arg14 : memref<!tpu.dma_semaphore, #tpu.memory_space<semaphore_mem>>)
        %add3A_118 = arith.addi %mul3A_4, %add3A_110 : i32
        %dma_start3A_119 = arith.constant 0 : i32
        %dma_start3A_120 = tpu.memref_slice %arg4[%add3A_118, %dma_start3A_119] : memref<2560x128xi32, #tpu.memory_space<hbm>> -> memref<1x128xi32, #tpu.memory_space<hbm>>
        %dma_start3A_121 = tpu.memref_squeeze %dma_start3A_120 : memref<1x128xi32, #tpu.memory_space<hbm>> -> memref<128xi32, #tpu.memory_space<hbm>>
        %dma_start3A_122 = arith.constant 0 : i32
        %dma_start3A_123 = tpu.memref_slice %arg4[%add3A_118, %dma_start3A_122] : memref<2560x128xi32, #tpu.memory_space<hbm>> -> memref<1x128xi32, #tpu.memory_space<hbm>>
        %dma_start3A_124 = tpu.memref_squeeze %dma_start3A_123 : memref<1x128xi32, #tpu.memory_space<hbm>> -> memref<128xi32, #tpu.memory_space<hbm>>
        tpu.enqueue_dma source(%dma_start3A_124 : memref<128xi32, #tpu.memory_space<hbm>>) target(%arg9 : memref<128xi32, #tpu.memory_space<vmem>>) target_semaphore(%arg14 : memref<!tpu.dma_semaphore, #tpu.memory_space<semaphore_mem>>)
      } else {
      }
      %mul3A_88 = arith.constant 2 : i32
      %mul3A_89 = arith.muli %mul3A_88, %scan3A_69 : i32
      %add3A_90 = arith.constant 1 : i32
      %add3A_91 = arith.addi %mul3A_89, %add3A_90 : i32
      %add3A_92 = arith.constant 1 : i32
      %add3A_93 = arith.addi %add3A_91, %add3A_92 : i32
      %lt3A_94 = arith.constant 160 : i32
      %lt3A_95 = arith.cmpi slt, %add3A_93, %lt3A_94 : i32
      %convert_element_type3A_96 = arith.extui %lt3A_95 : i1 to i32
      %cond3A_97 = arith.constant 0 : i32
      %cond3A_98 = arith.cmpi ne, %convert_element_type3A_96, %cond3A_97 : i32
      scf.if %cond3A_98 {
        %dma_wait3A_109 = arith.constant 0 : i32
        %dma_wait3A_110 = arith.constant 0 : i32
        %dma_wait3A_111 = tpu.memref_slice %arg3[%dma_wait3A_109, %dma_wait3A_110] : memref<5120x128xi32, #tpu.memory_space<hbm>> -> memref<1x128xi32, #tpu.memory_space<hbm>>
        %dma_wait3A_112 = tpu.memref_squeeze %dma_wait3A_111 : memref<1x128xi32, #tpu.memory_space<hbm>> -> memref<128xi32, #tpu.memory_space<hbm>>
        %dma_wait3A_113 = arith.constant 0 : i32
        %dma_wait3A_114 = tpu.memref_slice %arg3[%dma_wait3A_109, %dma_wait3A_113] : memref<5120x128xi32, #tpu.memory_space<hbm>> -> memref<1x128xi32, #tpu.memory_space<hbm>>
        %dma_wait3A_115 = tpu.memref_squeeze %dma_wait3A_114 : memref<1x128xi32, #tpu.memory_space<hbm>> -> memref<128xi32, #tpu.memory_space<hbm>>
        tpu.wait_dma2 semaphore(%arg14 : memref<!tpu.dma_semaphore, #tpu.memory_space<semaphore_mem>>) src(%dma_wait3A_115 : memref<128xi32, #tpu.memory_space<hbm>>) dst(%arg7 : memref<128xi32, #tpu.memory_space<vmem>>)
        %dma_wait3A_116 = arith.constant 0 : i32
        %dma_wait3A_117 = arith.constant 0 : i32
        %dma_wait3A_118 = tpu.memref_slice %arg4[%dma_wait3A_116, %dma_wait3A_117] : memref<2560x128xi32, #tpu.memory_space<hbm>> -> memref<1x128xi32, #tpu.memory_space<hbm>>
        %dma_wait3A_119 = tpu.memref_squeeze %dma_wait3A_118 : memref<1x128xi32, #tpu.memory_space<hbm>> -> memref<128xi32, #tpu.memory_space<hbm>>
        %dma_wait3A_120 = arith.constant 0 : i32
        %dma_wait3A_121 = tpu.memref_slice %arg4[%dma_wait3A_116, %dma_wait3A_120] : memref<2560x128xi32, #tpu.memory_space<hbm>> -> memref<1x128xi32, #tpu.memory_space<hbm>>
        %dma_wait3A_122 = tpu.memref_squeeze %dma_wait3A_121 : memref<1x128xi32, #tpu.memory_space<hbm>> -> memref<128xi32, #tpu.memory_space<hbm>>
        tpu.wait_dma2 semaphore(%arg14 : memref<!tpu.dma_semaphore, #tpu.memory_space<semaphore_mem>>) src(%dma_wait3A_122 : memref<128xi32, #tpu.memory_space<hbm>>) dst(%arg9 : memref<128xi32, #tpu.memory_space<vmem>>)
        %dma_start3A_123 = arith.constant 0 : i32
        %dma_start3A_124 = arith.constant 0 : i32
        %dma_start3A_125 = tpu.memref_slice %arg2[%dma_start3A_123, %dma_start3A_124] : memref<20480x128xf32, #tpu.memory_space<hbm>> -> memref<20480x128xf32, #tpu.memory_space<hbm>>
        tpu.enqueue_indirect_dma source(%dma_start3A_125 : memref<20480x128xf32, #tpu.memory_space<hbm>>) target(%arg11 : memref<128x128xf32, #tpu.memory_space<vmem>>) offsets(%arg7 : memref<128xi32, #tpu.memory_space<vmem>>) semaphore(%arg16 : memref<!tpu.dma_semaphore, #tpu.memory_space<semaphore_mem>>)
      } else {
      }
      %dma_wait3A_99 = arith.constant 0 : i32
      %dma_wait3A_100 = arith.constant 0 : i32
      %dma_wait3A_101 = tpu.memref_slice %arg2[%dma_wait3A_99, %dma_wait3A_100] : memref<20480x128xf32, #tpu.memory_space<hbm>> -> memref<20480x128xf32, #tpu.memory_space<hbm>>
      tpu.wait_indirect_dma semaphore(%arg17 : memref<!tpu.dma_semaphore, #tpu.memory_space<semaphore_mem>>) src(%dma_wait3A_101 : memref<20480x128xf32, #tpu.memory_space<hbm>>) dst(%arg12 : memref<128x128xf32, #tpu.memory_space<vmem>>)
      "tpu.region"() ({
        %run_scoped3A = tpu.sem_alloc : memref<!tpu.dma_semaphore, #tpu.memory_space<semaphore_mem>>
        %dma_start3A_109 = arith.constant 0 : i32
        %dma_start3A_110 = arith.constant 0 : i32
        %dma_start3A_111 = tpu.memref_slice %arg13[%dma_start3A_109, %dma_start3A_110] : memref<10240x128xf32, #tpu.memory_space<vmem_shared>> -> memref<10240x128xf32, #tpu.memory_space<vmem_shared>>
        tpu.enqueue_indirect_dma source(%arg12 : memref<128x128xf32, #tpu.memory_space<vmem>>) target(%dma_start3A_111 : memref<10240x128xf32, #tpu.memory_space<vmem_shared>>) offsets(%arg10 : memref<128xi32, #tpu.memory_space<vmem>>) semaphore(%run_scoped3A : memref<!tpu.dma_semaphore, #tpu.memory_space<semaphore_mem>>) {add = true}
        %dma_wait3A_112 = arith.constant 0 : i32
        %dma_wait3A_113 = arith.constant 0 : i32
        %dma_wait3A_114 = tpu.memref_slice %arg13[%dma_wait3A_112, %dma_wait3A_113] : memref<10240x128xf32, #tpu.memory_space<vmem_shared>> -> memref<10240x128xf32, #tpu.memory_space<vmem_shared>>
        tpu.wait_indirect_dma semaphore(%run_scoped3A : memref<!tpu.dma_semaphore, #tpu.memory_space<semaphore_mem>>) src(%arg12 : memref<128x128xf32, #tpu.memory_space<vmem>>) dst(%dma_wait3A_114 : memref<10240x128xf32, #tpu.memory_space<vmem_shared>>)
        tpu.yield
      }) : () -> ()
      %add3A_102 = arith.constant 2 : i32
      %add3A_103 = arith.addi %add3A_91, %add3A_102 : i32
      %lt3A_104 = arith.constant 160 : i32
      %lt3A_105 = arith.cmpi slt, %add3A_103, %lt3A_104 : i32
      %convert_element_type3A_106 = arith.extui %lt3A_105 : i1 to i32
      %cond3A_107 = arith.constant 0 : i32
      %cond3A_108 = arith.cmpi ne, %convert_element_type3A_106, %cond3A_107 : i32
      scf.if %cond3A_108 {
        %add3A_109 = arith.constant 2 : i32
        %add3A_110 = arith.addi %add3A_91, %add3A_109 : i32
        %add3A_111 = arith.addi %add3A, %add3A_110 : i32
        %dma_start3A_112 = arith.constant 0 : i32
        %dma_start3A_113 = tpu.memref_slice %arg3[%add3A_111, %dma_start3A_112] : memref<5120x128xi32, #tpu.memory_space<hbm>> -> memref<1x128xi32, #tpu.memory_space<hbm>>
        %dma_start3A_114 = tpu.memref_squeeze %dma_start3A_113 : memref<1x128xi32, #tpu.memory_space<hbm>> -> memref<128xi32, #tpu.memory_space<hbm>>
        %dma_start3A_115 = arith.constant 0 : i32
        %dma_start3A_116 = tpu.memref_slice %arg3[%add3A_111, %dma_start3A_115] : memref<5120x128xi32, #tpu.memory_space<hbm>> -> memref<1x128xi32, #tpu.memory_space<hbm>>
        %dma_start3A_117 = tpu.memref_squeeze %dma_start3A_116 : memref<1x128xi32, #tpu.memory_space<hbm>> -> memref<128xi32, #tpu.memory_space<hbm>>
        tpu.enqueue_dma source(%dma_start3A_117 : memref<128xi32, #tpu.memory_space<hbm>>) target(%arg8 : memref<128xi32, #tpu.memory_space<vmem>>) target_semaphore(%arg15 : memref<!tpu.dma_semaphore, #tpu.memory_space<semaphore_mem>>)
        %add3A_118 = arith.addi %mul3A_4, %add3A_110 : i32
        %dma_start3A_119 = arith.constant 0 : i32
        %dma_start3A_120 = tpu.memref_slice %arg4[%add3A_118, %dma_start3A_119] : memref<2560x128xi32, #tpu.memory_space<hbm>> -> memref<1x128xi32, #tpu.memory_space<hbm>>
        %dma_start3A_121 = tpu.memref_squeeze %dma_start3A_120 : memref<1x128xi32, #tpu.memory_space<hbm>> -> memref<128xi32, #tpu.memory_space<hbm>>
        %dma_start3A_122 = arith.constant 0 : i32
        %dma_start3A_123 = tpu.memref_slice %arg4[%add3A_118, %dma_start3A_122] : memref<2560x128xi32, #tpu.memory_space<hbm>> -> memref<1x128xi32, #tpu.memory_space<hbm>>
        %dma_start3A_124 = tpu.memref_squeeze %dma_start3A_123 : memref<1x128xi32, #tpu.memory_space<hbm>> -> memref<128xi32, #tpu.memory_space<hbm>>
        tpu.enqueue_dma source(%dma_start3A_124 : memref<128xi32, #tpu.memory_space<hbm>>) target(%arg10 : memref<128xi32, #tpu.memory_space<vmem>>) target_semaphore(%arg15 : memref<!tpu.dma_semaphore, #tpu.memory_space<semaphore_mem>>)
      } else {
      }
    }
    %scan3A_60 = arith.constant 80 : i32
    %barrier3A_61 = arith.constant 0 : index
    tpu.barrier barrier_id(%barrier3A_61)
    %mul3A_62 = arith.constant 640 : i32
    %mul3A_63 = arith.muli %arg1, %mul3A_62 : i32
    %mul3A_64 = arith.constant 10240 : i32
    %mul3A_65 = arith.muli %arg0, %mul3A_64 : i32
    %mul3A_66 = arith.constant 640 : i32
    %mul3A_67 = arith.muli %arg1, %mul3A_66 : i32
    %add3A_68 = arith.addi %mul3A_65, %mul3A_67 : i32
    "tpu.region"() ({
      %run_scoped3A = tpu.sem_alloc : memref<!tpu.dma_semaphore, #tpu.memory_space<semaphore_mem>>
      %dma_start3A_69 = arith.constant 0 : i32
      %dma_start3A_70 = tpu.memref_slice %arg6[%add3A_68, %dma_start3A_69] : memref<20480x128xf32, #tpu.memory_space<hbm>> -> memref<640x128xf32, #tpu.memory_space<hbm>>
      %dma_start3A_71 = arith.constant 0 : i32
      %dma_start3A_72 = tpu.memref_slice %arg13[%mul3A_63, %dma_start3A_71] : memref<10240x128xf32, #tpu.memory_space<vmem_shared>> -> memref<640x128xf32, #tpu.memory_space<vmem_shared>>
      tpu.enqueue_dma source(%dma_start3A_72 : memref<640x128xf32, #tpu.memory_space<vmem_shared>>) target(%dma_start3A_70 : memref<640x128xf32, #tpu.memory_space<hbm>>) target_semaphore(%run_scoped3A : memref<!tpu.dma_semaphore, #tpu.memory_space<semaphore_mem>>)
      %dma_wait3A_73 = arith.constant 0 : i32
      %dma_wait3A_74 = tpu.memref_slice %arg6[%add3A_68, %dma_wait3A_73] : memref<20480x128xf32, #tpu.memory_space<hbm>> -> memref<640x128xf32, #tpu.memory_space<hbm>>
      %dma_wait3A_75 = arith.constant 0 : i32
      %dma_wait3A_76 = tpu.memref_slice %arg13[%mul3A_63, %dma_wait3A_75] : memref<10240x128xf32, #tpu.memory_space<vmem_shared>> -> memref<640x128xf32, #tpu.memory_space<vmem_shared>>
      tpu.wait_dma2 semaphore(%run_scoped3A : memref<!tpu.dma_semaphore, #tpu.memory_space<semaphore_mem>>) src(%dma_wait3A_76 : memref<640x128xf32, #tpu.memory_space<vmem_shared>>) dst(%dma_wait3A_74 : memref<640x128xf32, #tpu.memory_space<hbm>>)
      tpu.yield
    }) : () -> ()
    return
  }
}

#map = affine_map<(d0, d1) -> (0, 0)>
module attributes {stable_mosaic.version = 14 : i64} {
  func.func @_deg_body(%arg0: i32, %arg1: i32, %arg2: memref<2560x128xi32, #tpu.memory_space<hbm>>, %arg3: memref<128x128xf32, #tpu.memory_space<hbm>>, %arg4: memref<10240x128xf32, #tpu.memory_space<hbm>>, %arg5: memref<20480x128xf32, #tpu.memory_space<hbm>>, %arg6: memref<80x128xi32, #tpu.memory_space<vmem>>, %arg7: memref<128x128xf32, #tpu.memory_space<vmem>>, %arg8: memref<10240x128xf32, #tpu.memory_space<vmem_shared>>) attributes {dimension_semantics = [#tpu.dimension_semantics<core_parallel>, #tpu.dimension_semantics<subcore_parallel>], iteration_bounds = array<i64: 2, 16>, scalar_prefetch = 0 : i64, scratch_operands = 3 : i64, tpu.core_type = #tpu.core_type<sc_vector_subcore>, window_params = [{transform_indices = #map}, {transform_indices = #map}, {transform_indices = #map}, {transform_indices = #map}]} {
    %mul3A = arith.constant 16 : i32
    %mul3A_0 = arith.muli %arg0, %mul3A : i32
    %add3A = arith.addi %mul3A_0, %arg1 : i32
    %mul3A_1 = arith.constant 80 : i32
    %mul3A_2 = arith.muli %add3A, %mul3A_1 : i32
    "tpu.region"() ({
      %run_scoped3A = tpu.sem_alloc : memref<!tpu.dma_semaphore, #tpu.memory_space<semaphore_mem>>
      %dma_start3A = arith.constant 0 : i32
      %dma_start3A_20 = tpu.memref_slice %arg2[%mul3A_2, %dma_start3A] : memref<2560x128xi32, #tpu.memory_space<hbm>> -> memref<80x128xi32, #tpu.memory_space<hbm>>
      %dma_start3A_21 = arith.constant 0 : i32
      %dma_start3A_22 = tpu.memref_slice %arg2[%mul3A_2, %dma_start3A_21] : memref<2560x128xi32, #tpu.memory_space<hbm>> -> memref<80x128xi32, #tpu.memory_space<hbm>>
      tpu.enqueue_dma source(%dma_start3A_22 : memref<80x128xi32, #tpu.memory_space<hbm>>) target(%arg6 : memref<80x128xi32, #tpu.memory_space<vmem>>) target_semaphore(%run_scoped3A : memref<!tpu.dma_semaphore, #tpu.memory_space<semaphore_mem>>)
      %dma_wait3A = arith.constant 0 : i32
      %dma_wait3A_23 = tpu.memref_slice %arg2[%mul3A_2, %dma_wait3A] : memref<2560x128xi32, #tpu.memory_space<hbm>> -> memref<80x128xi32, #tpu.memory_space<hbm>>
      %dma_wait3A_24 = arith.constant 0 : i32
      %dma_wait3A_25 = tpu.memref_slice %arg2[%mul3A_2, %dma_wait3A_24] : memref<2560x128xi32, #tpu.memory_space<hbm>> -> memref<80x128xi32, #tpu.memory_space<hbm>>
      tpu.wait_dma2 semaphore(%run_scoped3A : memref<!tpu.dma_semaphore, #tpu.memory_space<semaphore_mem>>) src(%dma_wait3A_25 : memref<80x128xi32, #tpu.memory_space<hbm>>) dst(%arg6 : memref<80x128xi32, #tpu.memory_space<vmem>>)
      tpu.yield
    }) : () -> ()
    "tpu.region"() ({
      %run_scoped3A = tpu.sem_alloc : memref<!tpu.dma_semaphore, #tpu.memory_space<semaphore_mem>>
      tpu.enqueue_dma source(%arg3 : memref<128x128xf32, #tpu.memory_space<hbm>>) target(%arg7 : memref<128x128xf32, #tpu.memory_space<vmem>>) target_semaphore(%run_scoped3A : memref<!tpu.dma_semaphore, #tpu.memory_space<semaphore_mem>>)
      tpu.wait_dma2 semaphore(%run_scoped3A : memref<!tpu.dma_semaphore, #tpu.memory_space<semaphore_mem>>) src(%arg3 : memref<128x128xf32, #tpu.memory_space<hbm>>) dst(%arg7 : memref<128x128xf32, #tpu.memory_space<vmem>>)
      tpu.yield
    }) : () -> ()
    %mul3A_3 = arith.constant 640 : i32
    %mul3A_4 = arith.muli %arg1, %mul3A_3 : i32
    %mul3A_5 = arith.constant 640 : i32
    %mul3A_6 = arith.muli %arg1, %mul3A_5 : i32
    "tpu.region"() ({
      %run_scoped3A = tpu.sem_alloc : memref<!tpu.dma_semaphore, #tpu.memory_space<semaphore_mem>>
      %dma_start3A = arith.constant 0 : i32
      %dma_start3A_20 = tpu.memref_slice %arg8[%mul3A_6, %dma_start3A] : memref<10240x128xf32, #tpu.memory_space<vmem_shared>> -> memref<640x128xf32, #tpu.memory_space<vmem_shared>>
      %dma_start3A_21 = arith.constant 0 : i32
      %dma_start3A_22 = tpu.memref_slice %arg4[%mul3A_4, %dma_start3A_21] : memref<10240x128xf32, #tpu.memory_space<hbm>> -> memref<640x128xf32, #tpu.memory_space<hbm>>
      tpu.enqueue_dma source(%dma_start3A_22 : memref<640x128xf32, #tpu.memory_space<hbm>>) target(%dma_start3A_20 : memref<640x128xf32, #tpu.memory_space<vmem_shared>>) target_semaphore(%run_scoped3A : memref<!tpu.dma_semaphore, #tpu.memory_space<semaphore_mem>>)
      %dma_wait3A = arith.constant 0 : i32
      %dma_wait3A_23 = tpu.memref_slice %arg8[%mul3A_6, %dma_wait3A] : memref<10240x128xf32, #tpu.memory_space<vmem_shared>> -> memref<640x128xf32, #tpu.memory_space<vmem_shared>>
      %dma_wait3A_24 = arith.constant 0 : i32
      %dma_wait3A_25 = tpu.memref_slice %arg4[%mul3A_4, %dma_wait3A_24] : memref<10240x128xf32, #tpu.memory_space<hbm>> -> memref<640x128xf32, #tpu.memory_space<hbm>>
      tpu.wait_dma2 semaphore(%run_scoped3A : memref<!tpu.dma_semaphore, #tpu.memory_space<semaphore_mem>>) src(%dma_wait3A_25 : memref<640x128xf32, #tpu.memory_space<hbm>>) dst(%dma_wait3A_23 : memref<640x128xf32, #tpu.memory_space<vmem_shared>>)
      tpu.yield
    }) : () -> ()
    %barrier3A = arith.constant 0 : index
    tpu.barrier barrier_id(%barrier3A)
    %scan3A = arith.constant 0 : i32
    %scan3A_7 = arith.constant 0 : i32
    %scan3A_8 = arith.constant 80 : i32
    %scan3A_9 = arith.addi %scan3A_7, %scan3A_8 : i32
    %scan3A_10 = arith.constant 1 : i32
    scf.for %scan3A_20 = %scan3A_7 to %scan3A_9 step %scan3A_10  : i32 {
      "tpu.region"() ({
        %run_scoped3A = tpu.sem_alloc : memref<!tpu.dma_semaphore, #tpu.memory_space<semaphore_mem>>
        %dma_start3A = arith.constant 0 : i32
        %dma_start3A_21 = tpu.memref_slice %arg6[%scan3A_20, %dma_start3A] : memref<80x128xi32, #tpu.memory_space<vmem>> -> memref<1x128xi32, #tpu.memory_space<vmem>>
        %dma_start3A_22 = tpu.memref_squeeze %dma_start3A_21 : memref<1x128xi32, #tpu.memory_space<vmem>> -> memref<128xi32, #tpu.memory_space<vmem>>
        %dma_start3A_23 = arith.constant 0 : i32
        %dma_start3A_24 = arith.constant 0 : i32
        %dma_start3A_25 = tpu.memref_slice %arg8[%dma_start3A_23, %dma_start3A_24] : memref<10240x128xf32, #tpu.memory_space<vmem_shared>> -> memref<10240x128xf32, #tpu.memory_space<vmem_shared>>
        tpu.enqueue_indirect_dma source(%arg7 : memref<128x128xf32, #tpu.memory_space<vmem>>) target(%dma_start3A_25 : memref<10240x128xf32, #tpu.memory_space<vmem_shared>>) offsets(%dma_start3A_22 : memref<128xi32, #tpu.memory_space<vmem>>) semaphore(%run_scoped3A : memref<!tpu.dma_semaphore, #tpu.memory_space<semaphore_mem>>) {add = true}
        %dma_wait3A = arith.constant 0 : i32
        %dma_wait3A_26 = tpu.memref_slice %arg6[%scan3A_20, %dma_wait3A] : memref<80x128xi32, #tpu.memory_space<vmem>> -> memref<1x128xi32, #tpu.memory_space<vmem>>
        %dma_wait3A_27 = tpu.memref_squeeze %dma_wait3A_26 : memref<1x128xi32, #tpu.memory_space<vmem>> -> memref<128xi32, #tpu.memory_space<vmem>>
        %dma_wait3A_28 = arith.constant 0 : i32
        %dma_wait3A_29 = arith.constant 0 : i32
        %dma_wait3A_30 = tpu.memref_slice %arg8[%dma_wait3A_28, %dma_wait3A_29] : memref<10240x128xf32, #tpu.memory_space<vmem_shared>> -> memref<10240x128xf32, #tpu.memory_space<vmem_shared>>
        tpu.wait_indirect_dma semaphore(%run_scoped3A : memref<!tpu.dma_semaphore, #tpu.memory_space<semaphore_mem>>) src(%arg7 : memref<128x128xf32, #tpu.memory_space<vmem>>) dst(%dma_wait3A_30 : memref<10240x128xf32, #tpu.memory_space<vmem_shared>>)
        tpu.yield
      }) : () -> ()
    }
    %scan3A_11 = arith.constant 80 : i32
    %barrier3A_12 = arith.constant 0 : index
    tpu.barrier barrier_id(%barrier3A_12)
    %mul3A_13 = arith.constant 640 : i32
    %mul3A_14 = arith.muli %arg1, %mul3A_13 : i32
    %mul3A_15 = arith.constant 10240 : i32
    %mul3A_16 = arith.muli %arg0, %mul3A_15 : i32
    %mul3A_17 = arith.constant 640 : i32
    %mul3A_18 = arith.muli %arg1, %mul3A_17 : i32
    %add3A_19 = arith.addi %mul3A_16, %mul3A_18 : i32
    "tpu.region"() ({
      %run_scoped3A = tpu.sem_alloc : memref<!tpu.dma_semaphore, #tpu.memory_space<semaphore_mem>>
      %dma_start3A = arith.constant 0 : i32
      %dma_start3A_20 = tpu.memref_slice %arg5[%add3A_19, %dma_start3A] : memref<20480x128xf32, #tpu.memory_space<hbm>> -> memref<640x128xf32, #tpu.memory_space<hbm>>
      %dma_start3A_21 = arith.constant 0 : i32
      %dma_start3A_22 = tpu.memref_slice %arg8[%mul3A_14, %dma_start3A_21] : memref<10240x128xf32, #tpu.memory_space<vmem_shared>> -> memref<640x128xf32, #tpu.memory_space<vmem_shared>>
      tpu.enqueue_dma source(%dma_start3A_22 : memref<640x128xf32, #tpu.memory_space<vmem_shared>>) target(%dma_start3A_20 : memref<640x128xf32, #tpu.memory_space<hbm>>) target_semaphore(%run_scoped3A : memref<!tpu.dma_semaphore, #tpu.memory_space<semaphore_mem>>)
      %dma_wait3A = arith.constant 0 : i32
      %dma_wait3A_23 = tpu.memref_slice %arg5[%add3A_19, %dma_wait3A] : memref<20480x128xf32, #tpu.memory_space<hbm>> -> memref<640x128xf32, #tpu.memory_space<hbm>>
      %dma_wait3A_24 = arith.constant 0 : i32
      %dma_wait3A_25 = tpu.memref_slice %arg8[%mul3A_14, %dma_wait3A_24] : memref<10240x128xf32, #tpu.memory_space<vmem_shared>> -> memref<640x128xf32, #tpu.memory_space<vmem_shared>>
      tpu.wait_dma2 semaphore(%run_scoped3A : memref<!tpu.dma_semaphore, #tpu.memory_space<semaphore_mem>>) src(%dma_wait3A_25 : memref<640x128xf32, #tpu.memory_space<vmem_shared>>) dst(%dma_wait3A_23 : memref<640x128xf32, #tpu.memory_space<hbm>>)
      tpu.yield
    }) : () -> ()
    return
  }
}

#map = affine_map<(d0, d1) -> (0, 0)>
module attributes {stable_mosaic.version = 14 : i64} {
  func.func @_agg_body(%arg0: i32, %arg1: i32, %arg2: memref<20480x128xf32, #tpu.memory_space<hbm>>, %arg3: memref<5120x128xi32, #tpu.memory_space<hbm>>, %arg4: memref<2560x128xi32, #tpu.memory_space<hbm>>, %arg5: memref<10240x128xf32, #tpu.memory_space<hbm>>, %arg6: memref<20480x128xf32, #tpu.memory_space<hbm>>, %arg7: memref<128xi32, #tpu.memory_space<vmem>>, %arg8: memref<128xi32, #tpu.memory_space<vmem>>, %arg9: memref<128xi32, #tpu.memory_space<vmem>>, %arg10: memref<128xi32, #tpu.memory_space<vmem>>, %arg11: memref<128x128xf32, #tpu.memory_space<vmem>>, %arg12: memref<128x128xf32, #tpu.memory_space<vmem>>, %arg13: memref<10240x128xf32, #tpu.memory_space<vmem_shared>>, %arg14: memref<!tpu.dma_semaphore, #tpu.memory_space<semaphore_mem>>, %arg15: memref<!tpu.dma_semaphore, #tpu.memory_space<semaphore_mem>>, %arg16: memref<!tpu.dma_semaphore, #tpu.memory_space<semaphore_mem>>, %arg17: memref<!tpu.dma_semaphore, #tpu.memory_space<semaphore_mem>>) attributes {dimension_semantics = [#tpu.dimension_semantics<core_parallel>, #tpu.dimension_semantics<subcore_parallel>], iteration_bounds = array<i64: 2, 16>, scalar_prefetch = 0 : i64, scratch_operands = 11 : i64, tpu.core_type = #tpu.core_type<sc_vector_subcore>, window_params = [{transform_indices = #map}, {transform_indices = #map}, {transform_indices = #map}, {transform_indices = #map}, {transform_indices = #map}]} {
    %mul3A = arith.constant 2560 : i32
    %mul3A_0 = arith.muli %arg0, %mul3A : i32
    %mul3A_1 = arith.constant 160 : i32
    %mul3A_2 = arith.muli %arg1, %mul3A_1 : i32
    %add3A = arith.addi %mul3A_0, %mul3A_2 : i32
    %mul3A_3 = arith.constant 160 : i32
    %mul3A_4 = arith.muli %arg1, %mul3A_3 : i32
    %mul3A_5 = arith.constant 640 : i32
    %mul3A_6 = arith.muli %arg1, %mul3A_5 : i32
    %mul3A_7 = arith.constant 640 : i32
    %mul3A_8 = arith.muli %arg1, %mul3A_7 : i32
    "tpu.region"() ({
      %run_scoped3A = tpu.sem_alloc : memref<!tpu.dma_semaphore, #tpu.memory_space<semaphore_mem>>
      %dma_start3A_69 = arith.constant 0 : i32
      %dma_start3A_70 = tpu.memref_slice %arg13[%mul3A_8, %dma_start3A_69] : memref<10240x128xf32, #tpu.memory_space<vmem_shared>> -> memref<640x128xf32, #tpu.memory_space<vmem_shared>>
      %dma_start3A_71 = arith.constant 0 : i32
      %dma_start3A_72 = tpu.memref_slice %arg5[%mul3A_6, %dma_start3A_71] : memref<10240x128xf32, #tpu.memory_space<hbm>> -> memref<640x128xf32, #tpu.memory_space<hbm>>
      tpu.enqueue_dma source(%dma_start3A_72 : memref<640x128xf32, #tpu.memory_space<hbm>>) target(%dma_start3A_70 : memref<640x128xf32, #tpu.memory_space<vmem_shared>>) target_semaphore(%run_scoped3A : memref<!tpu.dma_semaphore, #tpu.memory_space<semaphore_mem>>)
      %dma_wait3A_73 = arith.constant 0 : i32
      %dma_wait3A_74 = tpu.memref_slice %arg13[%mul3A_8, %dma_wait3A_73] : memref<10240x128xf32, #tpu.memory_space<vmem_shared>> -> memref<640x128xf32, #tpu.memory_space<vmem_shared>>
      %dma_wait3A_75 = arith.constant 0 : i32
      %dma_wait3A_76 = tpu.memref_slice %arg5[%mul3A_6, %dma_wait3A_75] : memref<10240x128xf32, #tpu.memory_space<hbm>> -> memref<640x128xf32, #tpu.memory_space<hbm>>
      tpu.wait_dma2 semaphore(%run_scoped3A : memref<!tpu.dma_semaphore, #tpu.memory_space<semaphore_mem>>) src(%dma_wait3A_76 : memref<640x128xf32, #tpu.memory_space<hbm>>) dst(%dma_wait3A_74 : memref<640x128xf32, #tpu.memory_space<vmem_shared>>)
      tpu.yield
    }) : () -> ()
    %barrier3A = arith.constant 0 : index
    tpu.barrier barrier_id(%barrier3A)
    %add3A_9 = arith.constant 0 : i32
    %add3A_10 = arith.addi %add3A, %add3A_9 : i32
    %dma_start3A = arith.constant 0 : i32
    %dma_start3A_11 = tpu.memref_slice %arg3[%add3A_10, %dma_start3A] : memref<5120x128xi32, #tpu.memory_space<hbm>> -> memref<1x128xi32, #tpu.memory_space<hbm>>
    %dma_start3A_12 = tpu.memref_squeeze %dma_start3A_11 : memref<1x128xi32, #tpu.memory_space<hbm>> -> memref<128xi32, #tpu.memory_space<hbm>>
    %dma_start3A_13 = arith.constant 0 : i32
    %dma_start3A_14 = tpu.memref_slice %arg3[%add3A_10, %dma_start3A_13] : memref<5120x128xi32, #tpu.memory_space<hbm>> -> memref<1x128xi32, #tpu.memory_space<hbm>>
    %dma_start3A_15 = tpu.memref_squeeze %dma_start3A_14 : memref<1x128xi32, #tpu.memory_space<hbm>> -> memref<128xi32, #tpu.memory_space<hbm>>
    tpu.enqueue_dma source(%dma_start3A_15 : memref<128xi32, #tpu.memory_space<hbm>>) target(%arg7 : memref<128xi32, #tpu.memory_space<vmem>>) target_semaphore(%arg14 : memref<!tpu.dma_semaphore, #tpu.memory_space<semaphore_mem>>)
    %add3A_16 = arith.constant 0 : i32
    %add3A_17 = arith.addi %mul3A_4, %add3A_16 : i32
    %dma_start3A_18 = arith.constant 0 : i32
    %dma_start3A_19 = tpu.memref_slice %arg4[%add3A_17, %dma_start3A_18] : memref<2560x128xi32, #tpu.memory_space<hbm>> -> memref<1x128xi32, #tpu.memory_space<hbm>>
    %dma_start3A_20 = tpu.memref_squeeze %dma_start3A_19 : memref<1x128xi32, #tpu.memory_space<hbm>> -> memref<128xi32, #tpu.memory_space<hbm>>
    %dma_start3A_21 = arith.constant 0 : i32
    %dma_start3A_22 = tpu.memref_slice %arg4[%add3A_17, %dma_start3A_21] : memref<2560x128xi32, #tpu.memory_space<hbm>> -> memref<1x128xi32, #tpu.memory_space<hbm>>
    %dma_start3A_23 = tpu.memref_squeeze %dma_start3A_22 : memref<1x128xi32, #tpu.memory_space<hbm>> -> memref<128xi32, #tpu.memory_space<hbm>>
    tpu.enqueue_dma source(%dma_start3A_23 : memref<128xi32, #tpu.memory_space<hbm>>) target(%arg9 : memref<128xi32, #tpu.memory_space<vmem>>) target_semaphore(%arg14 : memref<!tpu.dma_semaphore, #tpu.memory_space<semaphore_mem>>)
    %dma_wait3A = arith.constant 0 : i32
    %dma_wait3A_24 = arith.constant 0 : i32
    %dma_wait3A_25 = tpu.memref_slice %arg3[%dma_wait3A, %dma_wait3A_24] : memref<5120x128xi32, #tpu.memory_space<hbm>> -> memref<1x128xi32, #tpu.memory_space<hbm>>
    %dma_wait3A_26 = tpu.memref_squeeze %dma_wait3A_25 : memref<1x128xi32, #tpu.memory_space<hbm>> -> memref<128xi32, #tpu.memory_space<hbm>>
    %dma_wait3A_27 = arith.constant 0 : i32
    %dma_wait3A_28 = tpu.memref_slice %arg3[%dma_wait3A, %dma_wait3A_27] : memref<5120x128xi32, #tpu.memory_space<hbm>> -> memref<1x128xi32, #tpu.memory_space<hbm>>
    %dma_wait3A_29 = tpu.memref_squeeze %dma_wait3A_28 : memref<1x128xi32, #tpu.memory_space<hbm>> -> memref<128xi32, #tpu.memory_space<hbm>>
    tpu.wait_dma2 semaphore(%arg14 : memref<!tpu.dma_semaphore, #tpu.memory_space<semaphore_mem>>) src(%dma_wait3A_29 : memref<128xi32, #tpu.memory_space<hbm>>) dst(%arg7 : memref<128xi32, #tpu.memory_space<vmem>>)
    %dma_wait3A_30 = arith.constant 0 : i32
    %dma_wait3A_31 = arith.constant 0 : i32
    %dma_wait3A_32 = tpu.memref_slice %arg4[%dma_wait3A_30, %dma_wait3A_31] : memref<2560x128xi32, #tpu.memory_space<hbm>> -> memref<1x128xi32, #tpu.memory_space<hbm>>
    %dma_wait3A_33 = tpu.memref_squeeze %dma_wait3A_32 : memref<1x128xi32, #tpu.memory_space<hbm>> -> memref<128xi32, #tpu.memory_space<hbm>>
    %dma_wait3A_34 = arith.constant 0 : i32
    %dma_wait3A_35 = tpu.memref_slice %arg4[%dma_wait3A_30, %dma_wait3A_34] : memref<2560x128xi32, #tpu.memory_space<hbm>> -> memref<1x128xi32, #tpu.memory_space<hbm>>
    %dma_wait3A_36 = tpu.memref_squeeze %dma_wait3A_35 : memref<1x128xi32, #tpu.memory_space<hbm>> -> memref<128xi32, #tpu.memory_space<hbm>>
    tpu.wait_dma2 semaphore(%arg14 : memref<!tpu.dma_semaphore, #tpu.memory_space<semaphore_mem>>) src(%dma_wait3A_36 : memref<128xi32, #tpu.memory_space<hbm>>) dst(%arg9 : memref<128xi32, #tpu.memory_space<vmem>>)
    %dma_start3A_37 = arith.constant 0 : i32
    %dma_start3A_38 = arith.constant 0 : i32
    %dma_start3A_39 = tpu.memref_slice %arg2[%dma_start3A_37, %dma_start3A_38] : memref<20480x128xf32, #tpu.memory_space<hbm>> -> memref<20480x128xf32, #tpu.memory_space<hbm>>
    tpu.enqueue_indirect_dma source(%dma_start3A_39 : memref<20480x128xf32, #tpu.memory_space<hbm>>) target(%arg11 : memref<128x128xf32, #tpu.memory_space<vmem>>) offsets(%arg7 : memref<128xi32, #tpu.memory_space<vmem>>) semaphore(%arg16 : memref<!tpu.dma_semaphore, #tpu.memory_space<semaphore_mem>>)
    %add3A_40 = arith.constant 1 : i32
    %add3A_41 = arith.addi %add3A, %add3A_40 : i32
    %dma_start3A_42 = arith.constant 0 : i32
    %dma_start3A_43 = tpu.memref_slice %arg3[%add3A_41, %dma_start3A_42] : memref<5120x128xi32, #tpu.memory_space<hbm>> -> memref<1x128xi32, #tpu.memory_space<hbm>>
    %dma_start3A_44 = tpu.memref_squeeze %dma_start3A_43 : memref<1x128xi32, #tpu.memory_space<hbm>> -> memref<128xi32, #tpu.memory_space<hbm>>
    %dma_start3A_45 = arith.constant 0 : i32
    %dma_start3A_46 = tpu.memref_slice %arg3[%add3A_41, %dma_start3A_45] : memref<5120x128xi32, #tpu.memory_space<hbm>> -> memref<1x128xi32, #tpu.memory_space<hbm>>
    %dma_start3A_47 = tpu.memref_squeeze %dma_start3A_46 : memref<1x128xi32, #tpu.memory_space<hbm>> -> memref<128xi32, #tpu.memory_space<hbm>>
    tpu.enqueue_dma source(%dma_start3A_47 : memref<128xi32, #tpu.memory_space<hbm>>) target(%arg8 : memref<128xi32, #tpu.memory_space<vmem>>) target_semaphore(%arg15 : memref<!tpu.dma_semaphore, #tpu.memory_space<semaphore_mem>>)
    %add3A_48 = arith.constant 1 : i32
    %add3A_49 = arith.addi %mul3A_4, %add3A_48 : i32
    %dma_start3A_50 = arith.constant 0 : i32
    %dma_start3A_51 = tpu.memref_slice %arg4[%add3A_49, %dma_start3A_50] : memref<2560x128xi32, #tpu.memory_space<hbm>> -> memref<1x128xi32, #tpu.memory_space<hbm>>
    %dma_start3A_52 = tpu.memref_squeeze %dma_start3A_51 : memref<1x128xi32, #tpu.memory_space<hbm>> -> memref<128xi32, #tpu.memory_space<hbm>>
    %dma_start3A_53 = arith.constant 0 : i32
    %dma_start3A_54 = tpu.memref_slice %arg4[%add3A_49, %dma_start3A_53] : memref<2560x128xi32, #tpu.memory_space<hbm>> -> memref<1x128xi32, #tpu.memory_space<hbm>>
    %dma_start3A_55 = tpu.memref_squeeze %dma_start3A_54 : memref<1x128xi32, #tpu.memory_space<hbm>> -> memref<128xi32, #tpu.memory_space<hbm>>
    tpu.enqueue_dma source(%dma_start3A_55 : memref<128xi32, #tpu.memory_space<hbm>>) target(%arg10 : memref<128xi32, #tpu.memory_space<vmem>>) target_semaphore(%arg15 : memref<!tpu.dma_semaphore, #tpu.memory_space<semaphore_mem>>)
    %scan3A = arith.constant 0 : i32
    %scan3A_56 = arith.constant 0 : i32
    %scan3A_57 = arith.constant 80 : i32
    %scan3A_58 = arith.addi %scan3A_56, %scan3A_57 : i32
    %scan3A_59 = arith.constant 1 : i32
    scf.for %scan3A_69 = %scan3A_56 to %scan3A_58 step %scan3A_59  : i32 {
      %mul3A_70 = arith.constant 2 : i32
      %mul3A_71 = arith.muli %mul3A_70, %scan3A_69 : i32
      %add3A_72 = arith.constant 0 : i32
      %add3A_73 = arith.addi %mul3A_71, %add3A_72 : i32
      %add3A_74 = arith.constant 1 : i32
      %add3A_75 = arith.addi %add3A_73, %add3A_74 : i32
      %lt3A = arith.constant 160 : i32
      %lt3A_76 = arith.cmpi slt, %add3A_75, %lt3A : i32
      %convert_element_type3A = arith.extui %lt3A_76 : i1 to i32
      %cond3A = arith.constant 0 : i32
      %cond3A_77 = arith.cmpi ne, %convert_element_type3A, %cond3A : i32
      scf.if %cond3A_77 {
        %dma_wait3A_109 = arith.constant 0 : i32
        %dma_wait3A_110 = arith.constant 0 : i32
        %dma_wait3A_111 = tpu.memref_slice %arg3[%dma_wait3A_109, %dma_wait3A_110] : memref<5120x128xi32, #tpu.memory_space<hbm>> -> memref<1x128xi32, #tpu.memory_space<hbm>>
        %dma_wait3A_112 = tpu.memref_squeeze %dma_wait3A_111 : memref<1x128xi32, #tpu.memory_space<hbm>> -> memref<128xi32, #tpu.memory_space<hbm>>
        %dma_wait3A_113 = arith.constant 0 : i32
        %dma_wait3A_114 = tpu.memref_slice %arg3[%dma_wait3A_109, %dma_wait3A_113] : memref<5120x128xi32, #tpu.memory_space<hbm>> -> memref<1x128xi32, #tpu.memory_space<hbm>>
        %dma_wait3A_115 = tpu.memref_squeeze %dma_wait3A_114 : memref<1x128xi32, #tpu.memory_space<hbm>> -> memref<128xi32, #tpu.memory_space<hbm>>
        tpu.wait_dma2 semaphore(%arg15 : memref<!tpu.dma_semaphore, #tpu.memory_space<semaphore_mem>>) src(%dma_wait3A_115 : memref<128xi32, #tpu.memory_space<hbm>>) dst(%arg8 : memref<128xi32, #tpu.memory_space<vmem>>)
        %dma_wait3A_116 = arith.constant 0 : i32
        %dma_wait3A_117 = arith.constant 0 : i32
        %dma_wait3A_118 = tpu.memref_slice %arg4[%dma_wait3A_116, %dma_wait3A_117] : memref<2560x128xi32, #tpu.memory_space<hbm>> -> memref<1x128xi32, #tpu.memory_space<hbm>>
        %dma_wait3A_119 = tpu.memref_squeeze %dma_wait3A_118 : memref<1x128xi32, #tpu.memory_space<hbm>> -> memref<128xi32, #tpu.memory_space<hbm>>
        %dma_wait3A_120 = arith.constant 0 : i32
        %dma_wait3A_121 = tpu.memref_slice %arg4[%dma_wait3A_116, %dma_wait3A_120] : memref<2560x128xi32, #tpu.memory_space<hbm>> -> memref<1x128xi32, #tpu.memory_space<hbm>>
        %dma_wait3A_122 = tpu.memref_squeeze %dma_wait3A_121 : memref<1x128xi32, #tpu.memory_space<hbm>> -> memref<128xi32, #tpu.memory_space<hbm>>
        tpu.wait_dma2 semaphore(%arg15 : memref<!tpu.dma_semaphore, #tpu.memory_space<semaphore_mem>>) src(%dma_wait3A_122 : memref<128xi32, #tpu.memory_space<hbm>>) dst(%arg10 : memref<128xi32, #tpu.memory_space<vmem>>)
        %dma_start3A_123 = arith.constant 0 : i32
        %dma_start3A_124 = arith.constant 0 : i32
        %dma_start3A_125 = tpu.memref_slice %arg2[%dma_start3A_123, %dma_start3A_124] : memref<20480x128xf32, #tpu.memory_space<hbm>> -> memref<20480x128xf32, #tpu.memory_space<hbm>>
        tpu.enqueue_indirect_dma source(%dma_start3A_125 : memref<20480x128xf32, #tpu.memory_space<hbm>>) target(%arg12 : memref<128x128xf32, #tpu.memory_space<vmem>>) offsets(%arg8 : memref<128xi32, #tpu.memory_space<vmem>>) semaphore(%arg17 : memref<!tpu.dma_semaphore, #tpu.memory_space<semaphore_mem>>)
      } else {
      }
      %dma_wait3A_78 = arith.constant 0 : i32
      %dma_wait3A_79 = arith.constant 0 : i32
      %dma_wait3A_80 = tpu.memref_slice %arg2[%dma_wait3A_78, %dma_wait3A_79] : memref<20480x128xf32, #tpu.memory_space<hbm>> -> memref<20480x128xf32, #tpu.memory_space<hbm>>
      tpu.wait_indirect_dma semaphore(%arg16 : memref<!tpu.dma_semaphore, #tpu.memory_space<semaphore_mem>>) src(%dma_wait3A_80 : memref<20480x128xf32, #tpu.memory_space<hbm>>) dst(%arg11 : memref<128x128xf32, #tpu.memory_space<vmem>>)
      "tpu.region"() ({
        %run_scoped3A = tpu.sem_alloc : memref<!tpu.dma_semaphore, #tpu.memory_space<semaphore_mem>>
        %dma_start3A_109 = arith.constant 0 : i32
        %dma_start3A_110 = arith.constant 0 : i32
        %dma_start3A_111 = tpu.memref_slice %arg13[%dma_start3A_109, %dma_start3A_110] : memref<10240x128xf32, #tpu.memory_space<vmem_shared>> -> memref<10240x128xf32, #tpu.memory_space<vmem_shared>>
        tpu.enqueue_indirect_dma source(%arg11 : memref<128x128xf32, #tpu.memory_space<vmem>>) target(%dma_start3A_111 : memref<10240x128xf32, #tpu.memory_space<vmem_shared>>) offsets(%arg9 : memref<128xi32, #tpu.memory_space<vmem>>) semaphore(%run_scoped3A : memref<!tpu.dma_semaphore, #tpu.memory_space<semaphore_mem>>) {add = true}
        %dma_wait3A_112 = arith.constant 0 : i32
        %dma_wait3A_113 = arith.constant 0 : i32
        %dma_wait3A_114 = tpu.memref_slice %arg13[%dma_wait3A_112, %dma_wait3A_113] : memref<10240x128xf32, #tpu.memory_space<vmem_shared>> -> memref<10240x128xf32, #tpu.memory_space<vmem_shared>>
        tpu.wait_indirect_dma semaphore(%run_scoped3A : memref<!tpu.dma_semaphore, #tpu.memory_space<semaphore_mem>>) src(%arg11 : memref<128x128xf32, #tpu.memory_space<vmem>>) dst(%dma_wait3A_114 : memref<10240x128xf32, #tpu.memory_space<vmem_shared>>)
        tpu.yield
      }) : () -> ()
      %add3A_81 = arith.constant 2 : i32
      %add3A_82 = arith.addi %add3A_73, %add3A_81 : i32
      %lt3A_83 = arith.constant 160 : i32
      %lt3A_84 = arith.cmpi slt, %add3A_82, %lt3A_83 : i32
      %convert_element_type3A_85 = arith.extui %lt3A_84 : i1 to i32
      %cond3A_86 = arith.constant 0 : i32
      %cond3A_87 = arith.cmpi ne, %convert_element_type3A_85, %cond3A_86 : i32
      scf.if %cond3A_87 {
        %add3A_109 = arith.constant 2 : i32
        %add3A_110 = arith.addi %add3A_73, %add3A_109 : i32
        %add3A_111 = arith.addi %add3A, %add3A_110 : i32
        %dma_start3A_112 = arith.constant 0 : i32
        %dma_start3A_113 = tpu.memref_slice %arg3[%add3A_111, %dma_start3A_112] : memref<5120x128xi32, #tpu.memory_space<hbm>> -> memref<1x128xi32, #tpu.memory_space<hbm>>
        %dma_start3A_114 = tpu.memref_squeeze %dma_start3A_113 : memref<1x128xi32, #tpu.memory_space<hbm>> -> memref<128xi32, #tpu.memory_space<hbm>>
        %dma_start3A_115 = arith.constant 0 : i32
        %dma_start3A_116 = tpu.memref_slice %arg3[%add3A_111, %dma_start3A_115] : memref<5120x128xi32, #tpu.memory_space<hbm>> -> memref<1x128xi32, #tpu.memory_space<hbm>>
        %dma_start3A_117 = tpu.memref_squeeze %dma_start3A_116 : memref<1x128xi32, #tpu.memory_space<hbm>> -> memref<128xi32, #tpu.memory_space<hbm>>
        tpu.enqueue_dma source(%dma_start3A_117 : memref<128xi32, #tpu.memory_space<hbm>>) target(%arg7 : memref<128xi32, #tpu.memory_space<vmem>>) target_semaphore(%arg14 : memref<!tpu.dma_semaphore, #tpu.memory_space<semaphore_mem>>)
        %add3A_118 = arith.addi %mul3A_4, %add3A_110 : i32
        %dma_start3A_119 = arith.constant 0 : i32
        %dma_start3A_120 = tpu.memref_slice %arg4[%add3A_118, %dma_start3A_119] : memref<2560x128xi32, #tpu.memory_space<hbm>> -> memref<1x128xi32, #tpu.memory_space<hbm>>
        %dma_start3A_121 = tpu.memref_squeeze %dma_start3A_120 : memref<1x128xi32, #tpu.memory_space<hbm>> -> memref<128xi32, #tpu.memory_space<hbm>>
        %dma_start3A_122 = arith.constant 0 : i32
        %dma_start3A_123 = tpu.memref_slice %arg4[%add3A_118, %dma_start3A_122] : memref<2560x128xi32, #tpu.memory_space<hbm>> -> memref<1x128xi32, #tpu.memory_space<hbm>>
        %dma_start3A_124 = tpu.memref_squeeze %dma_start3A_123 : memref<1x128xi32, #tpu.memory_space<hbm>> -> memref<128xi32, #tpu.memory_space<hbm>>
        tpu.enqueue_dma source(%dma_start3A_124 : memref<128xi32, #tpu.memory_space<hbm>>) target(%arg9 : memref<128xi32, #tpu.memory_space<vmem>>) target_semaphore(%arg14 : memref<!tpu.dma_semaphore, #tpu.memory_space<semaphore_mem>>)
      } else {
      }
      %mul3A_88 = arith.constant 2 : i32
      %mul3A_89 = arith.muli %mul3A_88, %scan3A_69 : i32
      %add3A_90 = arith.constant 1 : i32
      %add3A_91 = arith.addi %mul3A_89, %add3A_90 : i32
      %add3A_92 = arith.constant 1 : i32
      %add3A_93 = arith.addi %add3A_91, %add3A_92 : i32
      %lt3A_94 = arith.constant 160 : i32
      %lt3A_95 = arith.cmpi slt, %add3A_93, %lt3A_94 : i32
      %convert_element_type3A_96 = arith.extui %lt3A_95 : i1 to i32
      %cond3A_97 = arith.constant 0 : i32
      %cond3A_98 = arith.cmpi ne, %convert_element_type3A_96, %cond3A_97 : i32
      scf.if %cond3A_98 {
        %dma_wait3A_109 = arith.constant 0 : i32
        %dma_wait3A_110 = arith.constant 0 : i32
        %dma_wait3A_111 = tpu.memref_slice %arg3[%dma_wait3A_109, %dma_wait3A_110] : memref<5120x128xi32, #tpu.memory_space<hbm>> -> memref<1x128xi32, #tpu.memory_space<hbm>>
        %dma_wait3A_112 = tpu.memref_squeeze %dma_wait3A_111 : memref<1x128xi32, #tpu.memory_space<hbm>> -> memref<128xi32, #tpu.memory_space<hbm>>
        %dma_wait3A_113 = arith.constant 0 : i32
        %dma_wait3A_114 = tpu.memref_slice %arg3[%dma_wait3A_109, %dma_wait3A_113] : memref<5120x128xi32, #tpu.memory_space<hbm>> -> memref<1x128xi32, #tpu.memory_space<hbm>>
        %dma_wait3A_115 = tpu.memref_squeeze %dma_wait3A_114 : memref<1x128xi32, #tpu.memory_space<hbm>> -> memref<128xi32, #tpu.memory_space<hbm>>
        tpu.wait_dma2 semaphore(%arg14 : memref<!tpu.dma_semaphore, #tpu.memory_space<semaphore_mem>>) src(%dma_wait3A_115 : memref<128xi32, #tpu.memory_space<hbm>>) dst(%arg7 : memref<128xi32, #tpu.memory_space<vmem>>)
        %dma_wait3A_116 = arith.constant 0 : i32
        %dma_wait3A_117 = arith.constant 0 : i32
        %dma_wait3A_118 = tpu.memref_slice %arg4[%dma_wait3A_116, %dma_wait3A_117] : memref<2560x128xi32, #tpu.memory_space<hbm>> -> memref<1x128xi32, #tpu.memory_space<hbm>>
        %dma_wait3A_119 = tpu.memref_squeeze %dma_wait3A_118 : memref<1x128xi32, #tpu.memory_space<hbm>> -> memref<128xi32, #tpu.memory_space<hbm>>
        %dma_wait3A_120 = arith.constant 0 : i32
        %dma_wait3A_121 = tpu.memref_slice %arg4[%dma_wait3A_116, %dma_wait3A_120] : memref<2560x128xi32, #tpu.memory_space<hbm>> -> memref<1x128xi32, #tpu.memory_space<hbm>>
        %dma_wait3A_122 = tpu.memref_squeeze %dma_wait3A_121 : memref<1x128xi32, #tpu.memory_space<hbm>> -> memref<128xi32, #tpu.memory_space<hbm>>
        tpu.wait_dma2 semaphore(%arg14 : memref<!tpu.dma_semaphore, #tpu.memory_space<semaphore_mem>>) src(%dma_wait3A_122 : memref<128xi32, #tpu.memory_space<hbm>>) dst(%arg9 : memref<128xi32, #tpu.memory_space<vmem>>)
        %dma_start3A_123 = arith.constant 0 : i32
        %dma_start3A_124 = arith.constant 0 : i32
        %dma_start3A_125 = tpu.memref_slice %arg2[%dma_start3A_123, %dma_start3A_124] : memref<20480x128xf32, #tpu.memory_space<hbm>> -> memref<20480x128xf32, #tpu.memory_space<hbm>>
        tpu.enqueue_indirect_dma source(%dma_start3A_125 : memref<20480x128xf32, #tpu.memory_space<hbm>>) target(%arg11 : memref<128x128xf32, #tpu.memory_space<vmem>>) offsets(%arg7 : memref<128xi32, #tpu.memory_space<vmem>>) semaphore(%arg16 : memref<!tpu.dma_semaphore, #tpu.memory_space<semaphore_mem>>)
      } else {
      }
      %dma_wait3A_99 = arith.constant 0 : i32
      %dma_wait3A_100 = arith.constant 0 : i32
      %dma_wait3A_101 = tpu.memref_slice %arg2[%dma_wait3A_99, %dma_wait3A_100] : memref<20480x128xf32, #tpu.memory_space<hbm>> -> memref<20480x128xf32, #tpu.memory_space<hbm>>
      tpu.wait_indirect_dma semaphore(%arg17 : memref<!tpu.dma_semaphore, #tpu.memory_space<semaphore_mem>>) src(%dma_wait3A_101 : memref<20480x128xf32, #tpu.memory_space<hbm>>) dst(%arg12 : memref<128x128xf32, #tpu.memory_space<vmem>>)
      "tpu.region"() ({
        %run_scoped3A = tpu.sem_alloc : memref<!tpu.dma_semaphore, #tpu.memory_space<semaphore_mem>>
        %dma_start3A_109 = arith.constant 0 : i32
        %dma_start3A_110 = arith.constant 0 : i32
        %dma_start3A_111 = tpu.memref_slice %arg13[%dma_start3A_109, %dma_start3A_110] : memref<10240x128xf32, #tpu.memory_space<vmem_shared>> -> memref<10240x128xf32, #tpu.memory_space<vmem_shared>>
        tpu.enqueue_indirect_dma source(%arg12 : memref<128x128xf32, #tpu.memory_space<vmem>>) target(%dma_start3A_111 : memref<10240x128xf32, #tpu.memory_space<vmem_shared>>) offsets(%arg10 : memref<128xi32, #tpu.memory_space<vmem>>) semaphore(%run_scoped3A : memref<!tpu.dma_semaphore, #tpu.memory_space<semaphore_mem>>) {add = true}
        %dma_wait3A_112 = arith.constant 0 : i32
        %dma_wait3A_113 = arith.constant 0 : i32
        %dma_wait3A_114 = tpu.memref_slice %arg13[%dma_wait3A_112, %dma_wait3A_113] : memref<10240x128xf32, #tpu.memory_space<vmem_shared>> -> memref<10240x128xf32, #tpu.memory_space<vmem_shared>>
        tpu.wait_indirect_dma semaphore(%run_scoped3A : memref<!tpu.dma_semaphore, #tpu.memory_space<semaphore_mem>>) src(%arg12 : memref<128x128xf32, #tpu.memory_space<vmem>>) dst(%dma_wait3A_114 : memref<10240x128xf32, #tpu.memory_space<vmem_shared>>)
        tpu.yield
      }) : () -> ()
      %add3A_102 = arith.constant 2 : i32
      %add3A_103 = arith.addi %add3A_91, %add3A_102 : i32
      %lt3A_104 = arith.constant 160 : i32
      %lt3A_105 = arith.cmpi slt, %add3A_103, %lt3A_104 : i32
      %convert_element_type3A_106 = arith.extui %lt3A_105 : i1 to i32
      %cond3A_107 = arith.constant 0 : i32
      %cond3A_108 = arith.cmpi ne, %convert_element_type3A_106, %cond3A_107 : i32
      scf.if %cond3A_108 {
        %add3A_109 = arith.constant 2 : i32
        %add3A_110 = arith.addi %add3A_91, %add3A_109 : i32
        %add3A_111 = arith.addi %add3A, %add3A_110 : i32
        %dma_start3A_112 = arith.constant 0 : i32
        %dma_start3A_113 = tpu.memref_slice %arg3[%add3A_111, %dma_start3A_112] : memref<5120x128xi32, #tpu.memory_space<hbm>> -> memref<1x128xi32, #tpu.memory_space<hbm>>
        %dma_start3A_114 = tpu.memref_squeeze %dma_start3A_113 : memref<1x128xi32, #tpu.memory_space<hbm>> -> memref<128xi32, #tpu.memory_space<hbm>>
        %dma_start3A_115 = arith.constant 0 : i32
        %dma_start3A_116 = tpu.memref_slice %arg3[%add3A_111, %dma_start3A_115] : memref<5120x128xi32, #tpu.memory_space<hbm>> -> memref<1x128xi32, #tpu.memory_space<hbm>>
        %dma_start3A_117 = tpu.memref_squeeze %dma_start3A_116 : memref<1x128xi32, #tpu.memory_space<hbm>> -> memref<128xi32, #tpu.memory_space<hbm>>
        tpu.enqueue_dma source(%dma_start3A_117 : memref<128xi32, #tpu.memory_space<hbm>>) target(%arg8 : memref<128xi32, #tpu.memory_space<vmem>>) target_semaphore(%arg15 : memref<!tpu.dma_semaphore, #tpu.memory_space<semaphore_mem>>)
        %add3A_118 = arith.addi %mul3A_4, %add3A_110 : i32
        %dma_start3A_119 = arith.constant 0 : i32
        %dma_start3A_120 = tpu.memref_slice %arg4[%add3A_118, %dma_start3A_119] : memref<2560x128xi32, #tpu.memory_space<hbm>> -> memref<1x128xi32, #tpu.memory_space<hbm>>
        %dma_start3A_121 = tpu.memref_squeeze %dma_start3A_120 : memref<1x128xi32, #tpu.memory_space<hbm>> -> memref<128xi32, #tpu.memory_space<hbm>>
        %dma_start3A_122 = arith.constant 0 : i32
        %dma_start3A_123 = tpu.memref_slice %arg4[%add3A_118, %dma_start3A_122] : memref<2560x128xi32, #tpu.memory_space<hbm>> -> memref<1x128xi32, #tpu.memory_space<hbm>>
        %dma_start3A_124 = tpu.memref_squeeze %dma_start3A_123 : memref<1x128xi32, #tpu.memory_space<hbm>> -> memref<128xi32, #tpu.memory_space<hbm>>
        tpu.enqueue_dma source(%dma_start3A_124 : memref<128xi32, #tpu.memory_space<hbm>>) target(%arg10 : memref<128xi32, #tpu.memory_space<vmem>>) target_semaphore(%arg15 : memref<!tpu.dma_semaphore, #tpu.memory_space<semaphore_mem>>)
      } else {
      }
    }
    %scan3A_60 = arith.constant 80 : i32
    %barrier3A_61 = arith.constant 0 : index
    tpu.barrier barrier_id(%barrier3A_61)
    %mul3A_62 = arith.constant 640 : i32
    %mul3A_63 = arith.muli %arg1, %mul3A_62 : i32
    %mul3A_64 = arith.constant 10240 : i32
    %mul3A_65 = arith.muli %arg0, %mul3A_64 : i32
    %mul3A_66 = arith.constant 640 : i32
    %mul3A_67 = arith.muli %arg1, %mul3A_66 : i32
    %add3A_68 = arith.addi %mul3A_65, %mul3A_67 : i32
    "tpu.region"() ({
      %run_scoped3A = tpu.sem_alloc : memref<!tpu.dma_semaphore, #tpu.memory_space<semaphore_mem>>
      %dma_start3A_69 = arith.constant 0 : i32
      %dma_start3A_70 = tpu.memref_slice %arg6[%add3A_68, %dma_start3A_69] : memref<20480x128xf32, #tpu.memory_space<hbm>> -> memref<640x128xf32, #tpu.memory_space<hbm>>
      %dma_start3A_71 = arith.constant 0 : i32
      %dma_start3A_72 = tpu.memref_slice %arg13[%mul3A_63, %dma_start3A_71] : memref<10240x128xf32, #tpu.memory_space<vmem_shared>> -> memref<640x128xf32, #tpu.memory_space<vmem_shared>>
      tpu.enqueue_dma source(%dma_start3A_72 : memref<640x128xf32, #tpu.memory_space<vmem_shared>>) target(%dma_start3A_70 : memref<640x128xf32, #tpu.memory_space<hbm>>) target_semaphore(%run_scoped3A : memref<!tpu.dma_semaphore, #tpu.memory_space<semaphore_mem>>)
      %dma_wait3A_73 = arith.constant 0 : i32
      %dma_wait3A_74 = tpu.memref_slice %arg6[%add3A_68, %dma_wait3A_73] : memref<20480x128xf32, #tpu.memory_space<hbm>> -> memref<640x128xf32, #tpu.memory_space<hbm>>
      %dma_wait3A_75 = arith.constant 0 : i32
      %dma_wait3A_76 = tpu.memref_slice %arg13[%mul3A_63, %dma_wait3A_75] : memref<10240x128xf32, #tpu.memory_space<vmem_shared>> -> memref<640x128xf32, #tpu.memory_space<vmem_shared>>
      tpu.wait_dma2 semaphore(%run_scoped3A : memref<!tpu.dma_semaphore, #tpu.memory_space<semaphore_mem>>) src(%dma_wait3A_76 : memref<640x128xf32, #tpu.memory_space<vmem_shared>>) dst(%dma_wait3A_74 : memref<640x128xf32, #tpu.memory_space<hbm>>)
      tpu.yield
    }) : () -> ()
    return
  }
}

module attributes {stable_mosaic.version = 14 : i64} {
  func.func @_mm1_body(%arg0: i32, %arg1: memref<2x400x128xf32, #tpu.memory_space<vmem>>, %arg2: memref<400x128xf32, #tpu.memory_space<vmem>>, %arg3: memref<128x256xf32, #tpu.memory_space<vmem>>, %arg4: memref<2x400x128xf32, #tpu.memory_space<vmem>>, %arg5: memref<400x1xf32, #tpu.memory_space<vmem>>) attributes {dimension_semantics = [#tpu.dimension_semantics<arbitrary>], iteration_bounds = array<i64: 25>, scalar_prefetch = 0 : i64, scratch_operands = 0 : i64, tpu.core_type = #tpu.core_type<tc>, window_params = [{transform_indices = @transform_0, window_bounds = array<i64: 2, 400, 128>}, {transform_indices = @transform_1, window_bounds = array<i64: 400, 128>}, {pipeline_mode = #tpu.pipeline_mode<synchronous>, transform_indices = @transform_2, window_bounds = array<i64: 128, 256>}, {transform_indices = @transform_3, window_bounds = array<i64: 2, 400, 128>}, {transform_indices = @transform_4, window_bounds = array<i64: 400, 1>}]} {
    %get3A = arith.constant 0 : index
    %get3A_0 = arith.constant 0 : index
    %get3A_1 = arith.constant 0 : index
    %get3A_2 = vector.load %arg1[%get3A, %get3A_0, %get3A_1] : memref<2x400x128xf32, #tpu.memory_space<vmem>>, vector<1x400x1xf32>
    %get3A_3 = vector.shape_cast %get3A_2 : vector<1x400x1xf32> to vector<400x1xf32>
    %get3A_4 = arith.constant 1 : index
    %get3A_5 = arith.constant 0 : index
    %get3A_6 = arith.constant 0 : index
    %get3A_7 = vector.load %arg1[%get3A_4, %get3A_5, %get3A_6] : memref<2x400x128xf32, #tpu.memory_space<vmem>>, vector<1x400x1xf32>
    %get3A_8 = vector.shape_cast %get3A_7 : vector<1x400x1xf32> to vector<400x1xf32>
    %add3A = arith.addf %get3A_3, %get3A_8 : vector<400x1xf32>
    %add3A_9 = arith.constant 1.000000e+00 : f32
    %add3A_10 = vector.broadcast %add3A_9 : f32 to vector<400x1xf32>
    %add3A_11 = arith.addf %add3A, %add3A_10 : vector<400x1xf32>
    %rsqrt3A = math.rsqrt %add3A_11 : vector<400x1xf32>
    %swap3A = arith.constant 0 : index
    %swap3A_12 = arith.constant 0 : index
    %swap3A_13 = vector.load %arg5[%swap3A, %swap3A_12] : memref<400x1xf32, #tpu.memory_space<vmem>>, vector<400x1xf32>
    tpu.vector_store %arg5[%swap3A, %swap3A_12], %rsqrt3A {strides = array<i32>} : memref<400x1xf32, #tpu.memory_space<vmem>>, vector<400x1xf32>,
    %get3A_14 = arith.constant 0 : index
    %get3A_15 = arith.constant 0 : index
    %get3A_16 = vector.load %arg2[%get3A_14, %get3A_15] : memref<400x128xf32, #tpu.memory_space<vmem>>, vector<400x128xf32>
    %get3A_17 = arith.constant 0 : index
    %get3A_18 = arith.constant 0 : index
    %get3A_19 = vector.load %arg3[%get3A_17, %get3A_18] : memref<128x256xf32, #tpu.memory_space<vmem>>, vector<128x256xf32>
    %dot_general3A = arith.constant dense<0.000000e+00> : vector<400x256xf32>
    %dot_general3A_20 = tpu.matmul %get3A_16, %get3A_19, %dot_general3A {dimension_numbers = #tpu.dot_dimension_numbers<[1], [0], [0], [1], [0, 0, 1, 1], [], []>, transpose_lhs_hint = false} : vector<400x128xf32>, vector<128x256xf32>, vector<400x256xf32> -> vector<400x256xf32>
    %mul3A = vector.broadcast %rsqrt3A : vector<400x1xf32> to vector<400x256xf32>
    %mul3A_21 = arith.mulf %dot_general3A_20, %mul3A : vector<400x256xf32>
    %slice3A = vector.extract_strided_slice %mul3A_21 {offsets = [0, 0], sizes = [400, 128], strides = [1, 1]} : vector<400x256xf32> to vector<400x128xf32>
    %swap3A_22 = arith.constant 0 : index
    %swap3A_23 = arith.constant 0 : index
    %swap3A_24 = arith.constant 0 : index
    %swap3A_25 = vector.load %arg4[%swap3A_22, %swap3A_23, %swap3A_24] : memref<2x400x128xf32, #tpu.memory_space<vmem>>, vector<1x400x128xf32>
    %swap3A_26 = vector.shape_cast %swap3A_25 : vector<1x400x128xf32> to vector<400x128xf32>
    %swap3A_27 = vector.shape_cast %slice3A : vector<400x128xf32> to vector<1x400x128xf32>
    tpu.vector_store %arg4[%swap3A_22, %swap3A_23, %swap3A_24], %swap3A_27 {strides = array<i32>} : memref<2x400x128xf32, #tpu.memory_space<vmem>>, vector<1x400x128xf32>,
    %slice3A_28 = vector.extract_strided_slice %mul3A_21 {offsets = [0, 128], sizes = [400, 128], strides = [1, 1]} : vector<400x256xf32> to vector<400x128xf32>
    %swap3A_29 = arith.constant 1 : index
    %swap3A_30 = arith.constant 0 : index
    %swap3A_31 = arith.constant 0 : index
    %swap3A_32 = vector.load %arg4[%swap3A_29, %swap3A_30, %swap3A_31] : memref<2x400x128xf32, #tpu.memory_space<vmem>>, vector<1x400x128xf32>
    %swap3A_33 = vector.shape_cast %swap3A_32 : vector<1x400x128xf32> to vector<400x128xf32>
    %swap3A_34 = vector.shape_cast %slice3A_28 : vector<400x128xf32> to vector<1x400x128xf32>
    tpu.vector_store %arg4[%swap3A_29, %swap3A_30, %swap3A_31], %swap3A_34 {strides = array<i32>} : memref<2x400x128xf32, #tpu.memory_space<vmem>>, vector<1x400x128xf32>,
    return
  }
  func.func @transform_0(%arg0: i32) -> (i32, i32, i32) {
    %c0_i32 = arith.constant 0 : i32
    %c0_i32_0 = arith.constant 0 : i32
    %c0_i32_1 = arith.constant 0 : i32
    return %c0_i32, %arg0, %c0_i32_0 : i32, i32, i32
  }
  func.func @transform_1(%arg0: i32) -> (i32, i32) {
    %c0_i32 = arith.constant 0 : i32
    %c0_i32_0 = arith.constant 0 : i32
    return %arg0, %c0_i32 : i32, i32
  }
  func.func @transform_2(%arg0: i32) -> (i32, i32) {
    %c0_i32 = arith.constant 0 : i32
    %c0_i32_0 = arith.constant 0 : i32
    %c0_i32_1 = arith.constant 0 : i32
    return %c0_i32, %c0_i32_0 : i32, i32
  }
  func.func @transform_3(%arg0: i32) -> (i32, i32, i32) {
    %c0_i32 = arith.constant 0 : i32
    %c0_i32_0 = arith.constant 0 : i32
    %c0_i32_1 = arith.constant 0 : i32
    return %c0_i32, %arg0, %c0_i32_0 : i32, i32, i32
  }
  func.func @transform_4(%arg0: i32) -> (i32, i32) {
    %c0_i32 = arith.constant 0 : i32
    %c0_i32_0 = arith.constant 0 : i32
    return %arg0, %c0_i32 : i32, i32
  }
}

module attributes {stable_mosaic.version = 14 : i64} {
  func.func @_combine_body(%arg0: i32, %arg1: memref<2x400x128xf32, #tpu.memory_space<vmem>>, %arg2: memref<2x400x128xf32, #tpu.memory_space<vmem>>, %arg3: memref<400x1xf32, #tpu.memory_space<vmem>>, %arg4: memref<1x256xf32, #tpu.memory_space<vmem>>, %arg5: memref<256x256xf32, #tpu.memory_space<vmem>>, %arg6: memref<2x400x128xf32, #tpu.memory_space<vmem>>) attributes {dimension_semantics = [#tpu.dimension_semantics<arbitrary>], iteration_bounds = array<i64: 25>, scalar_prefetch = 0 : i64, scratch_operands = 0 : i64, tpu.core_type = #tpu.core_type<tc>, window_params = [{transform_indices = @transform_0, window_bounds = array<i64: 2, 400, 128>}, {transform_indices = @transform_1, window_bounds = array<i64: 2, 400, 128>}, {transform_indices = @transform_2, window_bounds = array<i64: 400, 1>}, {pipeline_mode = #tpu.pipeline_mode<synchronous>, transform_indices = @transform_3, window_bounds = array<i64: 1, 256>}, {pipeline_mode = #tpu.pipeline_mode<synchronous>, transform_indices = @transform_4, window_bounds = array<i64: 256, 256>}, {transform_indices = @transform_5, window_bounds = array<i64: 2, 400, 128>}]} {
    %get3A = arith.constant 0 : index
    %get3A_0 = arith.constant 0 : index
    %get3A_1 = arith.constant 0 : index
    %get3A_2 = vector.load %arg1[%get3A, %get3A_0, %get3A_1] : memref<2x400x128xf32, #tpu.memory_space<vmem>>, vector<1x400x128xf32>
    %get3A_3 = vector.shape_cast %get3A_2 : vector<1x400x128xf32> to vector<400x128xf32>
    %get3A_4 = arith.constant 0 : index
    %get3A_5 = arith.constant 0 : index
    %get3A_6 = arith.constant 0 : index
    %get3A_7 = vector.load %arg2[%get3A_4, %get3A_5, %get3A_6] : memref<2x400x128xf32, #tpu.memory_space<vmem>>, vector<1x400x128xf32>
    %get3A_8 = vector.shape_cast %get3A_7 : vector<1x400x128xf32> to vector<400x128xf32>
    %add3A = arith.addf %get3A_3, %get3A_8 : vector<400x128xf32>
    %get3A_9 = arith.constant 1 : index
    %get3A_10 = arith.constant 0 : index
    %get3A_11 = arith.constant 0 : index
    %get3A_12 = vector.load %arg1[%get3A_9, %get3A_10, %get3A_11] : memref<2x400x128xf32, #tpu.memory_space<vmem>>, vector<1x400x128xf32>
    %get3A_13 = vector.shape_cast %get3A_12 : vector<1x400x128xf32> to vector<400x128xf32>
    %get3A_14 = arith.constant 1 : index
    %get3A_15 = arith.constant 0 : index
    %get3A_16 = arith.constant 0 : index
    %get3A_17 = vector.load %arg2[%get3A_14, %get3A_15, %get3A_16] : memref<2x400x128xf32, #tpu.memory_space<vmem>>, vector<1x400x128xf32>
    %get3A_18 = vector.shape_cast %get3A_17 : vector<1x400x128xf32> to vector<400x128xf32>
    %add3A_19 = arith.addf %get3A_13, %get3A_18 : vector<400x128xf32>
    %concatenate3A = tpu.concatenate %add3A, %add3A_19 in 1 : vector<400x128xf32>, vector<400x128xf32> -> vector<400x256xf32>
    %get3A_20 = arith.constant 0 : index
    %get3A_21 = arith.constant 0 : index
    %get3A_22 = vector.load %arg3[%get3A_20, %get3A_21] : memref<400x1xf32, #tpu.memory_space<vmem>>, vector<400x1xf32>
    %mul3A = vector.broadcast %get3A_22 : vector<400x1xf32> to vector<400x256xf32>
    %mul3A_23 = arith.mulf %concatenate3A, %mul3A : vector<400x256xf32>
    %get3A_24 = arith.constant 0 : index
    %get3A_25 = arith.constant 0 : index
    %get3A_26 = vector.load %arg4[%get3A_24, %get3A_25] : memref<1x256xf32, #tpu.memory_space<vmem>>, vector<1x256xf32>
    %add3A_27 = vector.broadcast %get3A_26 : vector<1x256xf32> to vector<400x256xf32>
    %add3A_28 = arith.addf %mul3A_23, %add3A_27 : vector<400x256xf32>
    %max3A = arith.constant 0.000000e+00 : f32
    %max3A_29 = vector.broadcast %max3A : f32 to vector<400x256xf32>
    %max3A_30 = arith.maximumf %add3A_28, %max3A_29 : vector<400x256xf32>
    %get3A_31 = arith.constant 0 : index
    %get3A_32 = arith.constant 0 : index
    %get3A_33 = vector.load %arg5[%get3A_31, %get3A_32] : memref<256x256xf32, #tpu.memory_space<vmem>>, vector<256x256xf32>
    %dot_general3A = arith.constant dense<0.000000e+00> : vector<400x256xf32>
    %dot_general3A_34 = tpu.matmul %max3A_30, %get3A_33, %dot_general3A {dimension_numbers = #tpu.dot_dimension_numbers<[1], [0], [0], [1], [0, 0, 1, 1], [], []>, transpose_lhs_hint = false} : vector<400x256xf32>, vector<256x256xf32>, vector<400x256xf32> -> vector<400x256xf32>
    %get3A_35 = arith.constant 0 : index
    %get3A_36 = arith.constant 0 : index
    %get3A_37 = vector.load %arg3[%get3A_35, %get3A_36] : memref<400x1xf32, #tpu.memory_space<vmem>>, vector<400x1xf32>
    %mul3A_38 = vector.broadcast %get3A_37 : vector<400x1xf32> to vector<400x256xf32>
    %mul3A_39 = arith.mulf %dot_general3A_34, %mul3A_38 : vector<400x256xf32>
    %slice3A = vector.extract_strided_slice %mul3A_39 {offsets = [0, 0], sizes = [400, 128], strides = [1, 1]} : vector<400x256xf32> to vector<400x128xf32>
    %swap3A = arith.constant 0 : index
    %swap3A_40 = arith.constant 0 : index
    %swap3A_41 = arith.constant 0 : index
    %swap3A_42 = vector.load %arg6[%swap3A, %swap3A_40, %swap3A_41] : memref<2x400x128xf32, #tpu.memory_space<vmem>>, vector<1x400x128xf32>
    %swap3A_43 = vector.shape_cast %swap3A_42 : vector<1x400x128xf32> to vector<400x128xf32>
    %swap3A_44 = vector.shape_cast %slice3A : vector<400x128xf32> to vector<1x400x128xf32>
    tpu.vector_store %arg6[%swap3A, %swap3A_40, %swap3A_41], %swap3A_44 {strides = array<i32>} : memref<2x400x128xf32, #tpu.memory_space<vmem>>, vector<1x400x128xf32>,
    %slice3A_45 = vector.extract_strided_slice %mul3A_39 {offsets = [0, 128], sizes = [400, 128], strides = [1, 1]} : vector<400x256xf32> to vector<400x128xf32>
    %swap3A_46 = arith.constant 1 : index
    %swap3A_47 = arith.constant 0 : index
    %swap3A_48 = arith.constant 0 : index
    %swap3A_49 = vector.load %arg6[%swap3A_46, %swap3A_47, %swap3A_48] : memref<2x400x128xf32, #tpu.memory_space<vmem>>, vector<1x400x128xf32>
    %swap3A_50 = vector.shape_cast %swap3A_49 : vector<1x400x128xf32> to vector<400x128xf32>
    %swap3A_51 = vector.shape_cast %slice3A_45 : vector<400x128xf32> to vector<1x400x128xf32>
    tpu.vector_store %arg6[%swap3A_46, %swap3A_47, %swap3A_48], %swap3A_51 {strides = array<i32>} : memref<2x400x128xf32, #tpu.memory_space<vmem>>, vector<1x400x128xf32>,
    return
  }
  func.func @transform_0(%arg0: i32) -> (i32, i32, i32) {
    %c0_i32 = arith.constant 0 : i32
    %c0_i32_0 = arith.constant 0 : i32
    %c0_i32_1 = arith.constant 0 : i32
    return %c0_i32, %arg0, %c0_i32_0 : i32, i32, i32
  }
  func.func @transform_1(%arg0: i32) -> (i32, i32, i32) {
    %c0_i32 = arith.constant 0 : i32
    %c0_i32_0 = arith.constant 0 : i32
    %c0_i32_1 = arith.constant 0 : i32
    return %c0_i32, %arg0, %c0_i32_0 : i32, i32, i32
  }
  func.func @transform_2(%arg0: i32) -> (i32, i32) {
    %c0_i32 = arith.constant 0 : i32
    %c0_i32_0 = arith.constant 0 : i32
    return %arg0, %c0_i32 : i32, i32
  }
  func.func @transform_3(%arg0: i32) -> (i32, i32) {
    %c0_i32 = arith.constant 0 : i32
    %c0_i32_0 = arith.constant 0 : i32
    %c0_i32_1 = arith.constant 0 : i32
    return %c0_i32, %c0_i32_0 : i32, i32
  }
  func.func @transform_4(%arg0: i32) -> (i32, i32) {
    %c0_i32 = arith.constant 0 : i32
    %c0_i32_0 = arith.constant 0 : i32
    %c0_i32_1 = arith.constant 0 : i32
    return %c0_i32, %c0_i32_0 : i32, i32
  }
  func.func @transform_5(%arg0: i32) -> (i32, i32, i32) {
    %c0_i32 = arith.constant 0 : i32
    %c0_i32_0 = arith.constant 0 : i32
    %c0_i32_1 = arith.constant 0 : i32
    return %c0_i32, %arg0, %c0_i32_0 : i32, i32, i32
  }
}

module attributes {stable_mosaic.version = 14 : i64} {
  func.func @_pool_body(%arg0: i32, %arg1: memref<2x400x128xf32, #tpu.memory_space<vmem>>, %arg2: memref<2x400x128xf32, #tpu.memory_space<vmem>>, %arg3: memref<400x1xf32, #tpu.memory_space<vmem>>, %arg4: memref<1x256xf32, #tpu.memory_space<vmem>>, %arg5: memref<400x1xi32, #tpu.memory_space<vmem>>, %arg6: memref<256x2xf32, #tpu.memory_space<vmem>>, %arg7: memref<1x2xf32, #tpu.memory_space<vmem>>, %arg8: memref<400x256xf32, #tpu.memory_space<vmem>>, %arg9: memref<64x2xf32, #tpu.memory_space<vmem>>, %arg10: memref<64x256xf32, #tpu.memory_space<vmem>>, %arg11: memref<64x128xf32, #tpu.memory_space<vmem>>) attributes {dimension_semantics = [#tpu.dimension_semantics<arbitrary>], iteration_bounds = array<i64: 25>, scalar_prefetch = 0 : i64, scratch_operands = 2 : i64, tpu.core_type = #tpu.core_type<tc>, window_params = [{transform_indices = @transform_0, window_bounds = array<i64: 2, 400, 128>}, {transform_indices = @transform_1, window_bounds = array<i64: 2, 400, 128>}, {transform_indices = @transform_2, window_bounds = array<i64: 400, 1>}, {pipeline_mode = #tpu.pipeline_mode<synchronous>, transform_indices = @transform_3, window_bounds = array<i64: 1, 256>}, {transform_indices = @transform_4, window_bounds = array<i64: 400, 1>}, {pipeline_mode = #tpu.pipeline_mode<synchronous>, transform_indices = @transform_5, window_bounds = array<i64: 256, 2>}, {pipeline_mode = #tpu.pipeline_mode<synchronous>, transform_indices = @transform_6, window_bounds = array<i64: 1, 2>}, {transform_indices = @transform_7, window_bounds = array<i64: 400, 256>}, {pipeline_mode = #tpu.pipeline_mode<synchronous>, transform_indices = @transform_8, window_bounds = array<i64: 64, 2>}]} {
    %get3A = arith.constant 0 : index
    %get3A_0 = arith.constant 0 : index
    %get3A_1 = arith.constant 0 : index
    %get3A_2 = vector.load %arg1[%get3A, %get3A_0, %get3A_1] : memref<2x400x128xf32, #tpu.memory_space<vmem>>, vector<1x400x128xf32>
    %get3A_3 = vector.shape_cast %get3A_2 : vector<1x400x128xf32> to vector<400x128xf32>
    %get3A_4 = arith.constant 0 : index
    %get3A_5 = arith.constant 0 : index
    %get3A_6 = arith.constant 0 : index
    %get3A_7 = vector.load %arg2[%get3A_4, %get3A_5, %get3A_6] : memref<2x400x128xf32, #tpu.memory_space<vmem>>, vector<1x400x128xf32>
    %get3A_8 = vector.shape_cast %get3A_7 : vector<1x400x128xf32> to vector<400x128xf32>
    %add3A = arith.addf %get3A_3, %get3A_8 : vector<400x128xf32>
    %get3A_9 = arith.constant 1 : index
    %get3A_10 = arith.constant 0 : index
    %get3A_11 = arith.constant 0 : index
    %get3A_12 = vector.load %arg1[%get3A_9, %get3A_10, %get3A_11] : memref<2x400x128xf32, #tpu.memory_space<vmem>>, vector<1x400x128xf32>
    %get3A_13 = vector.shape_cast %get3A_12 : vector<1x400x128xf32> to vector<400x128xf32>
    %get3A_14 = arith.constant 1 : index
    %get3A_15 = arith.constant 0 : index
    %get3A_16 = arith.constant 0 : index
    %get3A_17 = vector.load %arg2[%get3A_14, %get3A_15, %get3A_16] : memref<2x400x128xf32, #tpu.memory_space<vmem>>, vector<1x400x128xf32>
    %get3A_18 = vector.shape_cast %get3A_17 : vector<1x400x128xf32> to vector<400x128xf32>
    %add3A_19 = arith.addf %get3A_13, %get3A_18 : vector<400x128xf32>
    %concatenate3A = tpu.concatenate %add3A, %add3A_19 in 1 : vector<400x128xf32>, vector<400x128xf32> -> vector<400x256xf32>
    %get3A_20 = arith.constant 0 : index
    %get3A_21 = arith.constant 0 : index
    %get3A_22 = vector.load %arg3[%get3A_20, %get3A_21] : memref<400x1xf32, #tpu.memory_space<vmem>>, vector<400x1xf32>
    %mul3A = vector.broadcast %get3A_22 : vector<400x1xf32> to vector<400x256xf32>
    %mul3A_23 = arith.mulf %concatenate3A, %mul3A : vector<400x256xf32>
    %get3A_24 = arith.constant 0 : index
    %get3A_25 = arith.constant 0 : index
    %get3A_26 = vector.load %arg4[%get3A_24, %get3A_25] : memref<1x256xf32, #tpu.memory_space<vmem>>, vector<1x256xf32>
    %add3A_27 = vector.broadcast %get3A_26 : vector<1x256xf32> to vector<400x256xf32>
    %add3A_28 = arith.addf %mul3A_23, %add3A_27 : vector<400x256xf32>
    %swap3A = arith.constant 0 : index
    %swap3A_29 = arith.constant 0 : index
    %swap3A_30 = vector.load %arg8[%swap3A, %swap3A_29] : memref<400x256xf32, #tpu.memory_space<vmem>>, vector<400x256xf32>
    tpu.vector_store %arg8[%swap3A, %swap3A_29], %add3A_28 {strides = array<i32>} : memref<400x256xf32, #tpu.memory_space<vmem>>, vector<400x256xf32>,
    %get3A_31 = arith.constant 0 : index
    %get3A_32 = arith.constant 0 : index
    %get3A_33 = vector.load %arg5[%get3A_31, %get3A_32] : memref<400x1xi32, #tpu.memory_space<vmem>>, vector<400x1xi32>
    %iota3A = tpu.iota {dimensions = array<i32: 1>} : vector<1x64xi32>
    %eq3A = vector.broadcast %get3A_33 : vector<400x1xi32> to vector<400x64xi32>
    %eq3A_34 = vector.broadcast %iota3A : vector<1x64xi32> to vector<400x64xi32>
    %eq3A_35 = arith.cmpi eq, %eq3A, %eq3A_34 : vector<400x64xi32>
    %convert_element_type3A = arith.extui %eq3A_35 : vector<400x64xi1> to vector<400x64xi32>
    %convert_element_type3A_36 = arith.sitofp %convert_element_type3A : vector<400x64xi32> to vector<400x64xf32>
    %dot_general3A = arith.constant dense<0.000000e+00> : vector<64x256xf32>
    %dot_general3A_37 = tpu.matmul %convert_element_type3A_36, %add3A_28, %dot_general3A {dimension_numbers = #tpu.dot_dimension_numbers<[0], [0], [1], [1], [0, 1, 1, 1], [], []>, transpose_lhs_hint = false} : vector<400x64xf32>, vector<400x256xf32>, vector<64x256xf32> -> vector<64x256xf32>
    %broadcast_in_dim3A = arith.constant 1.000000e+00 : f32
    %broadcast_in_dim3A_38 = vector.broadcast %broadcast_in_dim3A : f32 to vector<400x128xf32>
    %dot_general3A_39 = arith.constant dense<0.000000e+00> : vector<64x128xf32>
    %dot_general3A_40 = tpu.matmul %convert_element_type3A_36, %broadcast_in_dim3A_38, %dot_general3A_39 {dimension_numbers = #tpu.dot_dimension_numbers<[0], [0], [1], [1], [0, 1, 1, 1], [], []>, transpose_lhs_hint = false} : vector<400x64xf32>, vector<400x128xf32>, vector<64x128xf32> -> vector<64x128xf32>
    %eq3A_41 = arith.constant 0 : i32
    %eq3A_42 = arith.cmpi eq, %arg0, %eq3A_41 : i32
    %convert_element_type3A_43 = arith.extui %eq3A_42 : i1 to i32
    %cond3A = arith.constant 0 : i32
    %cond3A_44 = arith.cmpi ne, %convert_element_type3A_43, %cond3A : i32
    scf.if %cond3A_44 {
      %broadcast_in_dim3A_64 = arith.constant 0.000000e+00 : f32
      %broadcast_in_dim3A_65 = vector.broadcast %broadcast_in_dim3A_64 : f32 to vector<64x256xf32>
      %swap3A_66 = arith.constant 0 : index
      %swap3A_67 = arith.constant 0 : index
      %swap3A_68 = vector.load %arg10[%swap3A_66, %swap3A_67] : memref<64x256xf32, #tpu.memory_space<vmem>>, vector<64x256xf32>
      tpu.vector_store %arg10[%swap3A_66, %swap3A_67], %broadcast_in_dim3A_65 {strides = array<i32>} : memref<64x256xf32, #tpu.memory_space<vmem>>, vector<64x256xf32>,
      %broadcast_in_dim3A_69 = arith.constant 0.000000e+00 : f32
      %broadcast_in_dim3A_70 = vector.broadcast %broadcast_in_dim3A_69 : f32 to vector<64x128xf32>
      %swap3A_71 = arith.constant 0 : index
      %swap3A_72 = arith.constant 0 : index
      %swap3A_73 = vector.load %arg11[%swap3A_71, %swap3A_72] : memref<64x128xf32, #tpu.memory_space<vmem>>, vector<64x128xf32>
      tpu.vector_store %arg11[%swap3A_71, %swap3A_72], %broadcast_in_dim3A_70 {strides = array<i32>} : memref<64x128xf32, #tpu.memory_space<vmem>>, vector<64x128xf32>,
    } else {
    }
    %get3A_45 = arith.constant 0 : index
    %get3A_46 = arith.constant 0 : index
    %get3A_47 = vector.load %arg10[%get3A_45, %get3A_46] : memref<64x256xf32, #tpu.memory_space<vmem>>, vector<64x256xf32>
    %add3A_48 = arith.addf %get3A_47, %dot_general3A_37 : vector<64x256xf32>
    %swap3A_49 = arith.constant 0 : index
    %swap3A_50 = arith.constant 0 : index
    %swap3A_51 = vector.load %arg10[%swap3A_49, %swap3A_50] : memref<64x256xf32, #tpu.memory_space<vmem>>, vector<64x256xf32>
    tpu.vector_store %arg10[%swap3A_49, %swap3A_50], %add3A_48 {strides = array<i32>} : memref<64x256xf32, #tpu.memory_space<vmem>>, vector<64x256xf32>,
    %get3A_52 = arith.constant 0 : index
    %get3A_53 = arith.constant 0 : index
    %get3A_54 = vector.load %arg11[%get3A_52, %get3A_53] : memref<64x128xf32, #tpu.memory_space<vmem>>, vector<64x128xf32>
    %add3A_55 = arith.addf %get3A_54, %dot_general3A_40 : vector<64x128xf32>
    %swap3A_56 = arith.constant 0 : index
    %swap3A_57 = arith.constant 0 : index
    %swap3A_58 = vector.load %arg11[%swap3A_56, %swap3A_57] : memref<64x128xf32, #tpu.memory_space<vmem>>, vector<64x128xf32>
    tpu.vector_store %arg11[%swap3A_56, %swap3A_57], %add3A_55 {strides = array<i32>} : memref<64x128xf32, #tpu.memory_space<vmem>>, vector<64x128xf32>,
    %eq3A_59 = arith.constant 24 : i32
    %eq3A_60 = arith.cmpi eq, %arg0, %eq3A_59 : i32
    %convert_element_type3A_61 = arith.extui %eq3A_60 : i1 to i32
    %cond3A_62 = arith.constant 0 : i32
    %cond3A_63 = arith.cmpi ne, %convert_element_type3A_61, %cond3A_62 : i32
    scf.if %cond3A_63 {
      %get3A_64 = arith.constant 0 : index
      %get3A_65 = arith.constant 0 : index
      %get3A_66 = vector.load %arg10[%get3A_64, %get3A_65] : memref<64x256xf32, #tpu.memory_space<vmem>>, vector<64x256xf32>
      %get3A_67 = arith.constant 0 : index
      %get3A_68 = arith.constant 0 : index
      %get3A_69 = vector.load %arg11[%get3A_67, %get3A_68] : memref<64x128xf32, #tpu.memory_space<vmem>>, vector<64x128xf32>
      %slice3A = vector.extract_strided_slice %get3A_69 {offsets = [0, 0], sizes = [64, 1], strides = [1, 1]} : vector<64x128xf32> to vector<64x1xf32>
      %max3A = arith.constant 1.000000e+00 : f32
      %max3A_70 = vector.broadcast %max3A : f32 to vector<64x1xf32>
      %max3A_71 = arith.maximumf %slice3A, %max3A_70 : vector<64x1xf32>
      %div3A = vector.broadcast %max3A_71 : vector<64x1xf32> to vector<64x256xf32>
      %div3A_72 = arith.divf %get3A_66, %div3A : vector<64x256xf32>
      %get3A_73 = arith.constant 0 : index
      %get3A_74 = arith.constant 0 : index
      %get3A_75 = vector.load %arg6[%get3A_73, %get3A_74] : memref<256x2xf32, #tpu.memory_space<vmem>>, vector<256x2xf32>
      %dot_general3A_76 = arith.constant dense<0.000000e+00> : vector<64x2xf32>
      %dot_general3A_77 = tpu.matmul %div3A_72, %get3A_75, %dot_general3A_76 {dimension_numbers = #tpu.dot_dimension_numbers<[1], [0], [0], [1], [0, 0, 1, 1], [], []>, transpose_lhs_hint = false} : vector<64x256xf32>, vector<256x2xf32>, vector<64x2xf32> -> vector<64x2xf32>
      %get3A_78 = arith.constant 0 : index
      %get3A_79 = arith.constant 0 : index
      %get3A_80 = vector.load %arg7[%get3A_78, %get3A_79] : memref<1x2xf32, #tpu.memory_space<vmem>>, vector<1x2xf32>
      %add3A_81 = vector.broadcast %get3A_80 : vector<1x2xf32> to vector<64x2xf32>
      %add3A_82 = arith.addf %dot_general3A_77, %add3A_81 : vector<64x2xf32>
      %swap3A_83 = arith.constant 0 : index
      %swap3A_84 = arith.constant 0 : index
      %swap3A_85 = vector.load %arg9[%swap3A_83, %swap3A_84] : memref<64x2xf32, #tpu.memory_space<vmem>>, vector<64x2xf32>
      tpu.vector_store %arg9[%swap3A_83, %swap3A_84], %add3A_82 {strides = array<i32>} : memref<64x2xf32, #tpu.memory_space<vmem>>, vector<64x2xf32>,
    } else {
    }
    return
  }
  func.func @transform_0(%arg0: i32) -> (i32, i32, i32) {
    %c0_i32 = arith.constant 0 : i32
    %c0_i32_0 = arith.constant 0 : i32
    %c0_i32_1 = arith.constant 0 : i32
    return %c0_i32, %arg0, %c0_i32_0 : i32, i32, i32
  }
  func.func @transform_1(%arg0: i32) -> (i32, i32, i32) {
    %c0_i32 = arith.constant 0 : i32
    %c0_i32_0 = arith.constant 0 : i32
    %c0_i32_1 = arith.constant 0 : i32
    return %c0_i32, %arg0, %c0_i32_0 : i32, i32, i32
  }
  func.func @transform_2(%arg0: i32) -> (i32, i32) {
    %c0_i32 = arith.constant 0 : i32
    %c0_i32_0 = arith.constant 0 : i32
    return %arg0, %c0_i32 : i32, i32
  }
  func.func @transform_3(%arg0: i32) -> (i32, i32) {
    %c0_i32 = arith.constant 0 : i32
    %c0_i32_0 = arith.constant 0 : i32
    %c0_i32_1 = arith.constant 0 : i32
    return %c0_i32, %c0_i32_0 : i32, i32
  }
  func.func @transform_4(%arg0: i32) -> (i32, i32) {
    %c0_i32 = arith.constant 0 : i32
    %c0_i32_0 = arith.constant 0 : i32
    return %arg0, %c0_i32 : i32, i32
  }
  func.func @transform_5(%arg0: i32) -> (i32, i32) {
    %c0_i32 = arith.constant 0 : i32
    %c0_i32_0 = arith.constant 0 : i32
    %c0_i32_1 = arith.constant 0 : i32
    return %c0_i32, %c0_i32_0 : i32, i32
  }
  func.func @transform_6(%arg0: i32) -> (i32, i32) {
    %c0_i32 = arith.constant 0 : i32
    %c0_i32_0 = arith.constant 0 : i32
    %c0_i32_1 = arith.constant 0 : i32
    return %c0_i32, %c0_i32_0 : i32, i32
  }
  func.func @transform_7(%arg0: i32) -> (i32, i32) {
    %c0_i32 = arith.constant 0 : i32
    %c0_i32_0 = arith.constant 0 : i32
    return %arg0, %c0_i32 : i32, i32
  }
  func.func @transform_8(%arg0: i32) -> (i32, i32) {
    %c0_i32 = arith.constant 0 : i32
    %c0_i32_0 = arith.constant 0 : i32
    %c0_i32_1 = arith.constant 0 : i32
    return %c0_i32, %c0_i32_0 : i32, i32
  }
}

</mosaic_0001>

<sc_bundles>
// kernel: kernel.10.cloned.1.call-start
scs
__scs_entry_jumppad:
0x0: {  	(pc) =	sbr.rel $0x88, $3  }
0x1: {  	(tag) =	ssettag $0x0;
	lr =	simm.s32 $0x1  }
0x2: {  	[smem:$0x3F96] =	sst lr;
	_ =	strace $0xD0000000  }
0x3: {  	_ = 	snop  }
0x4: {  	_ = 	snop  }
0x5: {  	_ = 	snop  }
0x6: {  	_ = 	snop  }
0x7: {  	_ = 	snop  }
__scs_overlays_trampoline_lowered:
0x8: {  	[smem:$0x3FA5] =	sst s0  }
0x9: {  	[smem:$0x3FA6] =	sst s1  }
0xa: {  	[smem:$0x3FA7] =	sst s2  }
0xb: {  	[smem:$0x3FA8] =	sst s3  }
0xc: {  	[smem:$0x3FA9] =	sst s4  }
0xd: {  	[smem:$0x3FAA] =	sst s5  }
0xe: {  	[smem:$0x3FAB] =	sst s6  }
0xf: {  	[smem:$0x3FAC] =	sst s7  }
0x10: {  	[smem:$0x3FAD] =	sst s8  }
0x11: {  	[smem:$0x3FAE] =	sst s9;
	s0 =	simm.s32 @!p0 $0x0  }
0x12: {  	s1 =	sld [smem:$0x3F94];
	s0 =	simm.s32 @p0 $0x1  }
0x13: {  	[smem:$0x3FAF] =	sst s0;
	s0 =	simm.s32 @!p1 $0x0  }
0x14: {  	s2 =	sld [smem:$0x3F93];
	s0 =	simm.s32 @p1 $0x1  }
0x15: {  	[smem:$0x3FB0] =	sst s0;
	s0 =	simm.s32 @!p2 $0x0  }
0x16: {  	s3 =	sld [smem:$0x3FDB];
	s0 =	simm.s32 @p2 $0x1  }
0x17: {  	s4 =	simm.s32 $0x1BF5;
	[smem:$0x3FB2] =	sst s0  }
0x18: {  	s0 =	sld [smem:$0x3F95];
	_ =	swait.ge [sflag:s4], $0x0  }
0x19: {  	s7 =	sld [smem:$0x3F96]  }
0x1a: {  	s8 =	sadd.s32 $0xFFFFE003, lr  }
0x1b: {  	s9 =	sadd.s32 $0xFFFFFEF7, lr;
	s5 =	simm.s32 $0xFFFFFFFF;
	p2 =	slt.u32 s8, $0xFFFFF086  }
0x1c: {  	p1 =	slt.u32 s9, $0xF7A;
	s5 =	simm.s32 @!p2 $0x0  }
0x1d: {  	s5 =	simm.s32 @p1 $0x1;
	p0 =	seq.s32 s7, s2  }
0x1e: {  	s7 =	smul.u32 @!p0 $0xF7A, s2;
	p2 =	seq.s32 @!p0 s5, $0x0  }
0x1f: {  	s9 =	smul.u32 $0xF7A, s1;
	s8 =	simm.s32 @!p0 $0x1BF5;
	p2 =	por !p2, p0  }
0x20: {  	[sflag:s8] =	ssyncset.s32 @!p0 $0xFFFFF086;
	s6 =	sadd.s32 @!p0 s3, s7;
	s7 =	simm.s32 @!p0 $0x108  }
0x21: {  	s3 =	sadd.s32 s3, s9;
	s6 =	sadd.s32 @!p0 $0x88, s6;
	s7 =	simm.s32 @p2 $0x1082  }
0x22: {  	[simem:s7], [sflag:s8] =	dma.local @!p0 [hbm:s6], $0xF7A  }
0x23: {  	s9 =	sor.u32 $0xD0000000, s2;
	s6 =	simm.s32 $0x108;
	_ =	swait.ge @!p0 [sflag:s8], $0x0  }
0x24: {  	s3 =	sadd.s32 $0x88, s3;
	s6 =	simm.s32 @!p1 $0x1082;
	[sflag:s4] =	ssyncset.s32 $0xFFFFF086  }
0x25: {  	[simem:s6], [sflag:s4] =	dma.local [hbm:s3], $0xF7A  }
0x26: {  	[smem:$0x3F96] =	sst s1;
	(tag) =	ssettag s2;
	_ =	strace s9  }
0x27: {  	s1 =	sld [smem:$0x3FA6]  }
0x28: {  	s2 =	sld [smem:$0x3FA7]  }
0x29: {  	s4 =	sld [smem:$0x3FA9]  }
0x2a: {  	p0 =	seq.s32 s5, $0x0;
	s5 =	sld [smem:$0x3FAA]  }
0x2b: {  	s6 =	sld [smem:$0x3FAB]  }
0x2c: {  	s7 =	sld [smem:$0x3FAC]  }
0x2d: {  	s3 =	simm.s32 $0x108;
	s8 =	sld [smem:$0x3FAD]  }
0x2e: {  	s3 =	simm.s32 @!p0 $0x1082;
	s9 =	sld [smem:$0x3FAE]  }
0x2f: {  	lr =	sadd.s32 s0, s3;
	s0 =	sld [smem:$0x3FA5]  }
0x30: {  	s3 =	sld [smem:$0x3FA8]  }
0x31: {  	[smem:$0x3FB1] =	sst s10  }
0x32: {  	s10 =	sld [smem:$0x3FAF];
	_ =	sdelay $0x3  }
0x33: {  	p0 =	seq.s32 s10, $0x1;
	s10 =	sld [smem:$0x3FB1];
	_ =	sdelay $0x3  }
0x34: {  	[smem:$0x3FB1] =	sst s10  }
0x35: {  	s10 =	sld [smem:$0x3FB0];
	_ =	sdelay $0x3  }
0x36: {  	p1 =	seq.s32 s10, $0x1;
	s10 =	sld [smem:$0x3FB1];
	_ =	sdelay $0x3  }
0x37: {  	[smem:$0x3FB1] =	sst s10  }
0x38: {  	s10 =	sld [smem:$0x3FB2]  }
0x39: {  	_ = 	snop;
	(pc) =	sbr.ind lr, $3  }
0x3a: {  	_ = 	snop  }
0x3b: {  	_ = 	snop  }
0x3c: {  	p2 =	seq.s32 s10, $0x1;
	s10 =	sld [smem:$0x3FB1]  }
0x3d: {  	_ =	shalt  }
0x3e: {  	_ =	shalt  }
0x3f: {  	_ =	shalt  }
0x40: {  	_ =	shalt  }
0x41: {  	_ =	shalt  }
0x42: {  	_ =	shalt  }
0x43: {  	_ =	shalt  }
0x44: {  	_ =	shalt  }
0x45: {  	_ =	shalt  }
0x46: {  	_ =	shalt  }
0x47: {  	_ =	shalt  }
0x48: {  	_ =	shalt  }
0x49: {  	_ =	shalt  }
0x4a: {  	_ =	shalt  }
0x4b: {  	_ =	shalt  }
0x4c: {  	_ =	shalt  }
0x4d: {  	_ =	shalt  }
0x4e: {  	_ =	shalt  }
0x4f: {  	_ =	shalt  }
0x50: {  	_ =	shalt  }
0x51: {  	_ =	shalt  }
0x52: {  	_ =	shalt  }
0x53: {  	_ =	shalt  }
0x54: {  	_ =	shalt  }
0x55: {  	_ =	shalt  }
0x56: {  	_ =	shalt  }
0x57: {  	_ =	shalt  }
0x58: {  	_ =	shalt  }
0x59: {  	_ =	shalt  }
0x5a: {  	_ =	shalt  }
0x5b: {  	_ =	shalt  }
0x5c: {  	_ =	shalt  }
0x5d: {  	_ =	shalt  }
0x5e: {  	_ =	shalt  }
0x5f: {  	_ =	shalt  }
0x60: {  	_ =	shalt  }
0x61: {  	_ =	shalt  }
0x62: {  	_ =	shalt  }
0x63: {  	_ =	shalt  }
0x64: {  	_ =	shalt  }
0x65: {  	_ =	shalt  }
0x66: {  	_ =	shalt  }
0x67: {  	_ =	shalt  }
0x68: {  	_ =	shalt  }
0x69: {  	_ =	shalt  }
0x6a: {  	_ =	shalt  }
0x6b: {  	_ =	shalt  }
0x6c: {  	_ =	shalt  }
0x6d: {  	_ =	shalt  }
0x6e: {  	_ =	shalt  }
0x6f: {  	_ =	shalt  }
0x70: {  	_ =	shalt  }
0x71: {  	_ =	shalt  }
0x72: {  	_ =	shalt  }
0x73: {  	_ =	shalt  }
0x74: {  	_ =	shalt  }
0x75: {  	_ =	shalt  }
0x76: {  	_ =	shalt  }
0x77: {  	_ =	shalt  }
0x78: {  	_ =	shalt  }
0x79: {  	_ =	shalt  }
0x7a: {  	_ =	shalt  }
0x7b: {  	_ =	shalt  }
0x7c: {  	_ =	shalt  }
0x7d: {  	_ =	shalt  }
0x7e: {  	_ =	shalt  }
0x7f: {  	_ =	shalt  }
0x80: {  	_ =	shalt  }
0x81: {  	_ =	shalt  }
0x82: {  	_ =	shalt  }
0x83: {  	_ =	shalt  }
0x84: {  	_ =	shalt  }
0x85: {  	_ =	shalt  }
0x86: {  	_ =	shalt  }
0x87: {  	_ =	shalt  }
.Lfunc_end0:
.L_simem_size_0:
called_computation_lowered:
.L_overlay_start_0:
0x88: {  	s2 =	sld [smem:$0x3FD9]  }
0x89: {  	s3 =	sld [smem:$0x3FFE];
	_ =	sdelay $0x1  }
0x8a: {  	s1 =	srdreg.scid  }
0x8b: {  	s0 =	sand.u32 $0x1, s1  }
0x8c: {  	s14 =	sshll.u32 s0, $0xA;
	s2 =	sadd.s32 s3, s2  }
0x8d: {  	s2 =	sadd.s32 s2, s14  }
0x8e: {  	[smem:$0x3FBD] =	sst s2  }
0x8f: {  	_ = 	snop  }
0x90: {  	s2 =	sld [smem:$0x3FD0];
	_ =	sdelay $0x2  }
0x91: {  	s15 =	simm.s32 $0xA;
	s4 =	simm.s32 $0x10  }
0x92: {  	[smem:s4], [sflag:s15] =	dma.local [hbm:s2], $0x1  }
0x93: {  	_ =	swait.eq [sflag:s15], $0x1  }
0x94: {  	[sflag:s15] =	ssyncset.done $0x0  }
0x95: {  	[sflag:s15] =	ssyncadd.s32 $0xFFFFFFFF  }
0x96: {  	s16 =	sld [smem:$0x11];
	(tm) =	ssettm $0x1  }
0x97: {  	s17 =	sld [smem:$0x3FFB];
	_ =	sdelay $0x3  }
0x98: {  	_ =	strace s17  }
0x99: {  	s3 =	sld [smem:$0x3FFC];
	_ =	sdelay $0x3  }
0x9a: {  	_ =	strace s3  }
0x9b: {  	s3 =	sld [smem:$0x3FFD];
	_ =	sdelay $0x3  }
0x9c: {  	_ =	strace s3  }
0x9d: {  	_ =	strace $0x8FFFFFFF  }
0x9e: {  	s18 =	sld [smem:$0x3FDB];
	_ =	sdelay $0x1  }
0x9f: {  	s19 =	simm.s32 $_scs_section_size  }
0xa0: {  	s5 =	simm.s32 $_size__tile_overlayer_lowered;
	s6 =	simm.s32 $_tile_overlayer_lowered  }
0xa1: {  	s22 =	simm.s32 $0x1BFF;
	s21 =	sshll.u32 s6, $0x1;
	s3 =	sadd.s32 s19, s18  }
0xa2: {  	s7 =	simm.s32 $0x0;
	s20 =	sshll.u32 s5, $0x1;
	s5 =	sadd.s32 s21, s3  }
0xa3: {  	[timem:s7], [sflag:s22] =	dma.local [hbm:s5], s20  }
0xa4: {  	_ =	swait.ge [sflag:s22], s20  }
0xa5: {  	s4 =	ssub.s32 $0x0, s20;
	[sflag:s22] =	ssyncset.done $0x0  }
0xa6: {  	[sflag:s22] =	ssyncadd.s32 s4;
	_ =	sdelay $0x1  }
0xa7: {  	s23 =	simm.s32 $0x1B8B  }
0xa8: {  	_ =	swait.ge [sflag:s23], $0x1  }
0xa9: {  	[sflag:s23] =	ssyncset.done $0x0  }
0xaa: {  	s25 =	simm.s32 $0x1B8E;
	s24 =	sld [smem:$0x3FFE];
	[sflag:s23] =	ssyncadd.s32 $0xFFFFFFFF  }
0xab: {  	s26 =	simm.s32 $execute0_lowered;
	[smem:$0x3FD2] =	sst s25  }
0xac: {  	s5 =	sshll.u32 s26, $0x1;
	_ =	strace $0x80000046;
	[dreg:$0x1] =	wrdreg $0xFFFFFFFF  }
0xad: {  	s28 =	simm.s32 $_size_execute0_lowered;
	s3 =	sadd.s32 s3, s5;
	[dreg:$0x0] =	wrdreg $0x0  }
0xae: {  	s5 =	sshll.u32 s28, $0x1;
	[dreg:$0x2] =	wrdreg s3  }
0xaf: {  	[dreg:$0x3] =	wrdreg s5  }
0xb0: {  	[dreg:$0x4] =	wrdreg $0xC0  }
0xb1: {  	_ =	task [dreg:s7], $0x5FFFF  }
0xb2: {  	[dreg:$0x1] =	wrdreg $0xFFFFFFFF  }
0xb3: {  	[dreg:$0x0] =	wrdreg $0x60  }
0xb4: {  	[dreg:$0x2] =	wrdreg s24  }
0xb5: {  	[dreg:$0x3] =	wrdreg s16  }
0xb6: {  	[dreg:$0x4] =	wrdreg $0x68000  }
0xb7: {  	[dreg:$0x5] =	wrdreg $0x9  }
0xb8: {  	_ =	task.clear_ibuf [dreg:s7], $0x6FFFF;
	_ =	strace $0x90000046  }
0xb9: {  	s29 =	simm.s32 $0x9;
	_ =	strace $0x80000048  }
0xba: {  	_ =	swait.ge [sflag:s29], $0x1  }
0xbb: {  	[sflag:s29] =	ssyncadd.s32 $0xFFFFFFFF  }
0xbc: {  	_ =	strace $0x90000048  }
0xbd: {  	_ =	sfence  }
0xbe: {  	s30 =	sld [smem:$0x0];
	_ =	sdelay $0x2  }
0xbf: {  	s31 =	sshll.u32 s1, $0xD;
	s1 =	sshrl.u32 s1, $0x2  }
0xc0: {  	s3 =	sand.u32 $0x4000, s31;
	s1 =	sadd.s32 s1, s30  }
0xc1: {  	s0 =	sor.u32 s3, s0;
	s1 =	sshll.u32 s1, $0x11  }
0xc2: {  	s0 =	sor.u32 s1, s0  }
0xc3: {  	s0 =	sadd.s32 $0x8F2B, s0  }
0xc4: {  	[sflag:s0] =	ssyncadd.remote.s32 $0x1  }
0xc5: {  	_ =	sfence.sel $0xFFFF  }
0xc6: {  	[dreg:$0x0] =	wrdreg $0xFFFFFFFF;
	(pc) =	sbr.abs _section_cstart, $3  }
0xc7: {  	[dreg:$0x1] =	wrdreg $0xFFFFFFFF  }
0xc8: {  	_ =	task.clear_ibuf [dreg:s7], $0x2FFFF;
	_ =	strace $0x9FFFFFFF  }
0xc9: {  	(tm) =	ssettm $0x7FFFFFFF  }
tec
execute0_lowered:
.L_overlay_start_1:
0x0: {  	(tag) =	ssettag $0x1  }
0x1: {  	s5 =	rddreg [dreg:$0x0]  }
0x2: {  	s0 =	srdreg.scid;
	s6 =	rddreg [dreg:$0x1]  }
0x3: {  	s2 =	rddreg [dreg:$0x2];
	s4 =	sand.u32 $0x1, s0;
	s0 =	stileid.u32  }
0x4: {  	s3 =	simm.s32 $0x0;
	s13 =	simm.s32 $0x80;
	s8 =	smul.u32 $0x2800, s0  }
0x5: {  	s14 =	simm.s32 $0x0;
	[smem:$0x7FF] =	sst s3;
	s9 =	smul.u32 $0x28000, s4  }
0x6: {  	s1 =	sshll.u32 s4, $0x4;
	s10 =	ssub.s32 $0x2, s4;
	s11 =	smul.u32 $0x50000, s0  }
0x7: {  	s4 =	sadd.s32 $0xCE00, s5;
	s31 =	sshll.u32 s0, $0x6;
	s7 =	sor.u32 s0, s1  }
0x8: {  	s1 =	rddreg [dreg:$0x3];
	_ =	strace $0x80000047;
	s12 =	sshrl.u32 s10, $0x1  }
0x9: {  	s7 =	smul.u32 $0x500, s7;
	s9 =	sadd.s32 s8, s9;
	s10 =	ssub.s32 s10, s12  }
0xa: {  	s11 =	sshrl.u32 s11, $0x2;
	s6 =	sadd.s32 s6, s8;
	s9 =	sadd.s32 s9, s5  }
0xb: {  	s30 =	sadd.s32 s11, s2;
	s8 =	smax.u32 s10, $0x1;
	s10 =	simm.s32 $0x2800  }
0xc: {  	s11 =	sor.u32 $0x1C01, s31;
	s7 =	sadd.s32 s7, s5;
	s12 =	sshrl.u32 s30, $0x3  }
0xd: {  	s5 =	sadd.s32 $0x2E00, s7;
	s7 =	sadd.s32 $0xD600, s9;
	s9 =	simm.s32 $0x1  }
.LBB2_1:
0xe: {  	[tilespmem:s3], [sflag:$0x1] =	stream.linear.gather [hbm4b:s5+s3], $0x2800, $0x38;
	[tilespmem:$0x1A800] =	vst v63  }
0xf: {  	_ =	swait.ge [sflag:s9], $0x2800  }
0x10: {  	[sflag:s9] =	ssyncset.done $0x0  }
0x11: {  	[sflag:s9] =	ssyncadd.s32 $0xFFFFD800  }
0x12: {  	[tilespmem:s10], [sflag:$0x1] =	stream.linear.gather [hbm4b:s4+s3], $0x4000, $0x38;
	[tilespmem:$0x1A800] =	vst v63  }
0x13: {  	_ =	swait.ge [sflag:s9], $0x4000  }
0x14: {  	[sflag:s9] =	ssyncset.done $0x0  }
0x15: {  	[sflag:s9] =	ssyncadd.s32 $0xFFFFC000  }
0x16: {  	[spmem:s12], [sflag:s11] =	dma.local [hbm:s6], $0x2800  }
0x17: {  	_ =	swait.ge [sflag:s9], $0x2800  }
0x18: {  	[sflag:s9] =	ssyncset.done $0x0  }
0x19: {  	[sflag:s9] =	ssyncadd.s32 $0xFFFFD800  }
0x1a: {  	s15 =	simm.s32 $0x0;
	[bflag:$0x0] =	sbarrier.arrive $0xFFFF  }
0x1b: {  	[spmem:s2] =	stream.indirect.scatter.add.f32 [tilespmem:s10], [sflag:$0x1], $0x80, s15, s13, $0xb8;
	[tilespmem:$0x1A800] =	vst v63  }
0x1c: {  	_ =	swait.ge [sflag:s9], $0x4000  }
0x1d: {  	s15 =	simm.s32 $0x200;
	[sflag:s9] =	ssyncset.done $0x0  }
.LBB2_2:
0x1e: {  	s16 =	sshra.s32 s15, $0x2;
	[sflag:s9] =	ssyncadd.s32 $0xFFFFC000;
	p0 =	sne.s32 s15, $0x9E00  }
0x1f: {  	[spmem:s2] =	stream.indirect.scatter.add.f32 [tilespmem:s10], [sflag:$0x1], $0x80, s16, s13, $0xb8;
	[tilespmem:$0x1A800] =	vst v63  }
.Ltmp0:
0x20: {  	_ = 	snop;
	(pc) =	sbr.rel @p0 .LBB2_2-.Ltmp0, $4  }
0x21: {  	_ = 	snop  }
0x22: {  	s15 =	sadd.s32 $0x200, s15  }
0x23: {  	_ =	swait.ge [sflag:s9], $0x4000  }
0x24: {  	[sflag:s9] =	ssyncset.done $0x0  }
0x25: {  	s14 =	sadd.s32 $0x1, s14  }
0x26: {  	[sflag:s9] =	ssyncadd.s32 $0xFFFFC000;
	p0 =	sne.s32 s14, s8  }
.Ltmp1:
0x27: {  	[bflag:$0x0] =	sbarrier.arrive $0xFFFF;
	(pc) =	sbr.rel @p0 .LBB2_1-.Ltmp1, $4  }
0x28: {  	[hbm:s7], [sflag:s11] =	dma.local [spmem:s12], $0x2800  }
0x29: {  	_ =	swait.ge [sflag:s9], $0x2800  }
0x2a: {  	[sflag:s9] =	ssyncset.done $0x0  }
0x2b: {  	[sflag:s9] =	ssyncadd.s32 $0xFFFFD800  }
0x2c: {  	_ =	sfence.sel $0x180000  }
0x2d: {  	[bflag:$0x0] =	sbarrier.arrive $0xFFFF  }
0x2e: {  	p0 =	sne.s32 s0, $0x0;
	_ =	strace $0x90000047  }
0x2f: {  	s0 =	sadd.s32 @!p0 $0x100000, s1;
	[bflag:$0x2] =	sbarrier.arrive $0xFFFF  }
0x30: {  	[sflag:s0] =	ssyncadd.tile.s32 @!p0 $0x1;
	_ =	shalt  }
.Lfunc_end2:
_tile_overlayer_lowered:
.L_overlay_start_2:
0x31: {  	(tag) =	ssettag $0x2  }
0x32: {  	s0 =	rddreg [dreg:$0x0];
	s2 =	stileid.u32  }
0x33: {  	s1 =	rddreg [dreg:$0x1];
	p0 =	sne.s32 s2, $0x0  }
0x34: {  	s3 =	rddreg [dreg:$0x2];
	[bflag:$0x3] =	sbarrier.arrive $0xFFFF;
	s2 =	simm.s32 @!p0 $0x1C01  }
0x35: {  	[timem:s3], [sflag:s2] =	dma.local @!p0 [hbm:s0], s1  }
0x36: {  	s0 =	simm.s32 @!p0 $0x1  }
0x37: {  	_ =	swait.ge @!p0 [sflag:s0], s1  }
0x38: {  	s1 =	ssub.s32 @!p0 $0x0, s1;
	[sflag:s0] =	ssyncset.done @!p0 $0x0  }
0x39: {  	[sflag:s0] =	ssyncadd.s32 @!p0 s1  }
0x3a: {  	[bflag:$0x3] =	sbarrier.arrive $0xFFFF  }
0x3b: {  	_ =	shalt  }

// kernel: kernel.13.cloned.1.call-start
scs
__scs_entry_jumppad:
0x0: {  	(pc) =	sbr.rel $0x88, $3  }
0x1: {  	(tag) =	ssettag $0x0;
	lr =	simm.s32 $0x1  }
0x2: {  	[smem:$0x3F96] =	sst lr;
	_ =	strace $0xD0000000  }
0x3: {  	_ = 	snop  }
0x4: {  	_ = 	snop  }
0x5: {  	_ = 	snop  }
0x6: {  	_ = 	snop  }
0x7: {  	_ = 	snop  }
__scs_overlays_trampoline_lowered:
0x8: {  	[smem:$0x3FA5] =	sst s0  }
0x9: {  	[smem:$0x3FA6] =	sst s1  }
0xa: {  	[smem:$0x3FA7] =	sst s2  }
0xb: {  	[smem:$0x3FA8] =	sst s3  }
0xc: {  	[smem:$0x3FA9] =	sst s4  }
0xd: {  	[smem:$0x3FAA] =	sst s5  }
0xe: {  	[smem:$0x3FAB] =	sst s6  }
0xf: {  	[smem:$0x3FAC] =	sst s7  }
0x10: {  	[smem:$0x3FAD] =	sst s8  }
0x11: {  	[smem:$0x3FAE] =	sst s9;
	s0 =	simm.s32 @!p0 $0x0  }
0x12: {  	s1 =	sld [smem:$0x3F94];
	s0 =	simm.s32 @p0 $0x1  }
0x13: {  	[smem:$0x3FAF] =	sst s0;
	s0 =	simm.s32 @!p1 $0x0  }
0x14: {  	s2 =	sld [smem:$0x3F93];
	s0 =	simm.s32 @p1 $0x1  }
0x15: {  	[smem:$0x3FB0] =	sst s0;
	s0 =	simm.s32 @!p2 $0x0  }
0x16: {  	s3 =	sld [smem:$0x3FDB];
	s0 =	simm.s32 @p2 $0x1  }
0x17: {  	s4 =	simm.s32 $0x1BF5;
	[smem:$0x3FB2] =	sst s0  }
0x18: {  	s0 =	sld [smem:$0x3F95];
	_ =	swait.ge [sflag:s4], $0x0  }
0x19: {  	s7 =	sld [smem:$0x3F96]  }
0x1a: {  	s8 =	sadd.s32 $0xFFFFE003, lr  }
0x1b: {  	s9 =	sadd.s32 $0xFFFFFEF7, lr;
	s5 =	simm.s32 $0xFFFFFFFF;
	p2 =	slt.u32 s8, $0xFFFFF086  }
0x1c: {  	p1 =	slt.u32 s9, $0xF7A;
	s5 =	simm.s32 @!p2 $0x0  }
0x1d: {  	s5 =	simm.s32 @p1 $0x1;
	p0 =	seq.s32 s7, s2  }
0x1e: {  	s7 =	smul.u32 @!p0 $0xF7A, s2;
	p2 =	seq.s32 @!p0 s5, $0x0  }
0x1f: {  	s9 =	smul.u32 $0xF7A, s1;
	s8 =	simm.s32 @!p0 $0x1BF5;
	p2 =	por !p2, p0  }
0x20: {  	[sflag:s8] =	ssyncset.s32 @!p0 $0xFFFFF086;
	s6 =	sadd.s32 @!p0 s3, s7;
	s7 =	simm.s32 @!p0 $0x108  }
0x21: {  	s3 =	sadd.s32 s3, s9;
	s6 =	sadd.s32 @!p0 $0x88, s6;
	s7 =	simm.s32 @p2 $0x1082  }
0x22: {  	[simem:s7], [sflag:s8] =	dma.local @!p0 [hbm:s6], $0xF7A  }
0x23: {  	s9 =	sor.u32 $0xD0000000, s2;
	s6 =	simm.s32 $0x108;
	_ =	swait.ge @!p0 [sflag:s8], $0x0  }
0x24: {  	s3 =	sadd.s32 $0x88, s3;
	s6 =	simm.s32 @!p1 $0x1082;
	[sflag:s4] =	ssyncset.s32 $0xFFFFF086  }
0x25: {  	[simem:s6], [sflag:s4] =	dma.local [hbm:s3], $0xF7A  }
0x26: {  	[smem:$0x3F96] =	sst s1;
	(tag) =	ssettag s2;
	_ =	strace s9  }
0x27: {  	s1 =	sld [smem:$0x3FA6]  }
0x28: {  	s2 =	sld [smem:$0x3FA7]  }
0x29: {  	s4 =	sld [smem:$0x3FA9]  }
0x2a: {  	p0 =	seq.s32 s5, $0x0;
	s5 =	sld [smem:$0x3FAA]  }
0x2b: {  	s6 =	sld [smem:$0x3FAB]  }
0x2c: {  	s7 =	sld [smem:$0x3FAC]  }
0x2d: {  	s3 =	simm.s32 $0x108;
	s8 =	sld [smem:$0x3FAD]  }
0x2e: {  	s3 =	simm.s32 @!p0 $0x1082;
	s9 =	sld [smem:$0x3FAE]  }
0x2f: {  	lr =	sadd.s32 s0, s3;
	s0 =	sld [smem:$0x3FA5]  }
0x30: {  	s3 =	sld [smem:$0x3FA8]  }
0x31: {  	[smem:$0x3FB1] =	sst s10  }
0x32: {  	s10 =	sld [smem:$0x3FAF];
	_ =	sdelay $0x3  }
0x33: {  	p0 =	seq.s32 s10, $0x1;
	s10 =	sld [smem:$0x3FB1];
	_ =	sdelay $0x3  }
0x34: {  	[smem:$0x3FB1] =	sst s10  }
0x35: {  	s10 =	sld [smem:$0x3FB0];
	_ =	sdelay $0x3  }
0x36: {  	p1 =	seq.s32 s10, $0x1;
	s10 =	sld [smem:$0x3FB1];
	_ =	sdelay $0x3  }
0x37: {  	[smem:$0x3FB1] =	sst s10  }
0x38: {  	s10 =	sld [smem:$0x3FB2]  }
0x39: {  	_ = 	snop;
	(pc) =	sbr.ind lr, $3  }
0x3a: {  	_ = 	snop  }
0x3b: {  	_ = 	snop  }
0x3c: {  	p2 =	seq.s32 s10, $0x1;
	s10 =	sld [smem:$0x3FB1]  }
0x3d: {  	_ =	shalt  }
0x3e: {  	_ =	shalt  }
0x3f: {  	_ =	shalt  }
0x40: {  	_ =	shalt  }
0x41: {  	_ =	shalt  }
0x42: {  	_ =	shalt  }
0x43: {  	_ =	shalt  }
0x44: {  	_ =	shalt  }
0x45: {  	_ =	shalt  }
0x46: {  	_ =	shalt  }
0x47: {  	_ =	shalt  }
0x48: {  	_ =	shalt  }
0x49: {  	_ =	shalt  }
0x4a: {  	_ =	shalt  }
0x4b: {  	_ =	shalt  }
0x4c: {  	_ =	shalt  }
0x4d: {  	_ =	shalt  }
0x4e: {  	_ =	shalt  }
0x4f: {  	_ =	shalt  }
0x50: {  	_ =	shalt  }
0x51: {  	_ =	shalt  }
0x52: {  	_ =	shalt  }
0x53: {  	_ =	shalt  }
0x54: {  	_ =	shalt  }
0x55: {  	_ =	shalt  }
0x56: {  	_ =	shalt  }
0x57: {  	_ =	shalt  }
0x58: {  	_ =	shalt  }
0x59: {  	_ =	shalt  }
0x5a: {  	_ =	shalt  }
0x5b: {  	_ =	shalt  }
0x5c: {  	_ =	shalt  }
0x5d: {  	_ =	shalt  }
0x5e: {  	_ =	shalt  }
0x5f: {  	_ =	shalt  }
0x60: {  	_ =	shalt  }
0x61: {  	_ =	shalt  }
0x62: {  	_ =	shalt  }
0x63: {  	_ =	shalt  }
0x64: {  	_ =	shalt  }
0x65: {  	_ =	shalt  }
0x66: {  	_ =	shalt  }
0x67: {  	_ =	shalt  }
0x68: {  	_ =	shalt  }
0x69: {  	_ =	shalt  }
0x6a: {  	_ =	shalt  }
0x6b: {  	_ =	shalt  }
0x6c: {  	_ =	shalt  }
0x6d: {  	_ =	shalt  }
0x6e: {  	_ =	shalt  }
0x6f: {  	_ =	shalt  }
0x70: {  	_ =	shalt  }
0x71: {  	_ =	shalt  }
0x72: {  	_ =	shalt  }
0x73: {  	_ =	shalt  }
0x74: {  	_ =	shalt  }
0x75: {  	_ =	shalt  }
0x76: {  	_ =	shalt  }
0x77: {  	_ =	shalt  }
0x78: {  	_ =	shalt  }
0x79: {  	_ =	shalt  }
0x7a: {  	_ =	shalt  }
0x7b: {  	_ =	shalt  }
0x7c: {  	_ =	shalt  }
0x7d: {  	_ =	shalt  }
0x7e: {  	_ =	shalt  }
0x7f: {  	_ =	shalt  }
0x80: {  	_ =	shalt  }
0x81: {  	_ =	shalt  }
0x82: {  	_ =	shalt  }
0x83: {  	_ =	shalt  }
0x84: {  	_ =	shalt  }
0x85: {  	_ =	shalt  }
0x86: {  	_ =	shalt  }
0x87: {  	_ =	shalt  }
.Lfunc_end0:
.L_simem_size_0:
called_computation.1_lowered:
.L_overlay_start_0:
0x88: {  	s2 =	sld [smem:$0x3FD9]  }
0x89: {  	s3 =	sld [smem:$0x3FFE];
	_ =	sdelay $0x1  }
0x8a: {  	s1 =	srdreg.scid  }
0x8b: {  	s0 =	sand.u32 $0x1, s1  }
0x8c: {  	s14 =	sshll.u32 s0, $0xA;
	s2 =	sadd.s32 s3, s2  }
0x8d: {  	s2 =	sadd.s32 s2, s14  }
0x8e: {  	[smem:$0x3FBD] =	sst s2  }
0x8f: {  	_ = 	snop  }
0x90: {  	s2 =	sld [smem:$0x3FD0];
	_ =	sdelay $0x2  }
0x91: {  	s15 =	simm.s32 $0xA;
	s4 =	simm.s32 $0x10  }
0x92: {  	[smem:s4], [sflag:s15] =	dma.local [hbm:s2], $0x1  }
0x93: {  	_ =	swait.eq [sflag:s15], $0x1  }
0x94: {  	[sflag:s15] =	ssyncset.done $0x0  }
0x95: {  	[sflag:s15] =	ssyncadd.s32 $0xFFFFFFFF  }
0x96: {  	s16 =	sld [smem:$0x11];
	(tm) =	ssettm $0x1  }
0x97: {  	s17 =	sld [smem:$0x3FFB];
	_ =	sdelay $0x3  }
0x98: {  	_ =	strace s17  }
0x99: {  	s3 =	sld [smem:$0x3FFC];
	_ =	sdelay $0x3  }
0x9a: {  	_ =	strace s3  }
0x9b: {  	s3 =	sld [smem:$0x3FFD];
	_ =	sdelay $0x3  }
0x9c: {  	_ =	strace s3  }
0x9d: {  	_ =	strace $0x8FFFFFFF  }
0x9e: {  	s18 =	sld [smem:$0x3FDB];
	_ =	sdelay $0x1  }
0x9f: {  	s19 =	simm.s32 $_scs_section_size  }
0xa0: {  	s5 =	simm.s32 $_size__tile_overlayer_lowered;
	s6 =	simm.s32 $_tile_overlayer_lowered  }
0xa1: {  	s22 =	simm.s32 $0x1BFF;
	s21 =	sshll.u32 s6, $0x1;
	s3 =	sadd.s32 s19, s18  }
0xa2: {  	s7 =	simm.s32 $0x0;
	s20 =	sshll.u32 s5, $0x1;
	s5 =	sadd.s32 s21, s3  }
0xa3: {  	[timem:s7], [sflag:s22] =	dma.local [hbm:s5], s20  }
0xa4: {  	_ =	swait.ge [sflag:s22], s20  }
0xa5: {  	s4 =	ssub.s32 $0x0, s20;
	[sflag:s22] =	ssyncset.done $0x0  }
0xa6: {  	[sflag:s22] =	ssyncadd.s32 s4;
	_ =	sdelay $0x1  }
0xa7: {  	s23 =	simm.s32 $0x1B8B  }
0xa8: {  	_ =	swait.ge [sflag:s23], $0x1  }
0xa9: {  	[sflag:s23] =	ssyncset.done $0x0  }
0xaa: {  	s25 =	simm.s32 $0x1B8E;
	s24 =	sld [smem:$0x3FFE];
	[sflag:s23] =	ssyncadd.s32 $0xFFFFFFFF  }
0xab: {  	s26 =	simm.s32 $execute0_lowered;
	[smem:$0x3FD2] =	sst s25  }
0xac: {  	s5 =	sshll.u32 s26, $0x1;
	_ =	strace $0x80000049;
	[dreg:$0x1] =	wrdreg $0xFFFFFFFF  }
0xad: {  	s28 =	simm.s32 $_size_execute0_lowered;
	s3 =	sadd.s32 s3, s5;
	[dreg:$0x0] =	wrdreg $0x0  }
0xae: {  	s5 =	sshll.u32 s28, $0x1;
	[dreg:$0x2] =	wrdreg s3  }
0xaf: {  	[dreg:$0x3] =	wrdreg s5  }
0xb0: {  	[dreg:$0x4] =	wrdreg $0xC0  }
0xb1: {  	_ =	task [dreg:s7], $0x5FFFF  }
0xb2: {  	[dreg:$0x1] =	wrdreg $0xFFFFFFFF  }
0xb3: {  	[dreg:$0x0] =	wrdreg $0x60  }
0xb4: {  	[dreg:$0x2] =	wrdreg s24  }
0xb5: {  	[dreg:$0x3] =	wrdreg s16  }
0xb6: {  	[dreg:$0x4] =	wrdreg $0x82000  }
0xb7: {  	[dreg:$0x5] =	wrdreg $0x9  }
0xb8: {  	_ =	task.clear_ibuf [dreg:s7], $0x6FFFF;
	_ =	strace $0x90000049  }
0xb9: {  	s29 =	simm.s32 $0x9;
	_ =	strace $0x8000004B  }
0xba: {  	_ =	swait.ge [sflag:s29], $0x1  }
0xbb: {  	[sflag:s29] =	ssyncadd.s32 $0xFFFFFFFF  }
0xbc: {  	_ =	strace $0x9000004B  }
0xbd: {  	_ =	sfence  }
0xbe: {  	s30 =	sld [smem:$0x0];
	_ =	sdelay $0x2  }
0xbf: {  	s31 =	sshll.u32 s1, $0xD;
	s1 =	sshrl.u32 s1, $0x2  }
0xc0: {  	s3 =	sand.u32 $0x4000, s31;
	s1 =	sadd.s32 s1, s30  }
0xc1: {  	s0 =	sor.u32 s3, s0;
	s1 =	sshll.u32 s1, $0x11  }
0xc2: {  	s0 =	sor.u32 s1, s0  }
0xc3: {  	s0 =	sadd.s32 $0x8F2B, s0  }
0xc4: {  	[sflag:s0] =	ssyncadd.remote.s32 $0x1  }
0xc5: {  	_ =	sfence.sel $0xFFFF  }
0xc6: {  	[dreg:$0x0] =	wrdreg $0xFFFFFFFF;
	(pc) =	sbr.abs _section_cstart, $3  }
0xc7: {  	[dreg:$0x1] =	wrdreg $0xFFFFFFFF  }
0xc8: {  	_ =	task.clear_ibuf [dreg:s7], $0x2FFFF;
	_ =	strace $0x9FFFFFFF  }
0xc9: {  	(tm) =	ssettm $0x7FFFFFFF  }
tec
execute0_lowered:
.L_overlay_start_1:
0x0: {  	(tag) =	ssettag $0x1  }
0x1: {  	s7 =	rddreg [dreg:$0x0]  }
0x2: {  	s8 =	rddreg [dreg:$0x1]  }
0x3: {  	s2 =	rddreg [dreg:$0x2];
	s4 =	srdreg.scid  }
0x4: {  	s0 =	stileid.u32;
	s3 =	simm.s32 $0x0;
	s20 =	simm.s32 $0x80  }
0x5: {  	s21 =	simm.s32 $0x200;
	s22 =	simm.s32 $0x180;
	s10 =	smul.u32 $0x2800, s0  }
0x6: {  	s28 =	simm.s32 $0x0;
	s9 =	sand.u32 $0x1, s4;
	s12 =	smul.u32 $0xA0, s0  }
0x7: {  	[smem:$0x7FF] =	sst s3;
	s4 =	sadd.s32 $0xCE00, s7;
	s15 =	smul.u32 $0x50000, s0  }
0x8: {  	s5 =	sadd.s32 $0x5D600, s7;
	s25 =	sshll.u32 s0, $0x6;
	s6 =	smul.u32 $0x28000, s9  }
0x9: {  	_ =	strace $0x8000004A;
	s11 =	smul.u32 $0xA00, s9;
	s14 =	ssub.s32 $0x2, s9  }
0xa: {  	s26 =	smul.u32 $0xA000, s9;
	s9 =	sor.u32 $0x1C05, s25;
	s25 =	simm.s32 $0x3  }
0xb: {  	s23 =	sshrl.u32 s14, $0x1;
	s24 =	sshrl.u32 s15, $0x2;
	s1 =	sadd.s32 s8, s10  }
0xc: {  	s8 =	smul.u32 $0xA00, s0;
	s13 =	sadd.s32 s10, s6;
	s6 =	sadd.s32 $0x2E00, s7  }
0xd: {  	s17 =	ssub.s32 s14, s23;
	s11 =	sadd.s32 s12, s11;
	s18 =	sadd.s32 s24, s2  }
0xe: {  	[dreg:$0x5] =	wrdreg s1;
	s23 =	simm.s32 $0x2;
	s24 =	simm.s32 $0x4200  }
0xf: {  	s16 =	sadd.s32 s13, s7;
	s11 =	sshll.u32 s11, $0x4;
	s19 =	sadd.s32 s8, s26  }
0x10: {  	s15 =	smax.u32 s17, $0x1;
	s17 =	simm.s32 $0x5;
	s26 =	simm.s32 $0x4  }
0x11: {  	s10 =	sadd.s32 s5, s11;
	s31 =	sadd.s32 $0x71600, s16;
	[dreg:$0x4] =	wrdreg s19  }
0x12: {  	s11 =	sadd.s32 s6, s8;
	s29 =	sadd.s32 $0x10, s10;
	[dreg:$0x8] =	wrdreg s31  }
0x13: {  	s16 =	sshrl.u32 s18, $0x3;
	s30 =	sadd.s32 $0x10, s11;
	[dreg:$0x6] =	wrdreg s29  }
0x14: {  	s18 =	simm.s32 $0x100;
	s19 =	simm.s32 $0x1;
	[dreg:$0x7] =	wrdreg s30  }
.LBB2_1:
0x15: {  	s0 =	rddreg [dreg:$0x5]  }
0x16: {  	[spmem:s16], [sflag:s9] =	dma.local [hbm:s0], $0x2800  }
0x17: {  	_ =	swait.ge [sflag:s17], $0x2800  }
0x18: {  	[sflag:s17] =	ssyncset.done $0x0  }
0x19: {  	[sflag:s17] =	ssyncadd.s32 $0xFFFFD800  }
0x1a: {  	[bflag:$0x0] =	sbarrier.arrive $0xFFFF  }
0x1b: {  	[tilespmem:s3], [sflag:$0x1] =	stream.linear.gather [hbm4b:s10+s3], $0x80, $0x38;
	[tilespmem:$0x1C200] =	vst v63  }
0x1c: {  	_ = 	snop  }
0x1d: {  	[tilespmem:s18], [sflag:$0x1] =	stream.linear.gather [hbm4b:s11+s3], $0x80, $0x38;
	[tilespmem:$0x1C200] =	vst v63  }
0x1e: {  	_ =	swait.ge [sflag:s19], $0x80  }
0x1f: {  	[sflag:s19] =	ssyncset.done $0x0  }
0x20: {  	[sflag:s19] =	ssyncadd.s32 $0xFFFFFF80  }
0x21: {  	_ =	swait.ge [sflag:s19], $0x80  }
0x22: {  	[sflag:s19] =	ssyncset.done $0x0  }
0x23: {  	[sflag:s19] =	ssyncadd.s32 $0xFFFFFF80  }
0x24: {  	[tilespmem:s21], [sflag:$0x3] =	stream.indirect.gather [hbm4b:s4+s20], $0x80, s3, s20, $0xb8;
	[tilespmem:$0x1C200] =	vst v63  }
0x25: {  	s31 =	rddreg [dreg:$0x6]  }
0x26: {  	[tilespmem:s20], [sflag:$0x2] =	stream.linear.gather [hbm4b:s31+s3], $0x80, $0x38;
	[tilespmem:$0x1C200] =	vst v63  }
0x27: {  	s1 =	rddreg [dreg:$0x7]  }
0x28: {  	[tilespmem:s22], [sflag:$0x2] =	stream.linear.gather [hbm4b:s1+s3], $0x80, $0x38;
	[tilespmem:$0x1C200] =	vst v63  }
0x29: {  	_ =	swait.ge [sflag:s23], $0x80  }
0x2a: {  	[sflag:s23] =	ssyncset.done $0x0  }
0x2b: {  	[sflag:s23] =	ssyncadd.s32 $0xFFFFFF80  }
0x2c: {  	_ =	swait.ge [sflag:s23], $0x80  }
0x2d: {  	[sflag:s23] =	ssyncset.done $0x0  }
0x2e: {  	[sflag:s23] =	ssyncadd.s32 $0xFFFFFF80  }
0x2f: {  	[tilespmem:s24], [sflag:$0x4] =	stream.indirect.gather [hbm4b:s4+s20], $0x80, s20, s20, $0xb8;
	[tilespmem:$0x1C200] =	vst v63  }
0x30: {  	_ =	swait.ge [sflag:s25], $0x4000  }
0x31: {  	[sflag:s25] =	ssyncset.done $0x0  }
0x32: {  	[sflag:s25] =	ssyncadd.s32 $0xFFFFC000  }
0x33: {  	[spmem:s2] =	stream.indirect.scatter.add.f32 [tilespmem:s21], [sflag:$0x5], $0x80, s18, s20, $0xb8;
	[tilespmem:$0x1C200] =	vst v63  }
0x34: {  	_ =	swait.ge [sflag:s17], $0x4000  }
0x35: {  	s29 =	rddreg [dreg:$0x4]  }
0x36: {  	s30 =	simm.s32 $0x20;
	s29 =	sadd.s32 $0x30, s29  }
0x37: {  	s12 =	sadd.s32 $0x30, s8;
	s30 =	sand.u32 $0x60, s30;
	s31 =	sadd.s32 $0xFFFFFFF0, s29  }
0x38: {  	s7 =	sadd.s32 s5, s30;
	[sflag:s17] =	ssyncset.done $0x0;
	s31 =	sand.u32 $0x3FF80, s31  }
0x39: {  	s13 =	sadd.s32 $0xFFFFFFF0, s12;
	[sflag:s17] =	ssyncadd.s32 $0xFFFFC000;
	s0 =	sadd.s32 s31, s7  }
0x3a: {  	[tilespmem:s3], [sflag:$0x1] =	stream.linear.gather [hbm4b:s0+s3], $0x80, $0x38;
	[tilespmem:$0x1C200] =	vst v63  }
0x3b: {  	s30 =	sadd.s32 s6, s30;
	s0 =	sand.u32 $0x1FF80, s13  }
0x3c: {  	s0 =	sadd.s32 s0, s30  }
0x3d: {  	[tilespmem:s18], [sflag:$0x1] =	stream.linear.gather [hbm4b:s0+s3], $0x80, $0x38;
	[tilespmem:$0x1C200] =	vst v63  }
0x3e: {  	_ =	swait.ge [sflag:s19], $0x80  }
0x3f: {  	[sflag:s19] =	ssyncset.done $0x0  }
0x40: {  	[sflag:s19] =	ssyncadd.s32 $0xFFFFFF80  }
0x41: {  	_ =	swait.ge [sflag:s19], $0x80  }
0x42: {  	[sflag:s19] =	ssyncset.done $0x0  }
0x43: {  	[sflag:s19] =	ssyncadd.s32 $0xFFFFFF80  }
0x44: {  	[tilespmem:s21], [sflag:$0x3] =	stream.indirect.gather [hbm4b:s4+s20], $0x80, s3, s20, $0xb8;
	[tilespmem:$0x1C200] =	vst v63  }
0x45: {  	_ =	swait.ge [sflag:s26], $0x4000  }
0x46: {  	[sflag:s26] =	ssyncset.done $0x0  }
0x47: {  	s14 =	simm.s32 $0x30;
	[sflag:s26] =	ssyncadd.s32 $0xFFFFC000  }
0x48: {  	[spmem:s2] =	stream.indirect.scatter.add.f32 [tilespmem:s24], [sflag:$0x5], $0x80, s22, s20, $0xb8;
	[tilespmem:$0x1C200] =	vst v63  }
0x49: {  	s0 =	sand.u32 $0x70, s14;
	_ =	swait.ge [sflag:s17], $0x4000  }
0x4a: {  	s29 =	sand.u32 $0x3FF80, s29;
	s30 =	sadd.s32 s5, s0;
	[sflag:s17] =	ssyncset.done $0x0  }
0x4b: {  	s29 =	sadd.s32 s29, s30;
	[sflag:s17] =	ssyncadd.s32 $0xFFFFC000  }
0x4c: {  	[tilespmem:s20], [sflag:$0x2] =	stream.linear.gather [hbm4b:s29+s3], $0x80, $0x38;
	[tilespmem:$0x1C200] =	vst v63  }
0x4d: {  	s0 =	sadd.s32 s6, s0;
	s29 =	sand.u32 $0x1FF80, s12  }
0x4e: {  	s0 =	sadd.s32 s29, s0  }
0x4f: {  	[tilespmem:s22], [sflag:$0x2] =	stream.linear.gather [hbm4b:s0+s3], $0x80, $0x38;
	[tilespmem:$0x1C200] =	vst v63  }
0x50: {  	_ =	swait.ge [sflag:s23], $0x80  }
0x51: {  	[sflag:s23] =	ssyncset.done $0x0  }
0x52: {  	[sflag:s23] =	ssyncadd.s32 $0xFFFFFF80  }
0x53: {  	_ =	swait.ge [sflag:s23], $0x80  }
0x54: {  	[sflag:s23] =	ssyncset.done $0x0  }
0x55: {  	[sflag:s23] =	ssyncadd.s32 $0xFFFFFF80  }
0x56: {  	[tilespmem:s24], [sflag:$0x4] =	stream.indirect.gather [hbm4b:s4+s20], $0x80, s20, s20, $0xb8;
	[tilespmem:$0x1C200] =	vst v63  }
0x57: {  	_ =	swait.ge [sflag:s25], $0x4000  }
0x58: {  	[sflag:s25] =	ssyncset.done $0x0  }
0x59: {  	[sflag:s25] =	ssyncadd.s32 $0xFFFFC000  }
0x5a: {  	[spmem:s2] =	stream.indirect.scatter.add.f32 [tilespmem:s21], [sflag:$0x5], $0x80, s18, s20, $0xb8;
	[tilespmem:$0x1C200] =	vst v63  }
0x5b: {  	s30 =	simm.s32 $0x70;
	s29 =	simm.s32 $0x50;
	_ =	swait.ge [sflag:s17], $0x4000  }
.LBB2_2:
0x5c: {  	s0 =	rddreg [dreg:$0x4];
	[sflag:s17] =	ssyncset.done $0x0  }
0x5d: {  	s1 =	sadd.s32 $0xFFFFFFF0, s29;
	s13 =	sadd.s32 s29, s8;
	s0 =	sadd.s32 s29, s0  }
0x5e: {  	[sflag:s17] =	ssyncadd.s32 $0xFFFFC000;
	s1 =	sand.u32 $0x60, s1;
	s7 =	sadd.s32 $0xFFFFFFF0, s0  }
0x5f: {  	s14 =	sadd.s32 $0xFFFFFFF0, s13;
	s12 =	sadd.s32 s5, s1;
	s7 =	sand.u32 $0x3FF80, s7  }
0x60: {  	s14 =	sand.u32 $0x1FF80, s14;
	s1 =	sadd.s32 s6, s1;
	s7 =	sadd.s32 s7, s12  }
0x61: {  	[tilespmem:s3], [sflag:$0x1] =	stream.linear.gather [hbm4b:s7+s3], $0x80, $0x38;
	[tilespmem:$0x1C200] =	vst v63  }
0x62: {  	s1 =	sadd.s32 s14, s1  }
0x63: {  	[tilespmem:s18], [sflag:$0x1] =	stream.linear.gather [hbm4b:s1+s3], $0x80, $0x38;
	[tilespmem:$0x1C200] =	vst v63  }
0x64: {  	_ =	swait.ge [sflag:s19], $0x80  }
0x65: {  	[sflag:s19] =	ssyncset.done $0x0  }
0x66: {  	[sflag:s19] =	ssyncadd.s32 $0xFFFFFF80  }
0x67: {  	_ =	swait.ge [sflag:s19], $0x80  }
0x68: {  	[sflag:s19] =	ssyncset.done $0x0  }
0x69: {  	[sflag:s19] =	ssyncadd.s32 $0xFFFFFF80  }
0x6a: {  	[tilespmem:s21], [sflag:$0x3] =	stream.indirect.gather [hbm4b:s4+s20], $0x80, s3, s20, $0xb8;
	[tilespmem:$0x1C200] =	vst v63  }
0x6b: {  	_ =	swait.ge [sflag:s26], $0x4000  }
0x6c: {  	[sflag:s26] =	ssyncset.done $0x0  }
0x6d: {  	s31 =	smov.u32 s30;
	s13 =	sand.u32 $0x1FF80, s13;
	[sflag:s26] =	ssyncadd.s32 $0xFFFFC000  }
0x6e: {  	[spmem:s2] =	stream.indirect.scatter.add.f32 [tilespmem:s24], [sflag:$0x5], $0x80, s22, s20, $0xb8;
	[tilespmem:$0x1C200] =	vst v63  }
0x6f: {  	s0 =	sand.u32 $0x3FF80, s0;
	s14 =	sand.u32 $0x70, s29;
	_ =	swait.ge [sflag:s17], $0x4000  }
0x70: {  	s29 =	smov.u32 s31;
	s31 =	sadd.s32 s5, s14;
	[sflag:s17] =	ssyncset.done $0x0  }
0x71: {  	s0 =	sadd.s32 s0, s31;
	s1 =	sadd.s32 s6, s14;
	[sflag:s17] =	ssyncadd.s32 $0xFFFFC000  }
0x72: {  	[tilespmem:s20], [sflag:$0x2] =	stream.linear.gather [hbm4b:s0+s3], $0x80, $0x38;
	[tilespmem:$0x1C200] =	vst v63  }
0x73: {  	s1 =	sadd.s32 s13, s1  }
0x74: {  	[tilespmem:s22], [sflag:$0x2] =	stream.linear.gather [hbm4b:s1+s3], $0x80, $0x38;
	[tilespmem:$0x1C200] =	vst v63  }
0x75: {  	_ =	swait.ge [sflag:s23], $0x80  }
0x76: {  	[sflag:s23] =	ssyncset.done $0x0  }
0x77: {  	[sflag:s23] =	ssyncadd.s32 $0xFFFFFF80  }
0x78: {  	_ =	swait.ge [sflag:s23], $0x80  }
0x79: {  	[sflag:s23] =	ssyncset.done $0x0  }
0x7a: {  	p0 =	sne.s32 s30, $0x9F0;
	[sflag:s23] =	ssyncadd.s32 $0xFFFFFF80  }
0x7b: {  	[tilespmem:s24], [sflag:$0x4] =	stream.indirect.gather [hbm4b:s4+s20], $0x80, s20, s20, $0xb8;
	[tilespmem:$0x1C200] =	vst v63  }
.Ltmp0:
0x7c: {  	_ =	swait.ge [sflag:s25], $0x4000;
	(pc) =	sbr.rel @p0 .LBB2_2-.Ltmp0, $4  }
0x7d: {  	[sflag:s25] =	ssyncset.done $0x0  }
0x7e: {  	[sflag:s25] =	ssyncadd.s32 $0xFFFFC000  }
0x7f: {  	[spmem:s2] =	stream.indirect.scatter.add.f32 [tilespmem:s21], [sflag:$0x5], $0x80, s18, s20, $0xb8;
	[tilespmem:$0x1C200] =	vst v63  }
0x80: {  	s30 =	sadd.s32 $0x20, s30;
	_ =	swait.ge [sflag:s17], $0x4000  }
0x81: {  	s0 =	rddreg [dreg:$0x4]  }
0x82: {  	s1 =	sadd.s32 $0xFFFFFFF0, s29;
	s0 =	sadd.s32 s29, s0  }
0x83: {  	[sflag:s17] =	ssyncset.done $0x0;
	s1 =	sand.u32 $0x60, s1;
	s7 =	sadd.s32 $0xFFFFFFF0, s0  }
0x84: {  	s31 =	sadd.s32 s29, s8;
	s12 =	sadd.s32 s5, s1;
	s7 =	sand.u32 $0x3FF80, s7  }
0x85: {  	[sflag:s17] =	ssyncadd.s32 $0xFFFFC000;
	s13 =	sadd.s32 $0xFFFFFFF0, s31;
	s7 =	sadd.s32 s7, s12  }
0x86: {  	[tilespmem:s3], [sflag:$0x1] =	stream.linear.gather [hbm4b:s7+s3], $0x80, $0x38;
	[tilespmem:$0x1C200] =	vst v63  }
0x87: {  	s1 =	sadd.s32 s6, s1;
	s7 =	sand.u32 $0x1FF80, s13  }
0x88: {  	s1 =	sadd.s32 s7, s1  }
0x89: {  	[tilespmem:s18], [sflag:$0x1] =	stream.linear.gather [hbm4b:s1+s3], $0x80, $0x38;
	[tilespmem:$0x1C200] =	vst v63  }
0x8a: {  	_ =	swait.ge [sflag:s19], $0x80  }
0x8b: {  	[sflag:s19] =	ssyncset.done $0x0  }
0x8c: {  	[sflag:s19] =	ssyncadd.s32 $0xFFFFFF80  }
0x8d: {  	_ =	swait.ge [sflag:s19], $0x80  }
0x8e: {  	[sflag:s19] =	ssyncset.done $0x0  }
0x8f: {  	[sflag:s19] =	ssyncadd.s32 $0xFFFFFF80  }
0x90: {  	[tilespmem:s21], [sflag:$0x3] =	stream.indirect.gather [hbm4b:s4+s20], $0x80, s3, s20, $0xb8;
	[tilespmem:$0x1C200] =	vst v63  }
0x91: {  	_ =	swait.ge [sflag:s26], $0x4000  }
0x92: {  	[sflag:s26] =	ssyncset.done $0x0  }
0x93: {  	s14 =	sand.u32 $0x70, s29;
	[sflag:s26] =	ssyncadd.s32 $0xFFFFC000  }
0x94: {  	[spmem:s2] =	stream.indirect.scatter.add.f32 [tilespmem:s24], [sflag:$0x5], $0x80, s22, s20, $0xb8;
	[tilespmem:$0x1C200] =	vst v63  }
0x95: {  	s29 =	sadd.s32 s5, s14;
	_ =	swait.ge [sflag:s17], $0x4000  }
0x96: {  	s30 =	sand.u32 $0x1FF80, s31;
	s0 =	sand.u32 $0x3FF80, s0;
	[sflag:s17] =	ssyncset.done $0x0  }
0x97: {  	s0 =	sadd.s32 s0, s29;
	s1 =	sadd.s32 s6, s14;
	[sflag:s17] =	ssyncadd.s32 $0xFFFFC000  }
0x98: {  	[tilespmem:s20], [sflag:$0x2] =	stream.linear.gather [hbm4b:s0+s3], $0x80, $0x38;
	[tilespmem:$0x1C200] =	vst v63  }
0x99: {  	s0 =	sadd.s32 s30, s1  }
0x9a: {  	[tilespmem:s22], [sflag:$0x2] =	stream.linear.gather [hbm4b:s0+s3], $0x80, $0x38;
	[tilespmem:$0x1C200] =	vst v63  }
0x9b: {  	_ =	swait.ge [sflag:s23], $0x80  }
0x9c: {  	[sflag:s23] =	ssyncset.done $0x0  }
0x9d: {  	[sflag:s23] =	ssyncadd.s32 $0xFFFFFF80  }
0x9e: {  	_ =	swait.ge [sflag:s23], $0x80  }
0x9f: {  	[sflag:s23] =	ssyncset.done $0x0  }
0xa0: {  	[sflag:s23] =	ssyncadd.s32 $0xFFFFFF80  }
0xa1: {  	[tilespmem:s24], [sflag:$0x4] =	stream.indirect.gather [hbm4b:s4+s20], $0x80, s20, s20, $0xb8;
	[tilespmem:$0x1C200] =	vst v63  }
0xa2: {  	_ =	swait.ge [sflag:s25], $0x4000  }
0xa3: {  	[sflag:s25] =	ssyncset.done $0x0  }
0xa4: {  	[sflag:s25] =	ssyncadd.s32 $0xFFFFC000  }
0xa5: {  	[spmem:s2] =	stream.indirect.scatter.add.f32 [tilespmem:s21], [sflag:$0x5], $0x80, s18, s20, $0xb8;
	[tilespmem:$0x1C200] =	vst v63  }
0xa6: {  	_ =	swait.ge [sflag:s17], $0x4000  }
0xa7: {  	[sflag:s17] =	ssyncset.done $0x0  }
0xa8: {  	[sflag:s17] =	ssyncadd.s32 $0xFFFFC000  }
0xa9: {  	_ =	swait.ge [sflag:s26], $0x4000  }
0xaa: {  	[sflag:s26] =	ssyncset.done $0x0  }
0xab: {  	[sflag:s26] =	ssyncadd.s32 $0xFFFFC000  }
0xac: {  	[spmem:s2] =	stream.indirect.scatter.add.f32 [tilespmem:s24], [sflag:$0x5], $0x80, s22, s20, $0xb8;
	[tilespmem:$0x1C200] =	vst v63  }
0xad: {  	_ =	swait.ge [sflag:s17], $0x4000  }
0xae: {  	[sflag:s17] =	ssyncset.done $0x0  }
0xaf: {  	s28 =	sadd.s32 $0x1, s28;
	[sflag:s17] =	ssyncadd.s32 $0xFFFFC000  }
0xb0: {  	p0 =	sne.s32 s28, s15;
	[bflag:$0x0] =	sbarrier.arrive $0xFFFF  }
.Ltmp1:
0xb1: {  	s31 =	rddreg [dreg:$0x8];
	(pc) =	sbr.rel @p0 .LBB2_1-.Ltmp1, $4  }
0xb2: {  	[hbm:s31], [sflag:s9] =	dma.local [spmem:s16], $0x2800  }
0xb3: {  	_ =	swait.ge [sflag:s17], $0x2800  }
0xb4: {  	[sflag:s17] =	ssyncset.done $0x0  }
0xb5: {  	[sflag:s17] =	ssyncadd.s32 $0xFFFFD800  }
0xb6: {  	_ =	sfence.sel $0x180000  }
0xb7: {  	[bflag:$0x0] =	sbarrier.arrive $0xFFFF  }
0xb8: {  	_ =	strace $0x9000004A  }
0xb9: {  	s0 =	stileid.u32;
	[bflag:$0x2] =	sbarrier.arrive $0xFFFF  }
0xba: {  	p0 =	sne.s32 s0, $0x0;
	s0 =	rddreg [dreg:$0x3]  }
0xbb: {  	s0 =	sadd.s32 @!p0 $0x100000, s0  }
0xbc: {  	[sflag:s0] =	ssyncadd.tile.s32 @!p0 $0x1;
	_ =	shalt  }
.Lfunc_end2:
_tile_overlayer_lowered:
.L_overlay_start_2:
0xbd: {  	(tag) =	ssettag $0x2  }
0xbe: {  	s0 =	rddreg [dreg:$0x0];
	s2 =	stileid.u32  }
0xbf: {  	s1 =	rddreg [dreg:$0x1];
	p0 =	sne.s32 s2, $0x0  }
0xc0: {  	s3 =	rddreg [dreg:$0x2];
	[bflag:$0x3] =	sbarrier.arrive $0xFFFF;
	s2 =	simm.s32 @!p0 $0x1C05  }
0xc1: {  	[timem:s3], [sflag:s2] =	dma.local @!p0 [hbm:s0], s1  }
0xc2: {  	s0 =	simm.s32 @!p0 $0x5  }
0xc3: {  	_ =	swait.ge @!p0 [sflag:s0], s1  }
0xc4: {  	s1 =	ssub.s32 @!p0 $0x0, s1;
	[sflag:s0] =	ssyncset.done @!p0 $0x0  }
0xc5: {  	[sflag:s0] =	ssyncadd.s32 @!p0 s1  }
0xc6: {  	[bflag:$0x3] =	sbarrier.arrive $0xFFFF  }
0xc7: {  	_ =	shalt  }

// kernel: kernel.16.cloned.1.call-start
scs
__scs_entry_jumppad:
0x0: {  	(pc) =	sbr.rel $0x88, $3  }
0x1: {  	(tag) =	ssettag $0x0;
	lr =	simm.s32 $0x1  }
0x2: {  	[smem:$0x3F96] =	sst lr;
	_ =	strace $0xD0000000  }
0x3: {  	_ = 	snop  }
0x4: {  	_ = 	snop  }
0x5: {  	_ = 	snop  }
0x6: {  	_ = 	snop  }
0x7: {  	_ = 	snop  }
__scs_overlays_trampoline_lowered:
0x8: {  	[smem:$0x3FA5] =	sst s0  }
0x9: {  	[smem:$0x3FA6] =	sst s1  }
0xa: {  	[smem:$0x3FA7] =	sst s2  }
0xb: {  	[smem:$0x3FA8] =	sst s3  }
0xc: {  	[smem:$0x3FA9] =	sst s4  }
0xd: {  	[smem:$0x3FAA] =	sst s5  }
0xe: {  	[smem:$0x3FAB] =	sst s6  }
0xf: {  	[smem:$0x3FAC] =	sst s7  }
0x10: {  	[smem:$0x3FAD] =	sst s8  }
0x11: {  	[smem:$0x3FAE] =	sst s9;
	s0 =	simm.s32 @!p0 $0x0  }
0x12: {  	s1 =	sld [smem:$0x3F94];
	s0 =	simm.s32 @p0 $0x1  }
0x13: {  	[smem:$0x3FAF] =	sst s0;
	s0 =	simm.s32 @!p1 $0x0  }
0x14: {  	s2 =	sld [smem:$0x3F93];
	s0 =	simm.s32 @p1 $0x1  }
0x15: {  	[smem:$0x3FB0] =	sst s0;
	s0 =	simm.s32 @!p2 $0x0  }
0x16: {  	s3 =	sld [smem:$0x3FDB];
	s0 =	simm.s32 @p2 $0x1  }
0x17: {  	s4 =	simm.s32 $0x1BF5;
	[smem:$0x3FB2] =	sst s0  }
0x18: {  	s0 =	sld [smem:$0x3F95];
	_ =	swait.ge [sflag:s4], $0x0  }
0x19: {  	s7 =	sld [smem:$0x3F96]  }
0x1a: {  	s8 =	sadd.s32 $0xFFFFE003, lr  }
0x1b: {  	s9 =	sadd.s32 $0xFFFFFEF7, lr;
	s5 =	simm.s32 $0xFFFFFFFF;
	p2 =	slt.u32 s8, $0xFFFFF086  }
0x1c: {  	p1 =	slt.u32 s9, $0xF7A;
	s5 =	simm.s32 @!p2 $0x0  }
0x1d: {  	s5 =	simm.s32 @p1 $0x1;
	p0 =	seq.s32 s7, s2  }
0x1e: {  	s7 =	smul.u32 @!p0 $0xF7A, s2;
	p2 =	seq.s32 @!p0 s5, $0x0  }
0x1f: {  	s9 =	smul.u32 $0xF7A, s1;
	s8 =	simm.s32 @!p0 $0x1BF5;
	p2 =	por !p2, p0  }
0x20: {  	[sflag:s8] =	ssyncset.s32 @!p0 $0xFFFFF086;
	s6 =	sadd.s32 @!p0 s3, s7;
	s7 =	simm.s32 @!p0 $0x108  }
0x21: {  	s3 =	sadd.s32 s3, s9;
	s6 =	sadd.s32 @!p0 $0x88, s6;
	s7 =	simm.s32 @p2 $0x1082  }
0x22: {  	[simem:s7], [sflag:s8] =	dma.local @!p0 [hbm:s6], $0xF7A  }
0x23: {  	s9 =	sor.u32 $0xD0000000, s2;
	s6 =	simm.s32 $0x108;
	_ =	swait.ge @!p0 [sflag:s8], $0x0  }
0x24: {  	s3 =	sadd.s32 $0x88, s3;
	s6 =	simm.s32 @!p1 $0x1082;
	[sflag:s4] =	ssyncset.s32 $0xFFFFF086  }
0x25: {  	[simem:s6], [sflag:s4] =	dma.local [hbm:s3], $0xF7A  }
0x26: {  	[smem:$0x3F96] =	sst s1;
	(tag) =	ssettag s2;
	_ =	strace s9  }
0x27: {  	s1 =	sld [smem:$0x3FA6]  }
0x28: {  	s2 =	sld [smem:$0x3FA7]  }
0x29: {  	s4 =	sld [smem:$0x3FA9]  }
0x2a: {  	p0 =	seq.s32 s5, $0x0;
	s5 =	sld [smem:$0x3FAA]  }
0x2b: {  	s6 =	sld [smem:$0x3FAB]  }
0x2c: {  	s7 =	sld [smem:$0x3FAC]  }
0x2d: {  	s3 =	simm.s32 $0x108;
	s8 =	sld [smem:$0x3FAD]  }
0x2e: {  	s3 =	simm.s32 @!p0 $0x1082;
	s9 =	sld [smem:$0x3FAE]  }
0x2f: {  	lr =	sadd.s32 s0, s3;
	s0 =	sld [smem:$0x3FA5]  }
0x30: {  	s3 =	sld [smem:$0x3FA8]  }
0x31: {  	[smem:$0x3FB1] =	sst s10  }
0x32: {  	s10 =	sld [smem:$0x3FAF];
	_ =	sdelay $0x3  }
0x33: {  	p0 =	seq.s32 s10, $0x1;
	s10 =	sld [smem:$0x3FB1];
	_ =	sdelay $0x3  }
0x34: {  	[smem:$0x3FB1] =	sst s10  }
0x35: {  	s10 =	sld [smem:$0x3FB0];
	_ =	sdelay $0x3  }
0x36: {  	p1 =	seq.s32 s10, $0x1;
	s10 =	sld [smem:$0x3FB1];
	_ =	sdelay $0x3  }
0x37: {  	[smem:$0x3FB1] =	sst s10  }
0x38: {  	s10 =	sld [smem:$0x3FB2]  }
0x39: {  	_ = 	snop;
	(pc) =	sbr.ind lr, $3  }
0x3a: {  	_ = 	snop  }
0x3b: {  	_ = 	snop  }
0x3c: {  	p2 =	seq.s32 s10, $0x1;
	s10 =	sld [smem:$0x3FB1]  }
0x3d: {  	_ =	shalt  }
0x3e: {  	_ =	shalt  }
0x3f: {  	_ =	shalt  }
0x40: {  	_ =	shalt  }
0x41: {  	_ =	shalt  }
0x42: {  	_ =	shalt  }
0x43: {  	_ =	shalt  }
0x44: {  	_ =	shalt  }
0x45: {  	_ =	shalt  }
0x46: {  	_ =	shalt  }
0x47: {  	_ =	shalt  }
0x48: {  	_ =	shalt  }
0x49: {  	_ =	shalt  }
0x4a: {  	_ =	shalt  }
0x4b: {  	_ =	shalt  }
0x4c: {  	_ =	shalt  }
0x4d: {  	_ =	shalt  }
0x4e: {  	_ =	shalt  }
0x4f: {  	_ =	shalt  }
0x50: {  	_ =	shalt  }
0x51: {  	_ =	shalt  }
0x52: {  	_ =	shalt  }
0x53: {  	_ =	shalt  }
0x54: {  	_ =	shalt  }
0x55: {  	_ =	shalt  }
0x56: {  	_ =	shalt  }
0x57: {  	_ =	shalt  }
0x58: {  	_ =	shalt  }
0x59: {  	_ =	shalt  }
0x5a: {  	_ =	shalt  }
0x5b: {  	_ =	shalt  }
0x5c: {  	_ =	shalt  }
0x5d: {  	_ =	shalt  }
0x5e: {  	_ =	shalt  }
0x5f: {  	_ =	shalt  }
0x60: {  	_ =	shalt  }
0x61: {  	_ =	shalt  }
0x62: {  	_ =	shalt  }
0x63: {  	_ =	shalt  }
0x64: {  	_ =	shalt  }
0x65: {  	_ =	shalt  }
0x66: {  	_ =	shalt  }
0x67: {  	_ =	shalt  }
0x68: {  	_ =	shalt  }
0x69: {  	_ =	shalt  }
0x6a: {  	_ =	shalt  }
0x6b: {  	_ =	shalt  }
0x6c: {  	_ =	shalt  }
0x6d: {  	_ =	shalt  }
0x6e: {  	_ =	shalt  }
0x6f: {  	_ =	shalt  }
0x70: {  	_ =	shalt  }
0x71: {  	_ =	shalt  }
0x72: {  	_ =	shalt  }
0x73: {  	_ =	shalt  }
0x74: {  	_ =	shalt  }
0x75: {  	_ =	shalt  }
0x76: {  	_ =	shalt  }
0x77: {  	_ =	shalt  }
0x78: {  	_ =	shalt  }
0x79: {  	_ =	shalt  }
0x7a: {  	_ =	shalt  }
0x7b: {  	_ =	shalt  }
0x7c: {  	_ =	shalt  }
0x7d: {  	_ =	shalt  }
0x7e: {  	_ =	shalt  }
0x7f: {  	_ =	shalt  }
0x80: {  	_ =	shalt  }
0x81: {  	_ =	shalt  }
0x82: {  	_ =	shalt  }
0x83: {  	_ =	shalt  }
0x84: {  	_ =	shalt  }
0x85: {  	_ =	shalt  }
0x86: {  	_ =	shalt  }
0x87: {  	_ =	shalt  }
.Lfunc_end0:
.L_simem_size_0:
called_computation.2_lowered:
.L_overlay_start_0:
0x88: {  	s2 =	sld [smem:$0x3FD9]  }
0x89: {  	s3 =	sld [smem:$0x3FFE];
	_ =	sdelay $0x1  }
0x8a: {  	s1 =	srdreg.scid  }
0x8b: {  	s0 =	sand.u32 $0x1, s1  }
0x8c: {  	s14 =	sshll.u32 s0, $0xA;
	s2 =	sadd.s32 s3, s2  }
0x8d: {  	s2 =	sadd.s32 s2, s14  }
0x8e: {  	[smem:$0x3FBD] =	sst s2  }
0x8f: {  	_ = 	snop  }
0x90: {  	s2 =	sld [smem:$0x3FD0];
	_ =	sdelay $0x2  }
0x91: {  	s15 =	simm.s32 $0xA;
	s4 =	simm.s32 $0x10  }
0x92: {  	[smem:s4], [sflag:s15] =	dma.local [hbm:s2], $0x1  }
0x93: {  	_ =	swait.eq [sflag:s15], $0x1  }
0x94: {  	[sflag:s15] =	ssyncset.done $0x0  }
0x95: {  	[sflag:s15] =	ssyncadd.s32 $0xFFFFFFFF  }
0x96: {  	s16 =	sld [smem:$0x11];
	(tm) =	ssettm $0x1  }
0x97: {  	s17 =	sld [smem:$0x3FFB];
	_ =	sdelay $0x3  }
0x98: {  	_ =	strace s17  }
0x99: {  	s3 =	sld [smem:$0x3FFC];
	_ =	sdelay $0x3  }
0x9a: {  	_ =	strace s3  }
0x9b: {  	s3 =	sld [smem:$0x3FFD];
	_ =	sdelay $0x3  }
0x9c: {  	_ =	strace s3  }
0x9d: {  	_ =	strace $0x8FFFFFFF  }
0x9e: {  	s18 =	sld [smem:$0x3FDB];
	_ =	sdelay $0x1  }
0x9f: {  	s19 =	simm.s32 $_scs_section_size  }
0xa0: {  	s5 =	simm.s32 $_size__tile_overlayer_lowered;
	s6 =	simm.s32 $_tile_overlayer_lowered  }
0xa1: {  	s22 =	simm.s32 $0x1BFF;
	s21 =	sshll.u32 s6, $0x1;
	s3 =	sadd.s32 s19, s18  }
0xa2: {  	s7 =	simm.s32 $0x0;
	s20 =	sshll.u32 s5, $0x1;
	s5 =	sadd.s32 s21, s3  }
0xa3: {  	[timem:s7], [sflag:s22] =	dma.local [hbm:s5], s20  }
0xa4: {  	_ =	swait.ge [sflag:s22], s20  }
0xa5: {  	s4 =	ssub.s32 $0x0, s20;
	[sflag:s22] =	ssyncset.done $0x0  }
0xa6: {  	[sflag:s22] =	ssyncadd.s32 s4;
	_ =	sdelay $0x1  }
0xa7: {  	s23 =	simm.s32 $0x1B8B  }
0xa8: {  	_ =	swait.ge [sflag:s23], $0x1  }
0xa9: {  	[sflag:s23] =	ssyncset.done $0x0  }
0xaa: {  	s25 =	simm.s32 $0x1B8E;
	s24 =	sld [smem:$0x3FFE];
	[sflag:s23] =	ssyncadd.s32 $0xFFFFFFFF  }
0xab: {  	s26 =	simm.s32 $execute0_lowered;
	[smem:$0x3FD2] =	sst s25  }
0xac: {  	s5 =	sshll.u32 s26, $0x1;
	_ =	strace $0x8000004C;
	[dreg:$0x1] =	wrdreg $0xFFFFFFFF  }
0xad: {  	s28 =	simm.s32 $_size_execute0_lowered;
	s3 =	sadd.s32 s3, s5;
	[dreg:$0x0] =	wrdreg $0x0  }
0xae: {  	s5 =	sshll.u32 s28, $0x1;
	[dreg:$0x2] =	wrdreg s3  }
0xaf: {  	[dreg:$0x3] =	wrdreg s5  }
0xb0: {  	[dreg:$0x4] =	wrdreg $0xC0  }
0xb1: {  	_ =	task [dreg:s7], $0x5FFFF  }
0xb2: {  	[dreg:$0x1] =	wrdreg $0xFFFFFFFF  }
0xb3: {  	[dreg:$0x0] =	wrdreg $0x60  }
0xb4: {  	[dreg:$0x2] =	wrdreg s24  }
0xb5: {  	[dreg:$0x3] =	wrdreg s16  }
0xb6: {  	[dreg:$0x4] =	wrdreg $0x82000  }
0xb7: {  	[dreg:$0x5] =	wrdreg $0x9  }
0xb8: {  	_ =	task.clear_ibuf [dreg:s7], $0x6FFFF;
	_ =	strace $0x9000004C  }
0xb9: {  	s29 =	simm.s32 $0x9;
	_ =	strace $0x8000004E  }
0xba: {  	_ =	swait.ge [sflag:s29], $0x1  }
0xbb: {  	[sflag:s29] =	ssyncadd.s32 $0xFFFFFFFF  }
0xbc: {  	_ =	strace $0x9000004E  }
0xbd: {  	_ =	sfence  }
0xbe: {  	s30 =	sld [smem:$0x0];
	_ =	sdelay $0x2  }
0xbf: {  	s31 =	sshll.u32 s1, $0xD;
	s1 =	sshrl.u32 s1, $0x2  }
0xc0: {  	s3 =	sand.u32 $0x4000, s31;
	s1 =	sadd.s32 s1, s30  }
0xc1: {  	s0 =	sor.u32 s3, s0;
	s1 =	sshll.u32 s1, $0x11  }
0xc2: {  	s0 =	sor.u32 s1, s0  }
0xc3: {  	s0 =	sadd.s32 $0x8F2B, s0  }
0xc4: {  	[sflag:s0] =	ssyncadd.remote.s32 $0x1  }
0xc5: {  	_ =	sfence.sel $0xFFFF  }
0xc6: {  	[dreg:$0x0] =	wrdreg $0xFFFFFFFF;
	(pc) =	sbr.abs _section_cstart, $3  }
0xc7: {  	[dreg:$0x1] =	wrdreg $0xFFFFFFFF  }
0xc8: {  	_ =	task.clear_ibuf [dreg:s7], $0x2FFFF;
	_ =	strace $0x9FFFFFFF  }
0xc9: {  	(tm) =	ssettm $0x7FFFFFFF  }
tec
execute0_lowered:
.L_overlay_start_1:
0x0: {  	(tag) =	ssettag $0x1  }
0x1: {  	s7 =	rddreg [dreg:$0x0]  }
0x2: {  	s8 =	rddreg [dreg:$0x1]  }
0x3: {  	s2 =	rddreg [dreg:$0x2];
	s4 =	srdreg.scid  }
0x4: {  	s0 =	stileid.u32;
	s3 =	simm.s32 $0x0;
	s20 =	simm.s32 $0x80  }
0x5: {  	s21 =	simm.s32 $0x200;
	s22 =	simm.s32 $0x180;
	s10 =	smul.u32 $0x2800, s0  }
0x6: {  	s28 =	simm.s32 $0x0;
	s9 =	sand.u32 $0x1, s4;
	s12 =	smul.u32 $0xA0, s0  }
0x7: {  	[smem:$0x7FF] =	sst s3;
	s4 =	sadd.s32 $0xCE00, s7;
	s15 =	smul.u32 $0x50000, s0  }
0x8: {  	s5 =	sadd.s32 $0x5D600, s7;
	s25 =	sshll.u32 s0, $0x6;
	s6 =	smul.u32 $0x28000, s9  }
0x9: {  	_ =	strace $0x8000004D;
	s11 =	smul.u32 $0xA00, s9;
	s14 =	ssub.s32 $0x2, s9  }
0xa: {  	s26 =	smul.u32 $0xA000, s9;
	s9 =	sor.u32 $0x1C05, s25;
	s25 =	simm.s32 $0x3  }
0xb: {  	s23 =	sshrl.u32 s14, $0x1;
	s24 =	sshrl.u32 s15, $0x2;
	s1 =	sadd.s32 s8, s10  }
0xc: {  	s8 =	smul.u32 $0xA00, s0;
	s13 =	sadd.s32 s10, s6;
	s6 =	sadd.s32 $0x2E00, s7  }
0xd: {  	s17 =	ssub.s32 s14, s23;
	s11 =	sadd.s32 s12, s11;
	s18 =	sadd.s32 s24, s2  }
0xe: {  	[dreg:$0x5] =	wrdreg s1;
	s23 =	simm.s32 $0x2;
	s24 =	simm.s32 $0x4200  }
0xf: {  	s16 =	sadd.s32 s13, s7;
	s11 =	sshll.u32 s11, $0x4;
	s19 =	sadd.s32 s8, s26  }
0x10: {  	s15 =	smax.u32 s17, $0x1;
	s17 =	simm.s32 $0x5;
	s26 =	simm.s32 $0x4  }
0x11: {  	s10 =	sadd.s32 s5, s11;
	s31 =	sadd.s32 $0x71600, s16;
	[dreg:$0x4] =	wrdreg s19  }
0x12: {  	s11 =	sadd.s32 s6, s8;
	s29 =	sadd.s32 $0x10, s10;
	[dreg:$0x8] =	wrdreg s31  }
0x13: {  	s16 =	sshrl.u32 s18, $0x3;
	s30 =	sadd.s32 $0x10, s11;
	[dreg:$0x6] =	wrdreg s29  }
0x14: {  	s18 =	simm.s32 $0x100;
	s19 =	simm.s32 $0x1;
	[dreg:$0x7] =	wrdreg s30  }
.LBB2_1:
0x15: {  	s0 =	rddreg [dreg:$0x5]  }
0x16: {  	[spmem:s16], [sflag:s9] =	dma.local [hbm:s0], $0x2800  }
0x17: {  	_ =	swait.ge [sflag:s17], $0x2800  }
0x18: {  	[sflag:s17] =	ssyncset.done $0x0  }
0x19: {  	[sflag:s17] =	ssyncadd.s32 $0xFFFFD800  }
0x1a: {  	[bflag:$0x0] =	sbarrier.arrive $0xFFFF  }
0x1b: {  	[tilespmem:s3], [sflag:$0x1] =	stream.linear.gather [hbm4b:s10+s3], $0x80, $0x38;
	[tilespmem:$0x1C200] =	vst v63  }
0x1c: {  	_ = 	snop  }
0x1d: {  	[tilespmem:s18], [sflag:$0x1] =	stream.linear.gather [hbm4b:s11+s3], $0x80, $0x38;
	[tilespmem:$0x1C200] =	vst v63  }
0x1e: {  	_ =	swait.ge [sflag:s19], $0x80  }
0x1f: {  	[sflag:s19] =	ssyncset.done $0x0  }
0x20: {  	[sflag:s19] =	ssyncadd.s32 $0xFFFFFF80  }
0x21: {  	_ =	swait.ge [sflag:s19], $0x80  }
0x22: {  	[sflag:s19] =	ssyncset.done $0x0  }
0x23: {  	[sflag:s19] =	ssyncadd.s32 $0xFFFFFF80  }
0x24: {  	[tilespmem:s21], [sflag:$0x3] =	stream.indirect.gather [hbm4b:s4+s20], $0x80, s3, s20, $0xb8;
	[tilespmem:$0x1C200] =	vst v63  }
0x25: {  	s31 =	rddreg [dreg:$0x6]  }
0x26: {  	[tilespmem:s20], [sflag:$0x2] =	stream.linear.gather [hbm4b:s31+s3], $0x80, $0x38;
	[tilespmem:$0x1C200] =	vst v63  }
0x27: {  	s1 =	rddreg [dreg:$0x7]  }
0x28: {  	[tilespmem:s22], [sflag:$0x2] =	stream.linear.gather [hbm4b:s1+s3], $0x80, $0x38;
	[tilespmem:$0x1C200] =	vst v63  }
0x29: {  	_ =	swait.ge [sflag:s23], $0x80  }
0x2a: {  	[sflag:s23] =	ssyncset.done $0x0  }
0x2b: {  	[sflag:s23] =	ssyncadd.s32 $0xFFFFFF80  }
0x2c: {  	_ =	swait.ge [sflag:s23], $0x80  }
0x2d: {  	[sflag:s23] =	ssyncset.done $0x0  }
0x2e: {  	[sflag:s23] =	ssyncadd.s32 $0xFFFFFF80  }
0x2f: {  	[tilespmem:s24], [sflag:$0x4] =	stream.indirect.gather [hbm4b:s4+s20], $0x80, s20, s20, $0xb8;
	[tilespmem:$0x1C200] =	vst v63  }
0x30: {  	_ =	swait.ge [sflag:s25], $0x4000  }
0x31: {  	[sflag:s25] =	ssyncset.done $0x0  }
0x32: {  	[sflag:s25] =	ssyncadd.s32 $0xFFFFC000  }
0x33: {  	[spmem:s2] =	stream.indirect.scatter.add.f32 [tilespmem:s21], [sflag:$0x5], $0x80, s18, s20, $0xb8;
	[tilespmem:$0x1C200] =	vst v63  }
0x34: {  	_ =	swait.ge [sflag:s17], $0x4000  }
0x35: {  	s29 =	rddreg [dreg:$0x4]  }
0x36: {  	s30 =	simm.s32 $0x20;
	s29 =	sadd.s32 $0x30, s29  }
0x37: {  	s12 =	sadd.s32 $0x30, s8;
	s30 =	sand.u32 $0x60, s30;
	s31 =	sadd.s32 $0xFFFFFFF0, s29  }
0x38: {  	s7 =	sadd.s32 s5, s30;
	[sflag:s17] =	ssyncset.done $0x0;
	s31 =	sand.u32 $0x3FF80, s31  }
0x39: {  	s13 =	sadd.s32 $0xFFFFFFF0, s12;
	[sflag:s17] =	ssyncadd.s32 $0xFFFFC000;
	s0 =	sadd.s32 s31, s7  }
0x3a: {  	[tilespmem:s3], [sflag:$0x1] =	stream.linear.gather [hbm4b:s0+s3], $0x80, $0x38;
	[tilespmem:$0x1C200] =	vst v63  }
0x3b: {  	s30 =	sadd.s32 s6, s30;
	s0 =	sand.u32 $0x1FF80, s13  }
0x3c: {  	s0 =	sadd.s32 s0, s30  }
0x3d: {  	[tilespmem:s18], [sflag:$0x1] =	stream.linear.gather [hbm4b:s0+s3], $0x80, $0x38;
	[tilespmem:$0x1C200] =	vst v63  }
0x3e: {  	_ =	swait.ge [sflag:s19], $0x80  }
0x3f: {  	[sflag:s19] =	ssyncset.done $0x0  }
0x40: {  	[sflag:s19] =	ssyncadd.s32 $0xFFFFFF80  }
0x41: {  	_ =	swait.ge [sflag:s19], $0x80  }
0x42: {  	[sflag:s19] =	ssyncset.done $0x0  }
0x43: {  	[sflag:s19] =	ssyncadd.s32 $0xFFFFFF80  }
0x44: {  	[tilespmem:s21], [sflag:$0x3] =	stream.indirect.gather [hbm4b:s4+s20], $0x80, s3, s20, $0xb8;
	[tilespmem:$0x1C200] =	vst v63  }
0x45: {  	_ =	swait.ge [sflag:s26], $0x4000  }
0x46: {  	[sflag:s26] =	ssyncset.done $0x0  }
0x47: {  	s14 =	simm.s32 $0x30;
	[sflag:s26] =	ssyncadd.s32 $0xFFFFC000  }
0x48: {  	[spmem:s2] =	stream.indirect.scatter.add.f32 [tilespmem:s24], [sflag:$0x5], $0x80, s22, s20, $0xb8;
	[tilespmem:$0x1C200] =	vst v63  }
0x49: {  	s0 =	sand.u32 $0x70, s14;
	_ =	swait.ge [sflag:s17], $0x4000  }
0x4a: {  	s29 =	sand.u32 $0x3FF80, s29;
	s30 =	sadd.s32 s5, s0;
	[sflag:s17] =	ssyncset.done $0x0  }
0x4b: {  	s29 =	sadd.s32 s29, s30;
	[sflag:s17] =	ssyncadd.s32 $0xFFFFC000  }
0x4c: {  	[tilespmem:s20], [sflag:$0x2] =	stream.linear.gather [hbm4b:s29+s3], $0x80, $0x38;
	[tilespmem:$0x1C200] =	vst v63  }
0x4d: {  	s0 =	sadd.s32 s6, s0;
	s29 =	sand.u32 $0x1FF80, s12  }
0x4e: {  	s0 =	sadd.s32 s29, s0  }
0x4f: {  	[tilespmem:s22], [sflag:$0x2] =	stream.linear.gather [hbm4b:s0+s3], $0x80, $0x38;
	[tilespmem:$0x1C200] =	vst v63  }
0x50: {  	_ =	swait.ge [sflag:s23], $0x80  }
0x51: {  	[sflag:s23] =	ssyncset.done $0x0  }
0x52: {  	[sflag:s23] =	ssyncadd.s32 $0xFFFFFF80  }
0x53: {  	_ =	swait.ge [sflag:s23], $0x80  }
0x54: {  	[sflag:s23] =	ssyncset.done $0x0  }
0x55: {  	[sflag:s23] =	ssyncadd.s32 $0xFFFFFF80  }
0x56: {  	[tilespmem:s24], [sflag:$0x4] =	stream.indirect.gather [hbm4b:s4+s20], $0x80, s20, s20, $0xb8;
	[tilespmem:$0x1C200] =	vst v63  }
0x57: {  	_ =	swait.ge [sflag:s25], $0x4000  }
0x58: {  	[sflag:s25] =	ssyncset.done $0x0  }
0x59: {  	[sflag:s25] =	ssyncadd.s32 $0xFFFFC000  }
0x5a: {  	[spmem:s2] =	stream.indirect.scatter.add.f32 [tilespmem:s21], [sflag:$0x5], $0x80, s18, s20, $0xb8;
	[tilespmem:$0x1C200] =	vst v63  }
0x5b: {  	s30 =	simm.s32 $0x70;
	s29 =	simm.s32 $0x50;
	_ =	swait.ge [sflag:s17], $0x4000  }
.LBB2_2:
0x5c: {  	s0 =	rddreg [dreg:$0x4];
	[sflag:s17] =	ssyncset.done $0x0  }
0x5d: {  	s1 =	sadd.s32 $0xFFFFFFF0, s29;
	s13 =	sadd.s32 s29, s8;
	s0 =	sadd.s32 s29, s0  }
0x5e: {  	[sflag:s17] =	ssyncadd.s32 $0xFFFFC000;
	s1 =	sand.u32 $0x60, s1;
	s7 =	sadd.s32 $0xFFFFFFF0, s0  }
0x5f: {  	s14 =	sadd.s32 $0xFFFFFFF0, s13;
	s12 =	sadd.s32 s5, s1;
	s7 =	sand.u32 $0x3FF80, s7  }
0x60: {  	s14 =	sand.u32 $0x1FF80, s14;
	s1 =	sadd.s32 s6, s1;
	s7 =	sadd.s32 s7, s12  }
0x61: {  	[tilespmem:s3], [sflag:$0x1] =	stream.linear.gather [hbm4b:s7+s3], $0x80, $0x38;
	[tilespmem:$0x1C200] =	vst v63  }
0x62: {  	s1 =	sadd.s32 s14, s1  }
0x63: {  	[tilespmem:s18], [sflag:$0x1] =	stream.linear.gather [hbm4b:s1+s3], $0x80, $0x38;
	[tilespmem:$0x1C200] =	vst v63  }
0x64: {  	_ =	swait.ge [sflag:s19], $0x80  }
0x65: {  	[sflag:s19] =	ssyncset.done $0x0  }
0x66: {  	[sflag:s19] =	ssyncadd.s32 $0xFFFFFF80  }
0x67: {  	_ =	swait.ge [sflag:s19], $0x80  }
0x68: {  	[sflag:s19] =	ssyncset.done $0x0  }
0x69: {  	[sflag:s19] =	ssyncadd.s32 $0xFFFFFF80  }
0x6a: {  	[tilespmem:s21], [sflag:$0x3] =	stream.indirect.gather [hbm4b:s4+s20], $0x80, s3, s20, $0xb8;
	[tilespmem:$0x1C200] =	vst v63  }
0x6b: {  	_ =	swait.ge [sflag:s26], $0x4000  }
0x6c: {  	[sflag:s26] =	ssyncset.done $0x0  }
0x6d: {  	s31 =	smov.u32 s30;
	s13 =	sand.u32 $0x1FF80, s13;
	[sflag:s26] =	ssyncadd.s32 $0xFFFFC000  }
0x6e: {  	[spmem:s2] =	stream.indirect.scatter.add.f32 [tilespmem:s24], [sflag:$0x5], $0x80, s22, s20, $0xb8;
	[tilespmem:$0x1C200] =	vst v63  }
0x6f: {  	s0 =	sand.u32 $0x3FF80, s0;
	s14 =	sand.u32 $0x70, s29;
	_ =	swait.ge [sflag:s17], $0x4000  }
0x70: {  	s29 =	smov.u32 s31;
	s31 =	sadd.s32 s5, s14;
	[sflag:s17] =	ssyncset.done $0x0  }
0x71: {  	s0 =	sadd.s32 s0, s31;
	s1 =	sadd.s32 s6, s14;
	[sflag:s17] =	ssyncadd.s32 $0xFFFFC000  }
0x72: {  	[tilespmem:s20], [sflag:$0x2] =	stream.linear.gather [hbm4b:s0+s3], $0x80, $0x38;
	[tilespmem:$0x1C200] =	vst v63  }
0x73: {  	s1 =	sadd.s32 s13, s1  }
0x74: {  	[tilespmem:s22], [sflag:$0x2] =	stream.linear.gather [hbm4b:s1+s3], $0x80, $0x38;
	[tilespmem:$0x1C200] =	vst v63  }
0x75: {  	_ =	swait.ge [sflag:s23], $0x80  }
0x76: {  	[sflag:s23] =	ssyncset.done $0x0  }
0x77: {  	[sflag:s23] =	ssyncadd.s32 $0xFFFFFF80  }
0x78: {  	_ =	swait.ge [sflag:s23], $0x80  }
0x79: {  	[sflag:s23] =	ssyncset.done $0x0  }
0x7a: {  	p0 =	sne.s32 s30, $0x9F0;
	[sflag:s23] =	ssyncadd.s32 $0xFFFFFF80  }
0x7b: {  	[tilespmem:s24], [sflag:$0x4] =	stream.indirect.gather [hbm4b:s4+s20], $0x80, s20, s20, $0xb8;
	[tilespmem:$0x1C200] =	vst v63  }
.Ltmp0:
0x7c: {  	_ =	swait.ge [sflag:s25], $0x4000;
	(pc) =	sbr.rel @p0 .LBB2_2-.Ltmp0, $4  }
0x7d: {  	[sflag:s25] =	ssyncset.done $0x0  }
0x7e: {  	[sflag:s25] =	ssyncadd.s32 $0xFFFFC000  }
0x7f: {  	[spmem:s2] =	stream.indirect.scatter.add.f32 [tilespmem:s21], [sflag:$0x5], $0x80, s18, s20, $0xb8;
	[tilespmem:$0x1C200] =	vst v63  }
0x80: {  	s30 =	sadd.s32 $0x20, s30;
	_ =	swait.ge [sflag:s17], $0x4000  }
0x81: {  	s0 =	rddreg [dreg:$0x4]  }
0x82: {  	s1 =	sadd.s32 $0xFFFFFFF0, s29;
	s0 =	sadd.s32 s29, s0  }
0x83: {  	[sflag:s17] =	ssyncset.done $0x0;
	s1 =	sand.u32 $0x60, s1;
	s7 =	sadd.s32 $0xFFFFFFF0, s0  }
0x84: {  	s31 =	sadd.s32 s29, s8;
	s12 =	sadd.s32 s5, s1;
	s7 =	sand.u32 $0x3FF80, s7  }
0x85: {  	[sflag:s17] =	ssyncadd.s32 $0xFFFFC000;
	s13 =	sadd.s32 $0xFFFFFFF0, s31;
	s7 =	sadd.s32 s7, s12  }
0x86: {  	[tilespmem:s3], [sflag:$0x1] =	stream.linear.gather [hbm4b:s7+s3], $0x80, $0x38;
	[tilespmem:$0x1C200] =	vst v63  }
0x87: {  	s1 =	sadd.s32 s6, s1;
	s7 =	sand.u32 $0x1FF80, s13  }
0x88: {  	s1 =	sadd.s32 s7, s1  }
0x89: {  	[tilespmem:s18], [sflag:$0x1] =	stream.linear.gather [hbm4b:s1+s3], $0x80, $0x38;
	[tilespmem:$0x1C200] =	vst v63  }
0x8a: {  	_ =	swait.ge [sflag:s19], $0x80  }
0x8b: {  	[sflag:s19] =	ssyncset.done $0x0  }
0x8c: {  	[sflag:s19] =	ssyncadd.s32 $0xFFFFFF80  }
0x8d: {  	_ =	swait.ge [sflag:s19], $0x80  }
0x8e: {  	[sflag:s19] =	ssyncset.done $0x0  }
0x8f: {  	[sflag:s19] =	ssyncadd.s32 $0xFFFFFF80  }
0x90: {  	[tilespmem:s21], [sflag:$0x3] =	stream.indirect.gather [hbm4b:s4+s20], $0x80, s3, s20, $0xb8;
	[tilespmem:$0x1C200] =	vst v63  }
0x91: {  	_ =	swait.ge [sflag:s26], $0x4000  }
0x92: {  	[sflag:s26] =	ssyncset.done $0x0  }
0x93: {  	s14 =	sand.u32 $0x70, s29;
	[sflag:s26] =	ssyncadd.s32 $0xFFFFC000  }
0x94: {  	[spmem:s2] =	stream.indirect.scatter.add.f32 [tilespmem:s24], [sflag:$0x5], $0x80, s22, s20, $0xb8;
	[tilespmem:$0x1C200] =	vst v63  }
0x95: {  	s29 =	sadd.s32 s5, s14;
	_ =	swait.ge [sflag:s17], $0x4000  }
0x96: {  	s30 =	sand.u32 $0x1FF80, s31;
	s0 =	sand.u32 $0x3FF80, s0;
	[sflag:s17] =	ssyncset.done $0x0  }
0x97: {  	s0 =	sadd.s32 s0, s29;
	s1 =	sadd.s32 s6, s14;
	[sflag:s17] =	ssyncadd.s32 $0xFFFFC000  }
0x98: {  	[tilespmem:s20], [sflag:$0x2] =	stream.linear.gather [hbm4b:s0+s3], $0x80, $0x38;
	[tilespmem:$0x1C200] =	vst v63  }
0x99: {  	s0 =	sadd.s32 s30, s1  }
0x9a: {  	[tilespmem:s22], [sflag:$0x2] =	stream.linear.gather [hbm4b:s0+s3], $0x80, $0x38;
	[tilespmem:$0x1C200] =	vst v63  }
0x9b: {  	_ =	swait.ge [sflag:s23], $0x80  }
0x9c: {  	[sflag:s23] =	ssyncset.done $0x0  }
0x9d: {  	[sflag:s23] =	ssyncadd.s32 $0xFFFFFF80  }
0x9e: {  	_ =	swait.ge [sflag:s23], $0x80  }
0x9f: {  	[sflag:s23] =	ssyncset.done $0x0  }
0xa0: {  	[sflag:s23] =	ssyncadd.s32 $0xFFFFFF80  }
0xa1: {  	[tilespmem:s24], [sflag:$0x4] =	stream.indirect.gather [hbm4b:s4+s20], $0x80, s20, s20, $0xb8;
	[tilespmem:$0x1C200] =	vst v63  }
0xa2: {  	_ =	swait.ge [sflag:s25], $0x4000  }
0xa3: {  	[sflag:s25] =	ssyncset.done $0x0  }
0xa4: {  	[sflag:s25] =	ssyncadd.s32 $0xFFFFC000  }
0xa5: {  	[spmem:s2] =	stream.indirect.scatter.add.f32 [tilespmem:s21], [sflag:$0x5], $0x80, s18, s20, $0xb8;
	[tilespmem:$0x1C200] =	vst v63  }
0xa6: {  	_ =	swait.ge [sflag:s17], $0x4000  }
0xa7: {  	[sflag:s17] =	ssyncset.done $0x0  }
0xa8: {  	[sflag:s17] =	ssyncadd.s32 $0xFFFFC000  }
0xa9: {  	_ =	swait.ge [sflag:s26], $0x4000  }
0xaa: {  	[sflag:s26] =	ssyncset.done $0x0  }
0xab: {  	[sflag:s26] =	ssyncadd.s32 $0xFFFFC000  }
0xac: {  	[spmem:s2] =	stream.indirect.scatter.add.f32 [tilespmem:s24], [sflag:$0x5], $0x80, s22, s20, $0xb8;
	[tilespmem:$0x1C200] =	vst v63  }
0xad: {  	_ =	swait.ge [sflag:s17], $0x4000  }
0xae: {  	[sflag:s17] =	ssyncset.done $0x0  }
0xaf: {  	s28 =	sadd.s32 $0x1, s28;
	[sflag:s17] =	ssyncadd.s32 $0xFFFFC000  }
0xb0: {  	p0 =	sne.s32 s28, s15;
	[bflag:$0x0] =	sbarrier.arrive $0xFFFF  }
.Ltmp1:
0xb1: {  	s31 =	rddreg [dreg:$0x8];
	(pc) =	sbr.rel @p0 .LBB2_1-.Ltmp1, $4  }
0xb2: {  	[hbm:s31], [sflag:s9] =	dma.local [spmem:s16], $0x2800  }
0xb3: {  	_ =	swait.ge [sflag:s17], $0x2800  }
0xb4: {  	[sflag:s17] =	ssyncset.done $0x0  }
0xb5: {  	[sflag:s17] =	ssyncadd.s32 $0xFFFFD800  }
0xb6: {  	_ =	sfence.sel $0x180000  }
0xb7: {  	[bflag:$0x0] =	sbarrier.arrive $0xFFFF  }
0xb8: {  	_ =	strace $0x9000004D  }
0xb9: {  	s0 =	stileid.u32;
	[bflag:$0x2] =	sbarrier.arrive $0xFFFF  }
0xba: {  	p0 =	sne.s32 s0, $0x0;
	s0 =	rddreg [dreg:$0x3]  }
0xbb: {  	s0 =	sadd.s32 @!p0 $0x100000, s0  }
0xbc: {  	[sflag:s0] =	ssyncadd.tile.s32 @!p0 $0x1;
	_ =	shalt  }
.Lfunc_end2:
_tile_overlayer_lowered:
.L_overlay_start_2:
0xbd: {  	(tag) =	ssettag $0x2  }
0xbe: {  	s0 =	rddreg [dreg:$0x0];
	s2 =	stileid.u32  }
0xbf: {  	s1 =	rddreg [dreg:$0x1];
	p0 =	sne.s32 s2, $0x0  }
0xc0: {  	s3 =	rddreg [dreg:$0x2];
	[bflag:$0x3] =	sbarrier.arrive $0xFFFF;
	s2 =	simm.s32 @!p0 $0x1C05  }
0xc1: {  	[timem:s3], [sflag:s2] =	dma.local @!p0 [hbm:s0], s1  }
0xc2: {  	s0 =	simm.s32 @!p0 $0x5  }
0xc3: {  	_ =	swait.ge @!p0 [sflag:s0], s1  }
0xc4: {  	s1 =	ssub.s32 @!p0 $0x0, s1;
	[sflag:s0] =	ssyncset.done @!p0 $0x0  }
0xc5: {  	[sflag:s0] =	ssyncadd.s32 @!p0 s1  }
0xc6: {  	[bflag:$0x3] =	sbarrier.arrive $0xFFFF  }
0xc7: {  	_ =	shalt  }

// kernel: kernel.19.cloned.1.call-start
scs
__scs_entry_jumppad:
0x0: {  	(pc) =	sbr.rel $0x88, $3  }
0x1: {  	(tag) =	ssettag $0x0;
	lr =	simm.s32 $0x1  }
0x2: {  	[smem:$0x3F96] =	sst lr;
	_ =	strace $0xD0000000  }
0x3: {  	_ = 	snop  }
0x4: {  	_ = 	snop  }
0x5: {  	_ = 	snop  }
0x6: {  	_ = 	snop  }
0x7: {  	_ = 	snop  }
__scs_overlays_trampoline_lowered:
0x8: {  	[smem:$0x3FA5] =	sst s0  }
0x9: {  	[smem:$0x3FA6] =	sst s1  }
0xa: {  	[smem:$0x3FA7] =	sst s2  }
0xb: {  	[smem:$0x3FA8] =	sst s3  }
0xc: {  	[smem:$0x3FA9] =	sst s4  }
0xd: {  	[smem:$0x3FAA] =	sst s5  }
0xe: {  	[smem:$0x3FAB] =	sst s6  }
0xf: {  	[smem:$0x3FAC] =	sst s7  }
0x10: {  	[smem:$0x3FAD] =	sst s8  }
0x11: {  	[smem:$0x3FAE] =	sst s9;
	s0 =	simm.s32 @!p0 $0x0  }
0x12: {  	s1 =	sld [smem:$0x3F94];
	s0 =	simm.s32 @p0 $0x1  }
0x13: {  	[smem:$0x3FAF] =	sst s0;
	s0 =	simm.s32 @!p1 $0x0  }
0x14: {  	s2 =	sld [smem:$0x3F93];
	s0 =	simm.s32 @p1 $0x1  }
0x15: {  	[smem:$0x3FB0] =	sst s0;
	s0 =	simm.s32 @!p2 $0x0  }
0x16: {  	s3 =	sld [smem:$0x3FDB];
	s0 =	simm.s32 @p2 $0x1  }
0x17: {  	s4 =	simm.s32 $0x1BF5;
	[smem:$0x3FB2] =	sst s0  }
0x18: {  	s0 =	sld [smem:$0x3F95];
	_ =	swait.ge [sflag:s4], $0x0  }
0x19: {  	s7 =	sld [smem:$0x3F96]  }
0x1a: {  	s8 =	sadd.s32 $0xFFFFE003, lr  }
0x1b: {  	s9 =	sadd.s32 $0xFFFFFEF7, lr;
	s5 =	simm.s32 $0xFFFFFFFF;
	p2 =	slt.u32 s8, $0xFFFFF086  }
0x1c: {  	p1 =	slt.u32 s9, $0xF7A;
	s5 =	simm.s32 @!p2 $0x0  }
0x1d: {  	s5 =	simm.s32 @p1 $0x1;
	p0 =	seq.s32 s7, s2  }
0x1e: {  	s7 =	smul.u32 @!p0 $0xF7A, s2;
	p2 =	seq.s32 @!p0 s5, $0x0  }
0x1f: {  	s9 =	smul.u32 $0xF7A, s1;
	s8 =	simm.s32 @!p0 $0x1BF5;
	p2 =	por !p2, p0  }
0x20: {  	[sflag:s8] =	ssyncset.s32 @!p0 $0xFFFFF086;
	s6 =	sadd.s32 @!p0 s3, s7;
	s7 =	simm.s32 @!p0 $0x108  }
0x21: {  	s3 =	sadd.s32 s3, s9;
	s6 =	sadd.s32 @!p0 $0x88, s6;
	s7 =	simm.s32 @p2 $0x1082  }
0x22: {  	[simem:s7], [sflag:s8] =	dma.local @!p0 [hbm:s6], $0xF7A  }
0x23: {  	s9 =	sor.u32 $0xD0000000, s2;
	s6 =	simm.s32 $0x108;
	_ =	swait.ge @!p0 [sflag:s8], $0x0  }
0x24: {  	s3 =	sadd.s32 $0x88, s3;
	s6 =	simm.s32 @!p1 $0x1082;
	[sflag:s4] =	ssyncset.s32 $0xFFFFF086  }
0x25: {  	[simem:s6], [sflag:s4] =	dma.local [hbm:s3], $0xF7A  }
0x26: {  	[smem:$0x3F96] =	sst s1;
	(tag) =	ssettag s2;
	_ =	strace s9  }
0x27: {  	s1 =	sld [smem:$0x3FA6]  }
0x28: {  	s2 =	sld [smem:$0x3FA7]  }
0x29: {  	s4 =	sld [smem:$0x3FA9]  }
0x2a: {  	p0 =	seq.s32 s5, $0x0;
	s5 =	sld [smem:$0x3FAA]  }
0x2b: {  	s6 =	sld [smem:$0x3FAB]  }
0x2c: {  	s7 =	sld [smem:$0x3FAC]  }
0x2d: {  	s3 =	simm.s32 $0x108;
	s8 =	sld [smem:$0x3FAD]  }
0x2e: {  	s3 =	simm.s32 @!p0 $0x1082;
	s9 =	sld [smem:$0x3FAE]  }
0x2f: {  	lr =	sadd.s32 s0, s3;
	s0 =	sld [smem:$0x3FA5]  }
0x30: {  	s3 =	sld [smem:$0x3FA8]  }
0x31: {  	[smem:$0x3FB1] =	sst s10  }
0x32: {  	s10 =	sld [smem:$0x3FAF];
	_ =	sdelay $0x3  }
0x33: {  	p0 =	seq.s32 s10, $0x1;
	s10 =	sld [smem:$0x3FB1];
	_ =	sdelay $0x3  }
0x34: {  	[smem:$0x3FB1] =	sst s10  }
0x35: {  	s10 =	sld [smem:$0x3FB0];
	_ =	sdelay $0x3  }
0x36: {  	p1 =	seq.s32 s10, $0x1;
	s10 =	sld [smem:$0x3FB1];
	_ =	sdelay $0x3  }
0x37: {  	[smem:$0x3FB1] =	sst s10  }
0x38: {  	s10 =	sld [smem:$0x3FB2]  }
0x39: {  	_ = 	snop;
	(pc) =	sbr.ind lr, $3  }
0x3a: {  	_ = 	snop  }
0x3b: {  	_ = 	snop  }
0x3c: {  	p2 =	seq.s32 s10, $0x1;
	s10 =	sld [smem:$0x3FB1]  }
0x3d: {  	_ =	shalt  }
0x3e: {  	_ =	shalt  }
0x3f: {  	_ =	shalt  }
0x40: {  	_ =	shalt  }
0x41: {  	_ =	shalt  }
0x42: {  	_ =	shalt  }
0x43: {  	_ =	shalt  }
0x44: {  	_ =	shalt  }
0x45: {  	_ =	shalt  }
0x46: {  	_ =	shalt  }
0x47: {  	_ =	shalt  }
0x48: {  	_ =	shalt  }
0x49: {  	_ =	shalt  }
0x4a: {  	_ =	shalt  }
0x4b: {  	_ =	shalt  }
0x4c: {  	_ =	shalt  }
0x4d: {  	_ =	shalt  }
0x4e: {  	_ =	shalt  }
0x4f: {  	_ =	shalt  }
0x50: {  	_ =	shalt  }
0x51: {  	_ =	shalt  }
0x52: {  	_ =	shalt  }
0x53: {  	_ =	shalt  }
0x54: {  	_ =	shalt  }
0x55: {  	_ =	shalt  }
0x56: {  	_ =	shalt  }
0x57: {  	_ =	shalt  }
0x58: {  	_ =	shalt  }
0x59: {  	_ =	shalt  }
0x5a: {  	_ =	shalt  }
0x5b: {  	_ =	shalt  }
0x5c: {  	_ =	shalt  }
0x5d: {  	_ =	shalt  }
0x5e: {  	_ =	shalt  }
0x5f: {  	_ =	shalt  }
0x60: {  	_ =	shalt  }
0x61: {  	_ =	shalt  }
0x62: {  	_ =	shalt  }
0x63: {  	_ =	shalt  }
0x64: {  	_ =	shalt  }
0x65: {  	_ =	shalt  }
0x66: {  	_ =	shalt  }
0x67: {  	_ =	shalt  }
0x68: {  	_ =	shalt  }
0x69: {  	_ =	shalt  }
0x6a: {  	_ =	shalt  }
0x6b: {  	_ =	shalt  }
0x6c: {  	_ =	shalt  }
0x6d: {  	_ =	shalt  }
0x6e: {  	_ =	shalt  }
0x6f: {  	_ =	shalt  }
0x70: {  	_ =	shalt  }
0x71: {  	_ =	shalt  }
0x72: {  	_ =	shalt  }
0x73: {  	_ =	shalt  }
0x74: {  	_ =	shalt  }
0x75: {  	_ =	shalt  }
0x76: {  	_ =	shalt  }
0x77: {  	_ =	shalt  }
0x78: {  	_ =	shalt  }
0x79: {  	_ =	shalt  }
0x7a: {  	_ =	shalt  }
0x7b: {  	_ =	shalt  }
0x7c: {  	_ =	shalt  }
0x7d: {  	_ =	shalt  }
0x7e: {  	_ =	shalt  }
0x7f: {  	_ =	shalt  }
0x80: {  	_ =	shalt  }
0x81: {  	_ =	shalt  }
0x82: {  	_ =	shalt  }
0x83: {  	_ =	shalt  }
0x84: {  	_ =	shalt  }
0x85: {  	_ =	shalt  }
0x86: {  	_ =	shalt  }
0x87: {  	_ =	shalt  }
.Lfunc_end0:
.L_simem_size_0:
called_computation.3_lowered:
.L_overlay_start_0:
0x88: {  	s2 =	sld [smem:$0x3FD9]  }
0x89: {  	s3 =	sld [smem:$0x3FFE];
	_ =	sdelay $0x1  }
0x8a: {  	s1 =	srdreg.scid  }
0x8b: {  	s0 =	sand.u32 $0x1, s1  }
0x8c: {  	s14 =	sshll.u32 s0, $0xA;
	s2 =	sadd.s32 s3, s2  }
0x8d: {  	s2 =	sadd.s32 s2, s14  }
0x8e: {  	[smem:$0x3FBD] =	sst s2  }
0x8f: {  	_ = 	snop  }
0x90: {  	s2 =	sld [smem:$0x3FD0];
	_ =	sdelay $0x2  }
0x91: {  	s15 =	simm.s32 $0xA;
	s4 =	simm.s32 $0x10  }
0x92: {  	[smem:s4], [sflag:s15] =	dma.local [hbm:s2], $0x1  }
0x93: {  	_ =	swait.eq [sflag:s15], $0x1  }
0x94: {  	[sflag:s15] =	ssyncset.done $0x0  }
0x95: {  	[sflag:s15] =	ssyncadd.s32 $0xFFFFFFFF  }
0x96: {  	s16 =	sld [smem:$0x11];
	(tm) =	ssettm $0x1  }
0x97: {  	s17 =	sld [smem:$0x3FFB];
	_ =	sdelay $0x3  }
0x98: {  	_ =	strace s17  }
0x99: {  	s3 =	sld [smem:$0x3FFC];
	_ =	sdelay $0x3  }
0x9a: {  	_ =	strace s3  }
0x9b: {  	s3 =	sld [smem:$0x3FFD];
	_ =	sdelay $0x3  }
0x9c: {  	_ =	strace s3  }
0x9d: {  	_ =	strace $0x8FFFFFFF  }
0x9e: {  	s18 =	sld [smem:$0x3FDB];
	_ =	sdelay $0x1  }
0x9f: {  	s19 =	simm.s32 $_scs_section_size  }
0xa0: {  	s5 =	simm.s32 $_size__tile_overlayer_lowered;
	s6 =	simm.s32 $_tile_overlayer_lowered  }
0xa1: {  	s22 =	simm.s32 $0x1BFF;
	s21 =	sshll.u32 s6, $0x1;
	s3 =	sadd.s32 s19, s18  }
0xa2: {  	s7 =	simm.s32 $0x0;
	s20 =	sshll.u32 s5, $0x1;
	s5 =	sadd.s32 s21, s3  }
0xa3: {  	[timem:s7], [sflag:s22] =	dma.local [hbm:s5], s20  }
0xa4: {  	_ =	swait.ge [sflag:s22], s20  }
0xa5: {  	s4 =	ssub.s32 $0x0, s20;
	[sflag:s22] =	ssyncset.done $0x0  }
0xa6: {  	[sflag:s22] =	ssyncadd.s32 s4;
	_ =	sdelay $0x1  }
0xa7: {  	s23 =	simm.s32 $0x1B8B  }
0xa8: {  	_ =	swait.ge [sflag:s23], $0x1  }
0xa9: {  	[sflag:s23] =	ssyncset.done $0x0  }
0xaa: {  	s25 =	simm.s32 $0x1B8E;
	s24 =	sld [smem:$0x3FFE];
	[sflag:s23] =	ssyncadd.s32 $0xFFFFFFFF  }
0xab: {  	s26 =	simm.s32 $execute0_lowered;
	[smem:$0x3FD2] =	sst s25  }
0xac: {  	s5 =	sshll.u32 s26, $0x1;
	_ =	strace $0x8000004F;
	[dreg:$0x1] =	wrdreg $0xFFFFFFFF  }
0xad: {  	s28 =	simm.s32 $_size_execute0_lowered;
	s3 =	sadd.s32 s3, s5;
	[dreg:$0x0] =	wrdreg $0x0  }
0xae: {  	s5 =	sshll.u32 s28, $0x1;
	[dreg:$0x2] =	wrdreg s3  }
0xaf: {  	[dreg:$0x3] =	wrdreg s5  }
0xb0: {  	[dreg:$0x4] =	wrdreg $0xC0  }
0xb1: {  	_ =	task [dreg:s7], $0x5FFFF  }
0xb2: {  	[dreg:$0x1] =	wrdreg $0xFFFFFFFF  }
0xb3: {  	[dreg:$0x0] =	wrdreg $0x60  }
0xb4: {  	[dreg:$0x2] =	wrdreg s24  }
0xb5: {  	[dreg:$0x3] =	wrdreg s16  }
0xb6: {  	[dreg:$0x4] =	wrdreg $0x82000  }
0xb7: {  	[dreg:$0x5] =	wrdreg $0x9  }
0xb8: {  	_ =	task.clear_ibuf [dreg:s7], $0x6FFFF;
	_ =	strace $0x9000004F  }
0xb9: {  	s29 =	simm.s32 $0x9;
	_ =	strace $0x80000051  }
0xba: {  	_ =	swait.ge [sflag:s29], $0x1  }
0xbb: {  	[sflag:s29] =	ssyncadd.s32 $0xFFFFFFFF  }
0xbc: {  	_ =	strace $0x90000051  }
0xbd: {  	_ =	sfence  }
0xbe: {  	s30 =	sld [smem:$0x0];
	_ =	sdelay $0x2  }
0xbf: {  	s31 =	sshll.u32 s1, $0xD;
	s1 =	sshrl.u32 s1, $0x2  }
0xc0: {  	s3 =	sand.u32 $0x4000, s31;
	s1 =	sadd.s32 s1, s30  }
0xc1: {  	s0 =	sor.u32 s3, s0;
	s1 =	sshll.u32 s1, $0x11  }
0xc2: {  	s0 =	sor.u32 s1, s0  }
0xc3: {  	s0 =	sadd.s32 $0x8F2B, s0  }
0xc4: {  	[sflag:s0] =	ssyncadd.remote.s32 $0x1  }
0xc5: {  	_ =	sfence.sel $0xFFFF  }
0xc6: {  	[dreg:$0x0] =	wrdreg $0xFFFFFFFF;
	(pc) =	sbr.abs _section_cstart, $3  }
0xc7: {  	[dreg:$0x1] =	wrdreg $0xFFFFFFFF  }
0xc8: {  	_ =	task.clear_ibuf [dreg:s7], $0x2FFFF;
	_ =	strace $0x9FFFFFFF  }
0xc9: {  	(tm) =	ssettm $0x7FFFFFFF  }
tec
execute0_lowered:
.L_overlay_start_1:
0x0: {  	(tag) =	ssettag $0x1  }
0x1: {  	s7 =	rddreg [dreg:$0x0]  }
0x2: {  	s8 =	rddreg [dreg:$0x1]  }
0x3: {  	s2 =	rddreg [dreg:$0x2];
	s4 =	srdreg.scid  }
0x4: {  	s0 =	stileid.u32;
	s3 =	simm.s32 $0x0;
	s20 =	simm.s32 $0x80  }
0x5: {  	s21 =	simm.s32 $0x200;
	s22 =	simm.s32 $0x180;
	s10 =	smul.u32 $0x2800, s0  }
0x6: {  	s28 =	simm.s32 $0x0;
	s9 =	sand.u32 $0x1, s4;
	s12 =	smul.u32 $0xA0, s0  }
0x7: {  	[smem:$0x7FF] =	sst s3;
	s4 =	sadd.s32 $0xCE00, s7;
	s15 =	smul.u32 $0x50000, s0  }
0x8: {  	s5 =	sadd.s32 $0x5D600, s7;
	s25 =	sshll.u32 s0, $0x6;
	s6 =	smul.u32 $0x28000, s9  }
0x9: {  	_ =	strace $0x80000050;
	s11 =	smul.u32 $0xA00, s9;
	s14 =	ssub.s32 $0x2, s9  }
0xa: {  	s26 =	smul.u32 $0xA000, s9;
	s9 =	sor.u32 $0x1C05, s25;
	s25 =	simm.s32 $0x3  }
0xb: {  	s23 =	sshrl.u32 s14, $0x1;
	s24 =	sshrl.u32 s15, $0x2;
	s1 =	sadd.s32 s8, s10  }
0xc: {  	s8 =	smul.u32 $0xA00, s0;
	s13 =	sadd.s32 s10, s6;
	s6 =	sadd.s32 $0x2E00, s7  }
0xd: {  	s17 =	ssub.s32 s14, s23;
	s11 =	sadd.s32 s12, s11;
	s18 =	sadd.s32 s24, s2  }
0xe: {  	[dreg:$0x5] =	wrdreg s1;
	s23 =	simm.s32 $0x2;
	s24 =	simm.s32 $0x4200  }
0xf: {  	s16 =	sadd.s32 s13, s7;
	s11 =	sshll.u32 s11, $0x4;
	s19 =	sadd.s32 s8, s26  }
0x10: {  	s15 =	smax.u32 s17, $0x1;
	s17 =	simm.s32 $0x5;
	s26 =	simm.s32 $0x4  }
0x11: {  	s10 =	sadd.s32 s5, s11;
	s31 =	sadd.s32 $0x71600, s16;
	[dreg:$0x4] =	wrdreg s19  }
0x12: {  	s11 =	sadd.s32 s6, s8;
	s29 =	sadd.s32 $0x10, s10;
	[dreg:$0x8] =	wrdreg s31  }
0x13: {  	s16 =	sshrl.u32 s18, $0x3;
	s30 =	sadd.s32 $0x10, s11;
	[dreg:$0x6] =	wrdreg s29  }
0x14: {  	s18 =	simm.s32 $0x100;
	s19 =	simm.s32 $0x1;
	[dreg:$0x7] =	wrdreg s30  }
.LBB2_1:
0x15: {  	s0 =	rddreg [dreg:$0x5]  }
0x16: {  	[spmem:s16], [sflag:s9] =	dma.local [hbm:s0], $0x2800  }
0x17: {  	_ =	swait.ge [sflag:s17], $0x2800  }
0x18: {  	[sflag:s17] =	ssyncset.done $0x0  }
0x19: {  	[sflag:s17] =	ssyncadd.s32 $0xFFFFD800  }
0x1a: {  	[bflag:$0x0] =	sbarrier.arrive $0xFFFF  }
0x1b: {  	[tilespmem:s3], [sflag:$0x1] =	stream.linear.gather [hbm4b:s10+s3], $0x80, $0x38;
	[tilespmem:$0x1C200] =	vst v63  }
0x1c: {  	_ = 	snop  }
0x1d: {  	[tilespmem:s18], [sflag:$0x1] =	stream.linear.gather [hbm4b:s11+s3], $0x80, $0x38;
	[tilespmem:$0x1C200] =	vst v63  }
0x1e: {  	_ =	swait.ge [sflag:s19], $0x80  }
0x1f: {  	[sflag:s19] =	ssyncset.done $0x0  }
0x20: {  	[sflag:s19] =	ssyncadd.s32 $0xFFFFFF80  }
0x21: {  	_ =	swait.ge [sflag:s19], $0x80  }
0x22: {  	[sflag:s19] =	ssyncset.done $0x0  }
0x23: {  	[sflag:s19] =	ssyncadd.s32 $0xFFFFFF80  }
0x24: {  	[tilespmem:s21], [sflag:$0x3] =	stream.indirect.gather [hbm4b:s4+s20], $0x80, s3, s20, $0xb8;
	[tilespmem:$0x1C200] =	vst v63  }
0x25: {  	s31 =	rddreg [dreg:$0x6]  }
0x26: {  	[tilespmem:s20], [sflag:$0x2] =	stream.linear.gather [hbm4b:s31+s3], $0x80, $0x38;
	[tilespmem:$0x1C200] =	vst v63  }
0x27: {  	s1 =	rddreg [dreg:$0x7]  }
0x28: {  	[tilespmem:s22], [sflag:$0x2] =	stream.linear.gather [hbm4b:s1+s3], $0x80, $0x38;
	[tilespmem:$0x1C200] =	vst v63  }
0x29: {  	_ =	swait.ge [sflag:s23], $0x80  }
0x2a: {  	[sflag:s23] =	ssyncset.done $0x0  }
0x2b: {  	[sflag:s23] =	ssyncadd.s32 $0xFFFFFF80  }
0x2c: {  	_ =	swait.ge [sflag:s23], $0x80  }
0x2d: {  	[sflag:s23] =	ssyncset.done $0x0  }
0x2e: {  	[sflag:s23] =	ssyncadd.s32 $0xFFFFFF80  }
0x2f: {  	[tilespmem:s24], [sflag:$0x4] =	stream.indirect.gather [hbm4b:s4+s20], $0x80, s20, s20, $0xb8;
	[tilespmem:$0x1C200] =	vst v63  }
0x30: {  	_ =	swait.ge [sflag:s25], $0x4000  }
0x31: {  	[sflag:s25] =	ssyncset.done $0x0  }
0x32: {  	[sflag:s25] =	ssyncadd.s32 $0xFFFFC000  }
0x33: {  	[spmem:s2] =	stream.indirect.scatter.add.f32 [tilespmem:s21], [sflag:$0x5], $0x80, s18, s20, $0xb8;
	[tilespmem:$0x1C200] =	vst v63  }
0x34: {  	_ =	swait.ge [sflag:s17], $0x4000  }
0x35: {  	s29 =	rddreg [dreg:$0x4]  }
0x36: {  	s30 =	simm.s32 $0x20;
	s29 =	sadd.s32 $0x30, s29  }
0x37: {  	s12 =	sadd.s32 $0x30, s8;
	s30 =	sand.u32 $0x60, s30;
	s31 =	sadd.s32 $0xFFFFFFF0, s29  }
0x38: {  	s7 =	sadd.s32 s5, s30;
	[sflag:s17] =	ssyncset.done $0x0;
	s31 =	sand.u32 $0x3FF80, s31  }
0x39: {  	s13 =	sadd.s32 $0xFFFFFFF0, s12;
	[sflag:s17] =	ssyncadd.s32 $0xFFFFC000;
	s0 =	sadd.s32 s31, s7  }
0x3a: {  	[tilespmem:s3], [sflag:$0x1] =	stream.linear.gather [hbm4b:s0+s3], $0x80, $0x38;
	[tilespmem:$0x1C200] =	vst v63  }
0x3b: {  	s30 =	sadd.s32 s6, s30;
	s0 =	sand.u32 $0x1FF80, s13  }
0x3c: {  	s0 =	sadd.s32 s0, s30  }
0x3d: {  	[tilespmem:s18], [sflag:$0x1] =	stream.linear.gather [hbm4b:s0+s3], $0x80, $0x38;
	[tilespmem:$0x1C200] =	vst v63  }
0x3e: {  	_ =	swait.ge [sflag:s19], $0x80  }
0x3f: {  	[sflag:s19] =	ssyncset.done $0x0  }
0x40: {  	[sflag:s19] =	ssyncadd.s32 $0xFFFFFF80  }
0x41: {  	_ =	swait.ge [sflag:s19], $0x80  }
0x42: {  	[sflag:s19] =	ssyncset.done $0x0  }
0x43: {  	[sflag:s19] =	ssyncadd.s32 $0xFFFFFF80  }
0x44: {  	[tilespmem:s21], [sflag:$0x3] =	stream.indirect.gather [hbm4b:s4+s20], $0x80, s3, s20, $0xb8;
	[tilespmem:$0x1C200] =	vst v63  }
0x45: {  	_ =	swait.ge [sflag:s26], $0x4000  }
0x46: {  	[sflag:s26] =	ssyncset.done $0x0  }
0x47: {  	s14 =	simm.s32 $0x30;
	[sflag:s26] =	ssyncadd.s32 $0xFFFFC000  }
0x48: {  	[spmem:s2] =	stream.indirect.scatter.add.f32 [tilespmem:s24], [sflag:$0x5], $0x80, s22, s20, $0xb8;
	[tilespmem:$0x1C200] =	vst v63  }
0x49: {  	s0 =	sand.u32 $0x70, s14;
	_ =	swait.ge [sflag:s17], $0x4000  }
0x4a: {  	s29 =	sand.u32 $0x3FF80, s29;
	s30 =	sadd.s32 s5, s0;
	[sflag:s17] =	ssyncset.done $0x0  }
0x4b: {  	s29 =	sadd.s32 s29, s30;
	[sflag:s17] =	ssyncadd.s32 $0xFFFFC000  }
0x4c: {  	[tilespmem:s20], [sflag:$0x2] =	stream.linear.gather [hbm4b:s29+s3], $0x80, $0x38;
	[tilespmem:$0x1C200] =	vst v63  }
0x4d: {  	s0 =	sadd.s32 s6, s0;
	s29 =	sand.u32 $0x1FF80, s12  }
0x4e: {  	s0 =	sadd.s32 s29, s0  }
0x4f: {  	[tilespmem:s22], [sflag:$0x2] =	stream.linear.gather [hbm4b:s0+s3], $0x80, $0x38;
	[tilespmem:$0x1C200] =	vst v63  }
0x50: {  	_ =	swait.ge [sflag:s23], $0x80  }
0x51: {  	[sflag:s23] =	ssyncset.done $0x0  }
0x52: {  	[sflag:s23] =	ssyncadd.s32 $0xFFFFFF80  }
0x53: {  	_ =	swait.ge [sflag:s23], $0x80  }
0x54: {  	[sflag:s23] =	ssyncset.done $0x0  }
0x55: {  	[sflag:s23] =	ssyncadd.s32 $0xFFFFFF80  }
0x56: {  	[tilespmem:s24], [sflag:$0x4] =	stream.indirect.gather [hbm4b:s4+s20], $0x80, s20, s20, $0xb8;
	[tilespmem:$0x1C200] =	vst v63  }
0x57: {  	_ =	swait.ge [sflag:s25], $0x4000  }
0x58: {  	[sflag:s25] =	ssyncset.done $0x0  }
0x59: {  	[sflag:s25] =	ssyncadd.s32 $0xFFFFC000  }
0x5a: {  	[spmem:s2] =	stream.indirect.scatter.add.f32 [tilespmem:s21], [sflag:$0x5], $0x80, s18, s20, $0xb8;
	[tilespmem:$0x1C200] =	vst v63  }
0x5b: {  	s30 =	simm.s32 $0x70;
	s29 =	simm.s32 $0x50;
	_ =	swait.ge [sflag:s17], $0x4000  }
.LBB2_2:
0x5c: {  	s0 =	rddreg [dreg:$0x4];
	[sflag:s17] =	ssyncset.done $0x0  }
0x5d: {  	s1 =	sadd.s32 $0xFFFFFFF0, s29;
	s13 =	sadd.s32 s29, s8;
	s0 =	sadd.s32 s29, s0  }
0x5e: {  	[sflag:s17] =	ssyncadd.s32 $0xFFFFC000;
	s1 =	sand.u32 $0x60, s1;
	s7 =	sadd.s32 $0xFFFFFFF0, s0  }
0x5f: {  	s14 =	sadd.s32 $0xFFFFFFF0, s13;
	s12 =	sadd.s32 s5, s1;
	s7 =	sand.u32 $0x3FF80, s7  }
0x60: {  	s14 =	sand.u32 $0x1FF80, s14;
	s1 =	sadd.s32 s6, s1;
	s7 =	sadd.s32 s7, s12  }
0x61: {  	[tilespmem:s3], [sflag:$0x1] =	stream.linear.gather [hbm4b:s7+s3], $0x80, $0x38;
	[tilespmem:$0x1C200] =	vst v63  }
0x62: {  	s1 =	sadd.s32 s14, s1  }
0x63: {  	[tilespmem:s18], [sflag:$0x1] =	stream.linear.gather [hbm4b:s1+s3], $0x80, $0x38;
	[tilespmem:$0x1C200] =	vst v63  }
0x64: {  	_ =	swait.ge [sflag:s19], $0x80  }
0x65: {  	[sflag:s19] =	ssyncset.done $0x0  }
0x66: {  	[sflag:s19] =	ssyncadd.s32 $0xFFFFFF80  }
0x67: {  	_ =	swait.ge [sflag:s19], $0x80  }
0x68: {  	[sflag:s19] =	ssyncset.done $0x0  }
0x69: {  	[sflag:s19] =	ssyncadd.s32 $0xFFFFFF80  }
0x6a: {  	[tilespmem:s21], [sflag:$0x3] =	stream.indirect.gather [hbm4b:s4+s20], $0x80, s3, s20, $0xb8;
	[tilespmem:$0x1C200] =	vst v63  }
0x6b: {  	_ =	swait.ge [sflag:s26], $0x4000  }
0x6c: {  	[sflag:s26] =	ssyncset.done $0x0  }
0x6d: {  	s31 =	smov.u32 s30;
	s13 =	sand.u32 $0x1FF80, s13;
	[sflag:s26] =	ssyncadd.s32 $0xFFFFC000  }
0x6e: {  	[spmem:s2] =	stream.indirect.scatter.add.f32 [tilespmem:s24], [sflag:$0x5], $0x80, s22, s20, $0xb8;
	[tilespmem:$0x1C200] =	vst v63  }
0x6f: {  	s0 =	sand.u32 $0x3FF80, s0;
	s14 =	sand.u32 $0x70, s29;
	_ =	swait.ge [sflag:s17], $0x4000  }
0x70: {  	s29 =	smov.u32 s31;
	s31 =	sadd.s32 s5, s14;
	[sflag:s17] =	ssyncset.done $0x0  }
0x71: {  	s0 =	sadd.s32 s0, s31;
	s1 =	sadd.s32 s6, s14;
	[sflag:s17] =	ssyncadd.s32 $0xFFFFC000  }
0x72: {  	[tilespmem:s20], [sflag:$0x2] =	stream.linear.gather [hbm4b:s0+s3], $0x80, $0x38;
	[tilespmem:$0x1C200] =	vst v63  }
0x73: {  	s1 =	sadd.s32 s13, s1  }
0x74: {  	[tilespmem:s22], [sflag:$0x2] =	stream.linear.gather [hbm4b:s1+s3], $0x80, $0x38;
	[tilespmem:$0x1C200] =	vst v63  }
0x75: {  	_ =	swait.ge [sflag:s23], $0x80  }
0x76: {  	[sflag:s23] =	ssyncset.done $0x0  }
0x77: {  	[sflag:s23] =	ssyncadd.s32 $0xFFFFFF80  }
0x78: {  	_ =	swait.ge [sflag:s23], $0x80  }
0x79: {  	[sflag:s23] =	ssyncset.done $0x0  }
0x7a: {  	p0 =	sne.s32 s30, $0x9F0;
	[sflag:s23] =	ssyncadd.s32 $0xFFFFFF80  }
0x7b: {  	[tilespmem:s24], [sflag:$0x4] =	stream.indirect.gather [hbm4b:s4+s20], $0x80, s20, s20, $0xb8;
	[tilespmem:$0x1C200] =	vst v63  }
.Ltmp0:
0x7c: {  	_ =	swait.ge [sflag:s25], $0x4000;
	(pc) =	sbr.rel @p0 .LBB2_2-.Ltmp0, $4  }
0x7d: {  	[sflag:s25] =	ssyncset.done $0x0  }
0x7e: {  	[sflag:s25] =	ssyncadd.s32 $0xFFFFC000  }
0x7f: {  	[spmem:s2] =	stream.indirect.scatter.add.f32 [tilespmem:s21], [sflag:$0x5], $0x80, s18, s20, $0xb8;
	[tilespmem:$0x1C200] =	vst v63  }
0x80: {  	s30 =	sadd.s32 $0x20, s30;
	_ =	swait.ge [sflag:s17], $0x4000  }
0x81: {  	s0 =	rddreg [dreg:$0x4]  }
0x82: {  	s1 =	sadd.s32 $0xFFFFFFF0, s29;
	s0 =	sadd.s32 s29, s0  }
0x83: {  	[sflag:s17] =	ssyncset.done $0x0;
	s1 =	sand.u32 $0x60, s1;
	s7 =	sadd.s32 $0xFFFFFFF0, s0  }
0x84: {  	s31 =	sadd.s32 s29, s8;
	s12 =	sadd.s32 s5, s1;
	s7 =	sand.u32 $0x3FF80, s7  }
0x85: {  	[sflag:s17] =	ssyncadd.s32 $0xFFFFC000;
	s13 =	sadd.s32 $0xFFFFFFF0, s31;
	s7 =	sadd.s32 s7, s12  }
0x86: {  	[tilespmem:s3], [sflag:$0x1] =	stream.linear.gather [hbm4b:s7+s3], $0x80, $0x38;
	[tilespmem:$0x1C200] =	vst v63  }
0x87: {  	s1 =	sadd.s32 s6, s1;
	s7 =	sand.u32 $0x1FF80, s13  }
0x88: {  	s1 =	sadd.s32 s7, s1  }
0x89: {  	[tilespmem:s18], [sflag:$0x1] =	stream.linear.gather [hbm4b:s1+s3], $0x80, $0x38;
	[tilespmem:$0x1C200] =	vst v63  }
0x8a: {  	_ =	swait.ge [sflag:s19], $0x80  }
0x8b: {  	[sflag:s19] =	ssyncset.done $0x0  }
0x8c: {  	[sflag:s19] =	ssyncadd.s32 $0xFFFFFF80  }
0x8d: {  	_ =	swait.ge [sflag:s19], $0x80  }
0x8e: {  	[sflag:s19] =	ssyncset.done $0x0  }
0x8f: {  	[sflag:s19] =	ssyncadd.s32 $0xFFFFFF80  }
0x90: {  	[tilespmem:s21], [sflag:$0x3] =	stream.indirect.gather [hbm4b:s4+s20], $0x80, s3, s20, $0xb8;
	[tilespmem:$0x1C200] =	vst v63  }
0x91: {  	_ =	swait.ge [sflag:s26], $0x4000  }
0x92: {  	[sflag:s26] =	ssyncset.done $0x0  }
0x93: {  	s14 =	sand.u32 $0x70, s29;
	[sflag:s26] =	ssyncadd.s32 $0xFFFFC000  }
0x94: {  	[spmem:s2] =	stream.indirect.scatter.add.f32 [tilespmem:s24], [sflag:$0x5], $0x80, s22, s20, $0xb8;
	[tilespmem:$0x1C200] =	vst v63  }
0x95: {  	s29 =	sadd.s32 s5, s14;
	_ =	swait.ge [sflag:s17], $0x4000  }
0x96: {  	s30 =	sand.u32 $0x1FF80, s31;
	s0 =	sand.u32 $0x3FF80, s0;
	[sflag:s17] =	ssyncset.done $0x0  }
0x97: {  	s0 =	sadd.s32 s0, s29;
	s1 =	sadd.s32 s6, s14;
	[sflag:s17] =	ssyncadd.s32 $0xFFFFC000  }
0x98: {  	[tilespmem:s20], [sflag:$0x2] =	stream.linear.gather [hbm4b:s0+s3], $0x80, $0x38;
	[tilespmem:$0x1C200] =	vst v63  }
0x99: {  	s0 =	sadd.s32 s30, s1  }
0x9a: {  	[tilespmem:s22], [sflag:$0x2] =	stream.linear.gather [hbm4b:s0+s3], $0x80, $0x38;
	[tilespmem:$0x1C200] =	vst v63  }
0x9b: {  	_ =	swait.ge [sflag:s23], $0x80  }
0x9c: {  	[sflag:s23] =	ssyncset.done $0x0  }
0x9d: {  	[sflag:s23] =	ssyncadd.s32 $0xFFFFFF80  }
0x9e: {  	_ =	swait.ge [sflag:s23], $0x80  }
0x9f: {  	[sflag:s23] =	ssyncset.done $0x0  }
0xa0: {  	[sflag:s23] =	ssyncadd.s32 $0xFFFFFF80  }
0xa1: {  	[tilespmem:s24], [sflag:$0x4] =	stream.indirect.gather [hbm4b:s4+s20], $0x80, s20, s20, $0xb8;
	[tilespmem:$0x1C200] =	vst v63  }
0xa2: {  	_ =	swait.ge [sflag:s25], $0x4000  }
0xa3: {  	[sflag:s25] =	ssyncset.done $0x0  }
0xa4: {  	[sflag:s25] =	ssyncadd.s32 $0xFFFFC000  }
0xa5: {  	[spmem:s2] =	stream.indirect.scatter.add.f32 [tilespmem:s21], [sflag:$0x5], $0x80, s18, s20, $0xb8;
	[tilespmem:$0x1C200] =	vst v63  }
0xa6: {  	_ =	swait.ge [sflag:s17], $0x4000  }
0xa7: {  	[sflag:s17] =	ssyncset.done $0x0  }
0xa8: {  	[sflag:s17] =	ssyncadd.s32 $0xFFFFC000  }
0xa9: {  	_ =	swait.ge [sflag:s26], $0x4000  }
0xaa: {  	[sflag:s26] =	ssyncset.done $0x0  }
0xab: {  	[sflag:s26] =	ssyncadd.s32 $0xFFFFC000  }
0xac: {  	[spmem:s2] =	stream.indirect.scatter.add.f32 [tilespmem:s24], [sflag:$0x5], $0x80, s22, s20, $0xb8;
	[tilespmem:$0x1C200] =	vst v63  }
0xad: {  	_ =	swait.ge [sflag:s17], $0x4000  }
0xae: {  	[sflag:s17] =	ssyncset.done $0x0  }
0xaf: {  	s28 =	sadd.s32 $0x1, s28;
	[sflag:s17] =	ssyncadd.s32 $0xFFFFC000  }
0xb0: {  	p0 =	sne.s32 s28, s15;
	[bflag:$0x0] =	sbarrier.arrive $0xFFFF  }
.Ltmp1:
0xb1: {  	s31 =	rddreg [dreg:$0x8];
	(pc) =	sbr.rel @p0 .LBB2_1-.Ltmp1, $4  }
0xb2: {  	[hbm:s31], [sflag:s9] =	dma.local [spmem:s16], $0x2800  }
0xb3: {  	_ =	swait.ge [sflag:s17], $0x2800  }
0xb4: {  	[sflag:s17] =	ssyncset.done $0x0  }
0xb5: {  	[sflag:s17] =	ssyncadd.s32 $0xFFFFD800  }
0xb6: {  	_ =	sfence.sel $0x180000  }
0xb7: {  	[bflag:$0x0] =	sbarrier.arrive $0xFFFF  }
0xb8: {  	_ =	strace $0x90000050  }
0xb9: {  	s0 =	stileid.u32;
	[bflag:$0x2] =	sbarrier.arrive $0xFFFF  }
0xba: {  	p0 =	sne.s32 s0, $0x0;
	s0 =	rddreg [dreg:$0x3]  }
0xbb: {  	s0 =	sadd.s32 @!p0 $0x100000, s0  }
0xbc: {  	[sflag:s0] =	ssyncadd.tile.s32 @!p0 $0x1;
	_ =	shalt  }
.Lfunc_end2:
_tile_overlayer_lowered:
.L_overlay_start_2:
0xbd: {  	(tag) =	ssettag $0x2  }
0xbe: {  	s0 =	rddreg [dreg:$0x0];
	s2 =	stileid.u32  }
0xbf: {  	s1 =	rddreg [dreg:$0x1];
	p0 =	sne.s32 s2, $0x0  }
0xc0: {  	s3 =	rddreg [dreg:$0x2];
	[bflag:$0x3] =	sbarrier.arrive $0xFFFF;
	s2 =	simm.s32 @!p0 $0x1C05  }
0xc1: {  	[timem:s3], [sflag:s2] =	dma.local @!p0 [hbm:s0], s1  }
0xc2: {  	s0 =	simm.s32 @!p0 $0x5  }
0xc3: {  	_ =	swait.ge @!p0 [sflag:s0], s1  }
0xc4: {  	s1 =	ssub.s32 @!p0 $0x0, s1;
	[sflag:s0] =	ssyncset.done @!p0 $0x0  }
0xc5: {  	[sflag:s0] =	ssyncadd.s32 @!p0 s1  }
0xc6: {  	[bflag:$0x3] =	sbarrier.arrive $0xFFFF  }
0xc7: {  	_ =	shalt  }

</sc_bundles>
